<compile_context>
chip_gen: v7x
topology: tpu7x:2x2x1
jax: 0.10.2.dev20260603
libtpu: 0.0.44.dev20260713+nightly
codegen_flags: <defaults>
</compile_context>

<pallas_src>
import functools
import math

import jax
import jax.numpy as jnp
from jax import lax
from jax.experimental import pallas as pl
from jax.experimental.pallas import tpu as pltpu
from jax.experimental.pallas import tpu_sc as plsc

N = 10000
E = 320000
H = 128
NH = 2
HD = H // NH
FF = 512

NP = 10240
TR = 512
TRA = 512
CB = 512
NPB = NP // TR

NSC = 2
NTI = 16
EPT = 10240
ECH = EPT // 128
EPAD = NSC * NTI * EPT

BN_SCALE = float(1.0 / math.sqrt(1.0 + 1e-5))
ATT_SCALE = float(1.0 / math.sqrt(HD))


R0 = 152
R1 = 8
PH = 8


@functools.cache
def _sc_scatter_kernel():
    return functools.partial(
        pl.kernel,
        out_type=jax.ShapeDtypeStruct((NSC * NP, H), jnp.float32),
        mesh=plsc.VectorSubcoreMesh(core_axis_name="c", subcore_axis_name="s"),
        scratch_types=[
            pltpu.VMEM_SHARED((NP, H), jnp.float32),
            pltpu.VMEM((PH, 128), jnp.int32),
            pltpu.VMEM((PH, 128), jnp.int32),
            pltpu.VMEM((128, H), jnp.float32),
            pltpu.VMEM((128, H), jnp.float32),
            *([pltpu.SemaphoreType.DMA] * 4),
        ],
    )(_sc_scatter_body)


def _sc_scatter_rows(x_hbm, src2, dst2):
    return _sc_scatter_kernel()(x_hbm, src2, dst2)


def _sc_scatter_body(x_hbm, src_hbm, dst_hbm, out_hbm, acc_sh, src_v, dst_v,
                     rows0, rows1, gsem0, gsem1, ssem0, ssem1):
    cid = lax.axis_index("c")
    if R1 == 0:
        @pl.when(cid == 0)
        def _():
            _sc_scatter_core(cid, x_hbm, src_hbm, dst_hbm, out_hbm, acc_sh,
                             src_v, dst_v, rows0, rows1, gsem0, gsem1,
                             ssem0, ssem1)
    else:
        _sc_scatter_core(cid, x_hbm, src_hbm, dst_hbm, out_hbm, acc_sh,
                         src_v, dst_v, rows0, rows1, gsem0, gsem1, ssem0,
                         ssem1)


def _sc_scatter_core(cid, x_hbm, src_hbm, dst_hbm, out_hbm, acc_sh, src_v,
                     dst_v, rows0, rows1, gsem0, gsem1, ssem0, ssem1):
    rows = (rows0, rows1)
    gsem = (gsem0, gsem1)
    ssem = (ssem0, ssem1)
    sid = lax.axis_index("s")
    rpt = NP // NTI
    row0 = sid * rpt

    zero16 = jnp.zeros((16,), jnp.float32)

    def _zero_row(i, carry):
        for j in range(H // 16):
            rows0[i, pl.ds(16 * j, 16)] = zero16
        return carry

    lax.fori_loop(0, 128, _zero_row, 0)

    for i in range(rpt // 128):
        pltpu.sync_copy(rows0, acc_sh.at[pl.ds(row0 + 128 * i, 128)])
    plsc.subcore_barrier()

    n_ph = jnp.where(cid == 0, R0 // PH, R1 // PH)
    t_base = jnp.where(cid == 0, sid * R0, NTI * R0 + sid * R1)

    def _issue_gather(c, b):
        pltpu.async_copy(x_hbm.at[src_v.at[c]], rows[b], gsem[b])

    def _wait_gather(b):
        pltpu.make_async_copy(x_hbm.at[src_v.at[0]], rows[b], gsem[b]).wait()

    def _issue_scatter(c, b):
        pltpu.async_copy(rows[b], acc_sh.at[dst_v.at[c]], ssem[b], add=True)

    def _wait_scatter(b):
        pltpu.make_async_copy(rows[b], acc_sh.at[dst_v.at[0]],
                              ssem[b]).wait()

    def _phase(p, carry):
        cb = t_base + p * PH
        pltpu.sync_copy(src_hbm.at[pl.ds(cb, PH)], src_v)
        pltpu.sync_copy(dst_hbm.at[pl.ds(cb, PH)], dst_v)
        _issue_gather(0, 0)
        _issue_gather(1, 1)
        _wait_gather(0)
        _issue_scatter(0, 0)

        def _step(g, inner):
            for b in range(2):
                c = 2 * g + b
                _wait_scatter(b)
                _issue_gather(c, b)
                b2 = 1 - b
                _wait_gather(b2)
                _issue_scatter(c - 1, b2)
            return inner

        lax.fori_loop(1, PH // 2, _step, 0)

        _wait_gather(1)
        _issue_scatter(PH - 1, 1)
        _wait_scatter(0)
        _wait_scatter(1)
        return carry

    lax.fori_loop(0, n_ph, _phase, 0)

    plsc.subcore_barrier()
    out0 = cid * NP + row0
    pltpu.sync_copy(acc_sh.at[pl.ds(row0, rpt)],
                    out_hbm.at[pl.ds(out0, rpt)])


def _dgT(a, w):
    return lax.dot_general(a, w, (((1,), (1,)), ((), ())),
                           preferred_element_type=jnp.float32)


def _layer_norm(a, g, b):
    m = jnp.mean(a, axis=-1, keepdims=True)
    d = a - m
    v = jnp.mean(d * d, axis=-1, keepdims=True)
    return d / jnp.sqrt(v + 1e-5) * g + b


def _mlp_body(x_ref, a0_ref, a1_ref, wa_ref, ba_ref, wb_ref, bb_ref, g_ref,
              be_ref, o_ref):
    t = x_ref[...] + a0_ref[...] + a1_ref[...]
    u = jnp.maximum(_dgT(t, wa_ref[...]) + ba_ref[...], 0.0)
    h = _dgT(u, wb_ref[...]) + bb_ref[...]
    o_ref[...] = jnp.maximum(h * BN_SCALE * g_ref[...] + be_ref[...], 0.0)


def _mlp(x, a0, a1, wa, ba, wb, bb, g, be):
    row = pl.BlockSpec((TR, H), lambda r: (r, 0))
    full = lambda shape: pl.BlockSpec(shape, lambda r: (0, 0))
    return pl.pallas_call(
        _mlp_body,
        grid=(NPB,),
        in_specs=[row, row, row, full((H, H)), full((1, H)), full((H, H)),
                  full((1, H)), full((1, H)), full((1, H))],
        out_specs=row,
        out_shape=jax.ShapeDtypeStruct((NP, H), jnp.float32),
        compiler_params=pltpu.CompilerParams(
            dimension_semantics=("parallel",)),
    )(x, a0, a1, wa, ba, wb, bb, g, be)


def _mlp_qkv_body(h_ref, a0_ref, a1_ref, wa_ref, ba_ref, wb_ref, bb_ref,
                  g_ref, be_ref, bpos_ref, wqkv_ref, bqkv_ref,
                  nodes_ref, q_ref, k_ref, v_ref):
    t = h_ref[...] + a0_ref[...] + a1_ref[...]
    u = jnp.maximum(_dgT(t, wa_ref[...]) + ba_ref[...], 0.0)
    h2 = _dgT(u, wb_ref[...]) + bb_ref[...]
    h2 = jnp.maximum(h2 * BN_SCALE * g_ref[...] + be_ref[...], 0.0)
    nodes = h2 + bpos_ref[...]
    qkv = _dgT(nodes, wqkv_ref[...]) + bqkv_ref[...]
    nodes_ref[...] = nodes
    q_ref[...] = qkv[:, 0:H]
    k_ref[...] = qkv[:, H:2 * H]
    v_ref[...] = qkv[:, 2 * H:3 * H]


def _mlp_qkv(h, a0, a1, wa, ba, wb, bb, g, be, bpos, wqkv, bqkv):
    row = pl.BlockSpec((TR, H), lambda r: (r, 0))
    full = lambda shape: pl.BlockSpec(shape, lambda r: (0, 0))
    outs = jax.ShapeDtypeStruct((NP, H), jnp.float32)
    return pl.pallas_call(
        _mlp_qkv_body,
        grid=(NPB,),
        in_specs=[row, row, row, full((H, H)), full((1, H)), full((H, H)),
                  full((1, H)), full((1, H)), full((1, H)), full((1, H)),
                  full((3 * H, H)), full((1, 3 * H))],
        out_specs=[row, row, row, row],
        out_shape=[outs, outs, outs, outs],
        compiler_params=pltpu.CompilerParams(
            dimension_semantics=("parallel",)),
    )(h, a0, a1, wa, ba, wb, bb, g, be, bpos, wqkv, bqkv)


def _attn_body(nodes_ref, q_ref, k_ref, v_ref, br_ref, bc_ref, wo_ref, bo_ref,
               lg1_ref, lb1_ref, wf1_ref, bf1_ref, wf2_ref, bf2_ref, lg2_ref,
               lb2_ref, o_ref):
    br = br_ref[...]
    bc = bc_ref[...]
    b_lo = jnp.min(br)
    b_hi = jnp.max(br)
    jstart = jnp.sum((bc < b_lo).astype(jnp.int32))
    jend = jnp.sum((bc <= b_hi).astype(jnp.int32))
    jb0 = jstart // CB
    jb1 = (jend + CB - 1) // CB

    q = q_ref[...] * ATT_SCALE
    outs = []
    for hh in range(NH):
        qh = q[:, hh * HD:(hh + 1) * HD]

        def body(j, carry, qh=qh, hh=hh):
            m, l, acc = carry
            off = pl.multiple_of(j * CB, CB)
            kh = k_ref[pl.ds(off, CB), :][:, hh * HD:(hh + 1) * HD]
            vh = v_ref[pl.ds(off, CB), :][:, hh * HD:(hh + 1) * HD]
            s = lax.dot_general(qh, kh, (((1,), (1,)), ((), ())),
                                preferred_element_type=jnp.float32)
            bcj = bc_ref[:, pl.ds(off, CB)]
            msk = br == bcj
            s = jnp.where(msk, s, -1e30)
            mnew = jnp.maximum(m, jnp.max(s, axis=1, keepdims=True))
            p = jnp.where(msk, jnp.exp(s - mnew), 0.0)
            corr = jnp.exp(m - mnew)
            l2 = l * corr + jnp.sum(p, axis=1, keepdims=True)
            acc2 = acc * corr + lax.dot_general(
                p, vh, (((1,), (0,)), ((), ())),
                preferred_element_type=jnp.float32)
            return mnew, l2, acc2

        init = (jnp.full((TRA, 1), -1e30, jnp.float32),
                jnp.zeros((TRA, 1), jnp.float32),
                jnp.zeros((TRA, HD), jnp.float32))
        m, l, acc = lax.fori_loop(jb0, jb1, body, init)
        outs.append(acc / l)

    o = jnp.concatenate(outs, axis=1)
    attn = _dgT(o, wo_ref[...]) + bo_ref[...]
    r1 = _layer_norm(nodes_ref[...] + attn, lg1_ref[...], lb1_ref[...])
    f = jnp.maximum(_dgT(r1, wf1_ref[...]) + bf1_ref[...], 0.0)
    f = _dgT(f, wf2_ref[...]) + bf2_ref[...]
    o_ref[...] = _layer_norm(r1 + f, lg2_ref[...], lb2_ref[...])


def _attn(nodes, q, k, v, br, bc, wo, bo, lg1, lb1, wf1, bf1, wf2, bf2, lg2,
          lb2):
    row = pl.BlockSpec((TRA, H), lambda r: (r, 0))
    full = lambda shape: pl.BlockSpec(shape, lambda r: (0, 0))
    return pl.pallas_call(
        _attn_body,
        grid=(NP // TRA,),
        in_specs=[row, row, full((NP, H)), full((NP, H)),
                  pl.BlockSpec((TRA, 1), lambda r: (r, 0)), full((1, NP)),
                  full((H, H)), full((1, H)), full((1, H)), full((1, H)),
                  full((FF, H)), full((1, FF)), full((H, FF)), full((1, H)),
                  full((1, H)), full((1, H))],
        out_specs=row,
        out_shape=jax.ShapeDtypeStruct((NP, H), jnp.float32),
        compiler_params=pltpu.CompilerParams(
            dimension_semantics=("arbitrary",)),
    )(nodes, q, k, v, br, bc, wo, bo, lg1, lb1, wf1, bf1, wf2, bf2, lg2, lb2)


def kernel(x, edge_index, batch, W1a, b1a, W1b, b1b, g1, be1, W2a, b2a, W2b,
           b2b, g2, be2, Wpos, bpos, Wqkv, bqkv, Wo, bo, lng1, lnb1, Wf1,
           bf1, Wf2, bf2, lng2, lnb2):
    x_p = jnp.pad(x, ((0, NP - N), (0, 0)))
    batch_i = batch.astype(jnp.int32)
    batch_p = jnp.pad(batch_i, (0, NP - N),
                      constant_values=jnp.iinfo(jnp.int32).max)
    br = batch_p.reshape(NP, 1)
    bc = batch_p.reshape(1, NP)
    src = edge_index[0].astype(jnp.int32)
    dst = edge_index[1].astype(jnp.int32)
    src2 = jnp.pad(src, (0, EPAD - E)).reshape(EPAD // 128, 128)
    dst2 = jnp.pad(dst, (0, EPAD - E), constant_values=N).reshape(
        EPAD // 128, 128)

    r1 = lambda a: a.reshape(1, -1)

    zagg = jnp.zeros((NP, H), jnp.float32)
    aggp = _sc_scatter_rows(x_p, src2, dst2)
    a1 = aggp[NP:] if R1 > 0 else zagg
    h = _mlp(x_p, aggp[:NP], a1, W1a, r1(b1a), W1b, r1(b1b), r1(g1),
             r1(be1))
    agg2p = _sc_scatter_rows(h, src2, dst2)
    a2 = agg2p[NP:] if R1 > 0 else zagg
    nodes, q, k, v = _mlp_qkv(h, agg2p[:NP], a2, W2a, r1(b2a), W2b,
                              r1(b2b), r1(g2), r1(be2), r1(bpos), Wqkv,
                              r1(bqkv))
    out = _attn(nodes, q, k, v, br, bc, Wo, r1(bo), r1(lng1), r1(lnb1), Wf1,
                r1(bf1), Wf2, r1(bf2), r1(lng2), r1(lnb2))
    return out[:N]

# --- scband reference (transcript-rebuilt; emitter-appended) ---
"""Pipeline reference for scband-drug-representation-module-53326313947260 (READ-ONLY COPY).

The authoritative reference and input builder live on the scoring server;
editing this copy changes nothing except your own understanding.
"""

import jax, jax.numpy as jnp
import numpy as np

N = 10000
E = 320000
DIN = 128
H = 128
NH = 2
KPOS = 20
FF = 512
NG = 100

def setup_inputs(seed: int = 0):
    key = jax.random.key(seed)
    ks = jax.random.split(key, 30)
    def rn(i, shape, s=0.05):
        return jax.random.normal(ks[i], shape, dtype=jnp.float32) * s
    inp = {}
    inp["x"] = jax.random.normal(ks[0], (N, DIN), dtype=jnp.float32)
    inp["edge_index"] = jax.random.randint(ks[1], (2, E), 0, N)
    inp["batch"] = jnp.sort(jax.random.randint(ks[2], (N,), 0, NG))
    inp["W1a"] = rn(3, (H, DIN)); inp["b1a"] = rn(4, (H,))
    inp["W1b"] = rn(5, (H, H)); inp["b1b"] = rn(6, (H,))
    inp["g1"] = jnp.ones((H,), jnp.float32); inp["be1"] = jnp.zeros((H,), jnp.float32)
    inp["W2a"] = rn(7, (H, H)); inp["b2a"] = rn(8, (H,))
    inp["W2b"] = rn(9, (H, H)); inp["b2b"] = rn(10, (H,))
    inp["g2"] = jnp.ones((H,), jnp.float32); inp["be2"] = jnp.zeros((H,), jnp.float32)
    inp["Wpos"] = rn(11, (H, KPOS)); inp["bpos"] = rn(12, (H,))
    inp["Wqkv"] = rn(13, (3 * H, H)); inp["bqkv"] = rn(14, (3 * H,))
    inp["Wo"] = rn(15, (H, H)); inp["bo"] = rn(16, (H,))
    inp["lng1"] = jnp.ones((H,), jnp.float32); inp["lnb1"] = jnp.zeros((H,), jnp.float32)
    inp["Wf1"] = rn(17, (FF, H)); inp["bf1"] = rn(18, (FF,))
    inp["Wf2"] = rn(19, (H, FF)); inp["bf2"] = rn(20, (H,))
    inp["lng2"] = jnp.ones((H,), jnp.float32); inp["lnb2"] = jnp.zeros((H,), jnp.float32)
    return inp

def _ln(h, g, b, eps=1e-5):
    m = jnp.mean(h, -1, keepdims=True)
    v = jnp.var(h, -1, keepdims=True)
    return (h - m) / jnp.sqrt(v + eps) * g + b

def _forward(x, W1a, b1a, W1b, b1b, g1, be1, W2a, b2a, W2b, b2b, g2, be2, Wpos, bpos, Wqkv, bqkv, Wo, bo, lng1, lnb1, Wf1, bf1, Wf2, bf2, lng2, lnb2, src, dst, batch):
    bn_scale = float(1.0 / np.sqrt(1.0 + 1e-5))
    # GINConv 1 (eps=0): out[i] = mlp(x[i] + sum_{j->i} x[j])
    agg = jnp.zeros_like(x).at[dst].add(x[src])
    h = x + agg
    h = jnp.maximum(h @ W1a.T + b1a, 0.0) @ W1b.T + b1b
    # BatchNorm1d eval (running_mean=0, running_var=1) then ReLU
    h = jnp.maximum(h * bn_scale * g1 + be1, 0.0)
    # GINConv 2
    agg2 = jnp.zeros_like(h).at[dst].add(h[src])
    h2 = h + agg2
    h2 = jnp.maximum(h2 @ W2a.T + b2a, 0.0) @ W2b.T + b2b
    h2 = jnp.maximum(h2 * bn_scale * g2 + be2, 0.0)
    # GraphTransformerLayer: per-graph self-attention; laplacian pos_enc falls back to zeros
    hd = H // NH
    scale = float(np.sqrt(hd))
    n = h2.shape[0]
    nodes = h2
    pos = jnp.zeros((n, KPOS), jnp.float32) @ Wpos.T + bpos
    nodes = nodes + pos
    qkv = nodes @ Wqkv.T + bqkv
    q, k, v = jnp.split(qkv, 3, axis=-1)
    q = q.reshape(n, NH, hd).transpose(1, 0, 2)
    k = k.reshape(n, NH, hd).transpose(1, 0, 2)
    v = v.reshape(n, NH, hd).transpose(1, 0, 2)
    scores = jnp.einsum('hnd,hmd->hnm', q, k) / scale
    same_graph = batch[None, :, None] == batch[None, None, :]
    scores = jnp.where(same_graph, scores, -jnp.inf)
    att = jax.nn.softmax(scores, axis=-1)
    o = jnp.einsum('hnm,hmd->hnd', att, v).transpose(1, 0, 2).reshape(n, H)
    o = o @ Wo.T + bo
    nodes = _ln(nodes + o, lng1, lnb1)
    f = jnp.maximum(nodes @ Wf1.T + bf1, 0.0) @ Wf2.T + bf2
    nodes = _ln(nodes + f, lng2, lnb2)
    return nodes

def reference(x, edge_index, batch, W1a, b1a, W1b, b1b, g1, be1, W2a, b2a, W2b, b2b, g2, be2, Wpos, bpos, Wqkv, bqkv, Wo, bo, lng1, lnb1, Wf1, bf1, Wf2, bf2, lng2, lnb2):
    src = edge_index[0]
    dst = edge_index[1]
    return _forward(x, W1a, b1a, W1b, b1b, g1, be1, W2a, b2a, W2b, b2b, g2, be2, Wpos, bpos, Wqkv, bqkv, Wo, bo, lng1, lnb1, Wf1, bf1, Wf2, bf2, lng2, lnb2, src, dst, batch)

if __name__ == "__main__":
    import jax
    _d = setup_inputs()
    print(jax.jit(kernel)(*tuple(_d.values())))

</pallas_src>

<mosaic_0001>
#map = affine_map<(d0, d1) -> (0, 0)>
module attributes {stable_mosaic.version = 14 : i64} {
  func.func @_sc_scatter_body(%arg0: i32, %arg1: i32, %arg2: memref<10240x128xf32, #tpu.memory_space<hbm>>, %arg3: memref<2560x128xi32, #tpu.memory_space<hbm>>, %arg4: memref<2560x128xi32, #tpu.memory_space<hbm>>, %arg5: memref<20480x128xf32, #tpu.memory_space<hbm>>, %arg6: memref<10240x128xf32, #tpu.memory_space<vmem_shared>>, %arg7: memref<8x128xi32, #tpu.memory_space<vmem>>, %arg8: memref<8x128xi32, #tpu.memory_space<vmem>>, %arg9: memref<128x128xf32, #tpu.memory_space<vmem>>, %arg10: memref<128x128xf32, #tpu.memory_space<vmem>>, %arg11: memref<!tpu.dma_semaphore, #tpu.memory_space<semaphore_mem>>, %arg12: memref<!tpu.dma_semaphore, #tpu.memory_space<semaphore_mem>>, %arg13: memref<!tpu.dma_semaphore, #tpu.memory_space<semaphore_mem>>, %arg14: memref<!tpu.dma_semaphore, #tpu.memory_space<semaphore_mem>>) attributes {dimension_semantics = [#tpu.dimension_semantics<core_parallel>, #tpu.dimension_semantics<subcore_parallel>], iteration_bounds = array<i64: 2, 16>, scalar_prefetch = 0 : i64, scratch_operands = 9 : i64, tpu.core_type = #tpu.core_type<sc_vector_subcore>, window_params = [{transform_indices = #map}, {transform_indices = #map}, {transform_indices = #map}, {transform_indices = #map}]} {
    %mul3A = arith.constant 640 : i32
    %mul3A_0 = arith.muli %arg1, %mul3A : i32
    %broadcast_in_dim3A = arith.constant 0.000000e+00 : f32
    %broadcast_in_dim3A_1 = vector.broadcast %broadcast_in_dim3A : f32 to vector<16xf32>
    %scan3A = arith.constant 0 : i32
    %scan3A_2 = arith.constant 0 : i32
    %scan3A_3 = arith.constant 128 : i32
    %scan3A_4 = arith.addi %scan3A_2, %scan3A_3 : i32
    %scan3A_5 = arith.constant 1 : i32
    scf.for %scan3A_40 = %scan3A_2 to %scan3A_4 step %scan3A_5  : i32 {
      %swap3A = arith.index_cast %scan3A_40 : i32 to index
      %swap3A_41 = arith.constant 0 : index
      %swap3A_42 = tpu.vector_load %arg9[%swap3A, %swap3A_41] {strides = array<i32>} : memref<128x128xf32, #tpu.memory_space<vmem>>, vector<1x16xf32>,
      %swap3A_43 = vector.shape_cast %swap3A_42 : vector<1x16xf32> to vector<16xf32>
      %swap3A_44 = vector.shape_cast %broadcast_in_dim3A_1 : vector<16xf32> to vector<1x16xf32>
      tpu.vector_store %arg9[%swap3A, %swap3A_41], %swap3A_44 {strides = array<i32>} : memref<128x128xf32, #tpu.memory_space<vmem>>, vector<1x16xf32>,
      %swap3A_45 = arith.index_cast %scan3A_40 : i32 to index
      %swap3A_46 = arith.constant 16 : index
      %swap3A_47 = tpu.vector_load %arg9[%swap3A_45, %swap3A_46] {strides = array<i32>} : memref<128x128xf32, #tpu.memory_space<vmem>>, vector<1x16xf32>,
      %swap3A_48 = vector.shape_cast %swap3A_47 : vector<1x16xf32> to vector<16xf32>
      %swap3A_49 = vector.shape_cast %broadcast_in_dim3A_1 : vector<16xf32> to vector<1x16xf32>
      tpu.vector_store %arg9[%swap3A_45, %swap3A_46], %swap3A_49 {strides = array<i32>} : memref<128x128xf32, #tpu.memory_space<vmem>>, vector<1x16xf32>,
      %swap3A_50 = arith.index_cast %scan3A_40 : i32 to index
      %swap3A_51 = arith.constant 32 : index
      %swap3A_52 = tpu.vector_load %arg9[%swap3A_50, %swap3A_51] {strides = array<i32>} : memref<128x128xf32, #tpu.memory_space<vmem>>, vector<1x16xf32>,
      %swap3A_53 = vector.shape_cast %swap3A_52 : vector<1x16xf32> to vector<16xf32>
      %swap3A_54 = vector.shape_cast %broadcast_in_dim3A_1 : vector<16xf32> to vector<1x16xf32>
      tpu.vector_store %arg9[%swap3A_50, %swap3A_51], %swap3A_54 {strides = array<i32>} : memref<128x128xf32, #tpu.memory_space<vmem>>, vector<1x16xf32>,
      %swap3A_55 = arith.index_cast %scan3A_40 : i32 to index
      %swap3A_56 = arith.constant 48 : index
      %swap3A_57 = tpu.vector_load %arg9[%swap3A_55, %swap3A_56] {strides = array<i32>} : memref<128x128xf32, #tpu.memory_space<vmem>>, vector<1x16xf32>,
      %swap3A_58 = vector.shape_cast %swap3A_57 : vector<1x16xf32> to vector<16xf32>
      %swap3A_59 = vector.shape_cast %broadcast_in_dim3A_1 : vector<16xf32> to vector<1x16xf32>
      tpu.vector_store %arg9[%swap3A_55, %swap3A_56], %swap3A_59 {strides = array<i32>} : memref<128x128xf32, #tpu.memory_space<vmem>>, vector<1x16xf32>,
      %swap3A_60 = arith.index_cast %scan3A_40 : i32 to index
      %swap3A_61 = arith.constant 64 : index
      %swap3A_62 = tpu.vector_load %arg9[%swap3A_60, %swap3A_61] {strides = array<i32>} : memref<128x128xf32, #tpu.memory_space<vmem>>, vector<1x16xf32>,
      %swap3A_63 = vector.shape_cast %swap3A_62 : vector<1x16xf32> to vector<16xf32>
      %swap3A_64 = vector.shape_cast %broadcast_in_dim3A_1 : vector<16xf32> to vector<1x16xf32>
      tpu.vector_store %arg9[%swap3A_60, %swap3A_61], %swap3A_64 {strides = array<i32>} : memref<128x128xf32, #tpu.memory_space<vmem>>, vector<1x16xf32>,
      %swap3A_65 = arith.index_cast %scan3A_40 : i32 to index
      %swap3A_66 = arith.constant 80 : index
      %swap3A_67 = tpu.vector_load %arg9[%swap3A_65, %swap3A_66] {strides = array<i32>} : memref<128x128xf32, #tpu.memory_space<vmem>>, vector<1x16xf32>,
      %swap3A_68 = vector.shape_cast %swap3A_67 : vector<1x16xf32> to vector<16xf32>
      %swap3A_69 = vector.shape_cast %broadcast_in_dim3A_1 : vector<16xf32> to vector<1x16xf32>
      tpu.vector_store %arg9[%swap3A_65, %swap3A_66], %swap3A_69 {strides = array<i32>} : memref<128x128xf32, #tpu.memory_space<vmem>>, vector<1x16xf32>,
      %swap3A_70 = arith.index_cast %scan3A_40 : i32 to index
      %swap3A_71 = arith.constant 96 : index
      %swap3A_72 = tpu.vector_load %arg9[%swap3A_70, %swap3A_71] {strides = array<i32>} : memref<128x128xf32, #tpu.memory_space<vmem>>, vector<1x16xf32>,
      %swap3A_73 = vector.shape_cast %swap3A_72 : vector<1x16xf32> to vector<16xf32>
      %swap3A_74 = vector.shape_cast %broadcast_in_dim3A_1 : vector<16xf32> to vector<1x16xf32>
      tpu.vector_store %arg9[%swap3A_70, %swap3A_71], %swap3A_74 {strides = array<i32>} : memref<128x128xf32, #tpu.memory_space<vmem>>, vector<1x16xf32>,
      %swap3A_75 = arith.index_cast %scan3A_40 : i32 to index
      %swap3A_76 = arith.constant 112 : index
      %swap3A_77 = tpu.vector_load %arg9[%swap3A_75, %swap3A_76] {strides = array<i32>} : memref<128x128xf32, #tpu.memory_space<vmem>>, vector<1x16xf32>,
      %swap3A_78 = vector.shape_cast %swap3A_77 : vector<1x16xf32> to vector<16xf32>
      %swap3A_79 = vector.shape_cast %broadcast_in_dim3A_1 : vector<16xf32> to vector<1x16xf32>
      tpu.vector_store %arg9[%swap3A_75, %swap3A_76], %swap3A_79 {strides = array<i32>} : memref<128x128xf32, #tpu.memory_space<vmem>>, vector<1x16xf32>,
    }
    %scan3A_6 = arith.constant 128 : i32
    %add3A = arith.constant 0 : i32
    %add3A_7 = arith.addi %mul3A_0, %add3A : i32
    "tpu.region"() ({
      %run_scoped3A = tpu.sem_alloc : memref<!tpu.dma_semaphore, #tpu.memory_space<semaphore_mem>>
      %dma_start3A = arith.constant 0 : i32
      %dma_start3A_40 = tpu.memref_slice %arg6[%add3A_7, %dma_start3A] : memref<10240x128xf32, #tpu.memory_space<vmem_shared>> -> memref<128x128xf32, #tpu.memory_space<vmem_shared>>
      %dma_start3A_41 = arith.constant 0 : i32
      %dma_start3A_42 = tpu.memref_slice %arg6[%add3A_7, %dma_start3A_41] : memref<10240x128xf32, #tpu.memory_space<vmem_shared>> -> memref<128x128xf32, #tpu.memory_space<vmem_shared>>
      tpu.enqueue_dma source(%arg9 : memref<128x128xf32, #tpu.memory_space<vmem>>) target(%dma_start3A_42 : memref<128x128xf32, #tpu.memory_space<vmem_shared>>) target_semaphore(%run_scoped3A : memref<!tpu.dma_semaphore, #tpu.memory_space<semaphore_mem>>)
      %dma_wait3A = arith.constant 0 : i32
      %dma_wait3A_43 = tpu.memref_slice %arg6[%add3A_7, %dma_wait3A] : memref<10240x128xf32, #tpu.memory_space<vmem_shared>> -> memref<128x128xf32, #tpu.memory_space<vmem_shared>>
      %dma_wait3A_44 = arith.constant 0 : i32
      %dma_wait3A_45 = tpu.memref_slice %arg6[%add3A_7, %dma_wait3A_44] : memref<10240x128xf32, #tpu.memory_space<vmem_shared>> -> memref<128x128xf32, #tpu.memory_space<vmem_shared>>
      tpu.wait_dma2 semaphore(%run_scoped3A : memref<!tpu.dma_semaphore, #tpu.memory_space<semaphore_mem>>) src(%arg9 : memref<128x128xf32, #tpu.memory_space<vmem>>) dst(%dma_wait3A_45 : memref<128x128xf32, #tpu.memory_space<vmem_shared>>)
      tpu.yield
    }) : () -> ()
    %add3A_8 = arith.constant 128 : i32
    %add3A_9 = arith.addi %mul3A_0, %add3A_8 : i32
    "tpu.region"() ({
      %run_scoped3A = tpu.sem_alloc : memref<!tpu.dma_semaphore, #tpu.memory_space<semaphore_mem>>
      %dma_start3A = arith.constant 0 : i32
      %dma_start3A_40 = tpu.memref_slice %arg6[%add3A_9, %dma_start3A] : memref<10240x128xf32, #tpu.memory_space<vmem_shared>> -> memref<128x128xf32, #tpu.memory_space<vmem_shared>>
      %dma_start3A_41 = arith.constant 0 : i32
      %dma_start3A_42 = tpu.memref_slice %arg6[%add3A_9, %dma_start3A_41] : memref<10240x128xf32, #tpu.memory_space<vmem_shared>> -> memref<128x128xf32, #tpu.memory_space<vmem_shared>>
      tpu.enqueue_dma source(%arg9 : memref<128x128xf32, #tpu.memory_space<vmem>>) target(%dma_start3A_42 : memref<128x128xf32, #tpu.memory_space<vmem_shared>>) target_semaphore(%run_scoped3A : memref<!tpu.dma_semaphore, #tpu.memory_space<semaphore_mem>>)
      %dma_wait3A = arith.constant 0 : i32
      %dma_wait3A_43 = tpu.memref_slice %arg6[%add3A_9, %dma_wait3A] : memref<10240x128xf32, #tpu.memory_space<vmem_shared>> -> memref<128x128xf32, #tpu.memory_space<vmem_shared>>
      %dma_wait3A_44 = arith.constant 0 : i32
      %dma_wait3A_45 = tpu.memref_slice %arg6[%add3A_9, %dma_wait3A_44] : memref<10240x128xf32, #tpu.memory_space<vmem_shared>> -> memref<128x128xf32, #tpu.memory_space<vmem_shared>>
      tpu.wait_dma2 semaphore(%run_scoped3A : memref<!tpu.dma_semaphore, #tpu.memory_space<semaphore_mem>>) src(%arg9 : memref<128x128xf32, #tpu.memory_space<vmem>>) dst(%dma_wait3A_45 : memref<128x128xf32, #tpu.memory_space<vmem_shared>>)
      tpu.yield
    }) : () -> ()
    %add3A_10 = arith.constant 256 : i32
    %add3A_11 = arith.addi %mul3A_0, %add3A_10 : i32
    "tpu.region"() ({
      %run_scoped3A = tpu.sem_alloc : memref<!tpu.dma_semaphore, #tpu.memory_space<semaphore_mem>>
      %dma_start3A = arith.constant 0 : i32
      %dma_start3A_40 = tpu.memref_slice %arg6[%add3A_11, %dma_start3A] : memref<10240x128xf32, #tpu.memory_space<vmem_shared>> -> memref<128x128xf32, #tpu.memory_space<vmem_shared>>
      %dma_start3A_41 = arith.constant 0 : i32
      %dma_start3A_42 = tpu.memref_slice %arg6[%add3A_11, %dma_start3A_41] : memref<10240x128xf32, #tpu.memory_space<vmem_shared>> -> memref<128x128xf32, #tpu.memory_space<vmem_shared>>
      tpu.enqueue_dma source(%arg9 : memref<128x128xf32, #tpu.memory_space<vmem>>) target(%dma_start3A_42 : memref<128x128xf32, #tpu.memory_space<vmem_shared>>) target_semaphore(%run_scoped3A : memref<!tpu.dma_semaphore, #tpu.memory_space<semaphore_mem>>)
      %dma_wait3A = arith.constant 0 : i32
      %dma_wait3A_43 = tpu.memref_slice %arg6[%add3A_11, %dma_wait3A] : memref<10240x128xf32, #tpu.memory_space<vmem_shared>> -> memref<128x128xf32, #tpu.memory_space<vmem_shared>>
      %dma_wait3A_44 = arith.constant 0 : i32
      %dma_wait3A_45 = tpu.memref_slice %arg6[%add3A_11, %dma_wait3A_44] : memref<10240x128xf32, #tpu.memory_space<vmem_shared>> -> memref<128x128xf32, #tpu.memory_space<vmem_shared>>
      tpu.wait_dma2 semaphore(%run_scoped3A : memref<!tpu.dma_semaphore, #tpu.memory_space<semaphore_mem>>) src(%arg9 : memref<128x128xf32, #tpu.memory_space<vmem>>) dst(%dma_wait3A_45 : memref<128x128xf32, #tpu.memory_space<vmem_shared>>)
      tpu.yield
    }) : () -> ()
    %add3A_12 = arith.constant 384 : i32
    %add3A_13 = arith.addi %mul3A_0, %add3A_12 : i32
    "tpu.region"() ({
      %run_scoped3A = tpu.sem_alloc : memref<!tpu.dma_semaphore, #tpu.memory_space<semaphore_mem>>
      %dma_start3A = arith.constant 0 : i32
      %dma_start3A_40 = tpu.memref_slice %arg6[%add3A_13, %dma_start3A] : memref<10240x128xf32, #tpu.memory_space<vmem_shared>> -> memref<128x128xf32, #tpu.memory_space<vmem_shared>>
      %dma_start3A_41 = arith.constant 0 : i32
      %dma_start3A_42 = tpu.memref_slice %arg6[%add3A_13, %dma_start3A_41] : memref<10240x128xf32, #tpu.memory_space<vmem_shared>> -> memref<128x128xf32, #tpu.memory_space<vmem_shared>>
      tpu.enqueue_dma source(%arg9 : memref<128x128xf32, #tpu.memory_space<vmem>>) target(%dma_start3A_42 : memref<128x128xf32, #tpu.memory_space<vmem_shared>>) target_semaphore(%run_scoped3A : memref<!tpu.dma_semaphore, #tpu.memory_space<semaphore_mem>>)
      %dma_wait3A = arith.constant 0 : i32
      %dma_wait3A_43 = tpu.memref_slice %arg6[%add3A_13, %dma_wait3A] : memref<10240x128xf32, #tpu.memory_space<vmem_shared>> -> memref<128x128xf32, #tpu.memory_space<vmem_shared>>
      %dma_wait3A_44 = arith.constant 0 : i32
      %dma_wait3A_45 = tpu.memref_slice %arg6[%add3A_13, %dma_wait3A_44] : memref<10240x128xf32, #tpu.memory_space<vmem_shared>> -> memref<128x128xf32, #tpu.memory_space<vmem_shared>>
      tpu.wait_dma2 semaphore(%run_scoped3A : memref<!tpu.dma_semaphore, #tpu.memory_space<semaphore_mem>>) src(%arg9 : memref<128x128xf32, #tpu.memory_space<vmem>>) dst(%dma_wait3A_45 : memref<128x128xf32, #tpu.memory_space<vmem_shared>>)
      tpu.yield
    }) : () -> ()
    %add3A_14 = arith.constant 512 : i32
    %add3A_15 = arith.addi %mul3A_0, %add3A_14 : i32
    "tpu.region"() ({
      %run_scoped3A = tpu.sem_alloc : memref<!tpu.dma_semaphore, #tpu.memory_space<semaphore_mem>>
      %dma_start3A = arith.constant 0 : i32
      %dma_start3A_40 = tpu.memref_slice %arg6[%add3A_15, %dma_start3A] : memref<10240x128xf32, #tpu.memory_space<vmem_shared>> -> memref<128x128xf32, #tpu.memory_space<vmem_shared>>
      %dma_start3A_41 = arith.constant 0 : i32
      %dma_start3A_42 = tpu.memref_slice %arg6[%add3A_15, %dma_start3A_41] : memref<10240x128xf32, #tpu.memory_space<vmem_shared>> -> memref<128x128xf32, #tpu.memory_space<vmem_shared>>
      tpu.enqueue_dma source(%arg9 : memref<128x128xf32, #tpu.memory_space<vmem>>) target(%dma_start3A_42 : memref<128x128xf32, #tpu.memory_space<vmem_shared>>) target_semaphore(%run_scoped3A : memref<!tpu.dma_semaphore, #tpu.memory_space<semaphore_mem>>)
      %dma_wait3A = arith.constant 0 : i32
      %dma_wait3A_43 = tpu.memref_slice %arg6[%add3A_15, %dma_wait3A] : memref<10240x128xf32, #tpu.memory_space<vmem_shared>> -> memref<128x128xf32, #tpu.memory_space<vmem_shared>>
      %dma_wait3A_44 = arith.constant 0 : i32
      %dma_wait3A_45 = tpu.memref_slice %arg6[%add3A_15, %dma_wait3A_44] : memref<10240x128xf32, #tpu.memory_space<vmem_shared>> -> memref<128x128xf32, #tpu.memory_space<vmem_shared>>
      tpu.wait_dma2 semaphore(%run_scoped3A : memref<!tpu.dma_semaphore, #tpu.memory_space<semaphore_mem>>) src(%arg9 : memref<128x128xf32, #tpu.memory_space<vmem>>) dst(%dma_wait3A_45 : memref<128x128xf32, #tpu.memory_space<vmem_shared>>)
      tpu.yield
    }) : () -> ()
    %barrier3A = arith.constant 0 : index
    tpu.barrier barrier_id(%barrier3A)
    %eq3A = arith.constant 0 : i32
    %eq3A_16 = arith.cmpi eq, %arg0, %eq3A : i32
    %jit3A = arith.constant 19 : i32
    %jit3A_17 = arith.constant 1 : i32
    %select_n3A = arith.select %eq3A_16, %jit3A, %jit3A_17 : i32
    %eq3A_18 = arith.constant 0 : i32
    %eq3A_19 = arith.cmpi eq, %arg0, %eq3A_18 : i32
    %mul3A_20 = arith.constant 152 : i32
    %mul3A_21 = arith.muli %arg1, %mul3A_20 : i32
    %mul3A_22 = arith.constant 8 : i32
    %mul3A_23 = arith.muli %arg1, %mul3A_22 : i32
    %add3A_24 = arith.constant 2432 : i32
    %add3A_25 = arith.addi %add3A_24, %mul3A_23 : i32
    %select_n3A_26 = arith.select %eq3A_19, %mul3A_21, %add3A_25 : i32
    %while3A = arith.constant 0 : i32
    %while3A_27 = arith.constant 0 : i32
    %while3A_28 = arith.subi %select_n3A, %while3A_27 : i32
    %while3A_29 = arith.addi %while3A_27, %while3A_28 : i32
    %while3A_30 = arith.constant 1 : i32
    %while3A_31 = arith.divsi %while3A_28, %while3A_30 : i32
    %while3A_32 = arith.muli %while3A_31, %while3A_30 : i32
    %while3A_33 = arith.addi %while3A_27, %while3A_32 : i32
    %while3A_34 = arith.constant 1 : i32
    scf.for %while3A_40 = %while3A_27 to %while3A_33 step %while3A_34  : i32 {
      %mul3A_41 = arith.constant 8 : i32
      %mul3A_42 = arith.muli %while3A_40, %mul3A_41 : i32
      %add3A_43 = arith.addi %select_n3A_26, %mul3A_42 : i32
      "tpu.region"() ({
        %run_scoped3A = tpu.sem_alloc : memref<!tpu.dma_semaphore, #tpu.memory_space<semaphore_mem>>
        %dma_start3A_104 = arith.constant 0 : i32
        %dma_start3A_105 = tpu.memref_slice %arg3[%add3A_43, %dma_start3A_104] : memref<2560x128xi32, #tpu.memory_space<hbm>> -> memref<8x128xi32, #tpu.memory_space<hbm>>
        %dma_start3A_106 = arith.constant 0 : i32
        %dma_start3A_107 = tpu.memref_slice %arg3[%add3A_43, %dma_start3A_106] : memref<2560x128xi32, #tpu.memory_space<hbm>> -> memref<8x128xi32, #tpu.memory_space<hbm>>
        tpu.enqueue_dma source(%dma_start3A_107 : memref<8x128xi32, #tpu.memory_space<hbm>>) target(%arg7 : memref<8x128xi32, #tpu.memory_space<vmem>>) target_semaphore(%run_scoped3A : memref<!tpu.dma_semaphore, #tpu.memory_space<semaphore_mem>>)
        %dma_wait3A_108 = arith.constant 0 : i32
        %dma_wait3A_109 = tpu.memref_slice %arg3[%add3A_43, %dma_wait3A_108] : memref<2560x128xi32, #tpu.memory_space<hbm>> -> memref<8x128xi32, #tpu.memory_space<hbm>>
        %dma_wait3A_110 = arith.constant 0 : i32
        %dma_wait3A_111 = tpu.memref_slice %arg3[%add3A_43, %dma_wait3A_110] : memref<2560x128xi32, #tpu.memory_space<hbm>> -> memref<8x128xi32, #tpu.memory_space<hbm>>
        tpu.wait_dma2 semaphore(%run_scoped3A : memref<!tpu.dma_semaphore, #tpu.memory_space<semaphore_mem>>) src(%dma_wait3A_111 : memref<8x128xi32, #tpu.memory_space<hbm>>) dst(%arg7 : memref<8x128xi32, #tpu.memory_space<vmem>>)
        tpu.yield
      }) : () -> ()
      "tpu.region"() ({
        %run_scoped3A = tpu.sem_alloc : memref<!tpu.dma_semaphore, #tpu.memory_space<semaphore_mem>>
        %dma_start3A_104 = arith.constant 0 : i32
        %dma_start3A_105 = tpu.memref_slice %arg4[%add3A_43, %dma_start3A_104] : memref<2560x128xi32, #tpu.memory_space<hbm>> -> memref<8x128xi32, #tpu.memory_space<hbm>>
        %dma_start3A_106 = arith.constant 0 : i32
        %dma_start3A_107 = tpu.memref_slice %arg4[%add3A_43, %dma_start3A_106] : memref<2560x128xi32, #tpu.memory_space<hbm>> -> memref<8x128xi32, #tpu.memory_space<hbm>>
        tpu.enqueue_dma source(%dma_start3A_107 : memref<8x128xi32, #tpu.memory_space<hbm>>) target(%arg8 : memref<8x128xi32, #tpu.memory_space<vmem>>) target_semaphore(%run_scoped3A : memref<!tpu.dma_semaphore, #tpu.memory_space<semaphore_mem>>)
        %dma_wait3A_108 = arith.constant 0 : i32
        %dma_wait3A_109 = tpu.memref_slice %arg4[%add3A_43, %dma_wait3A_108] : memref<2560x128xi32, #tpu.memory_space<hbm>> -> memref<8x128xi32, #tpu.memory_space<hbm>>
        %dma_wait3A_110 = arith.constant 0 : i32
        %dma_wait3A_111 = tpu.memref_slice %arg4[%add3A_43, %dma_wait3A_110] : memref<2560x128xi32, #tpu.memory_space<hbm>> -> memref<8x128xi32, #tpu.memory_space<hbm>>
        tpu.wait_dma2 semaphore(%run_scoped3A : memref<!tpu.dma_semaphore, #tpu.memory_space<semaphore_mem>>) src(%dma_wait3A_111 : memref<8x128xi32, #tpu.memory_space<hbm>>) dst(%arg8 : memref<8x128xi32, #tpu.memory_space<vmem>>)
        tpu.yield
      }) : () -> ()
      %dma_start3A = arith.constant 0 : i32
      %dma_start3A_44 = arith.constant 0 : i32
      %dma_start3A_45 = tpu.memref_slice %arg7[%dma_start3A, %dma_start3A_44] : memref<8x128xi32, #tpu.memory_space<vmem>> -> memref<1x128xi32, #tpu.memory_space<vmem>>
      %dma_start3A_46 = tpu.memref_squeeze %dma_start3A_45 : memref<1x128xi32, #tpu.memory_space<vmem>> -> memref<128xi32, #tpu.memory_space<vmem>>
      %dma_start3A_47 = arith.constant 0 : i32
      %dma_start3A_48 = arith.constant 0 : i32
      %dma_start3A_49 = tpu.memref_slice %arg2[%dma_start3A_47, %dma_start3A_48] : memref<10240x128xf32, #tpu.memory_space<hbm>> -> memref<10240x128xf32, #tpu.memory_space<hbm>>
      tpu.enqueue_indirect_dma source(%dma_start3A_49 : memref<10240x128xf32, #tpu.memory_space<hbm>>) target(%arg9 : memref<128x128xf32, #tpu.memory_space<vmem>>) offsets(%dma_start3A_46 : memref<128xi32, #tpu.memory_space<vmem>>) semaphore(%arg11 : memref<!tpu.dma_semaphore, #tpu.memory_space<semaphore_mem>>)
      %dma_start3A_50 = arith.constant 1 : i32
      %dma_start3A_51 = arith.constant 0 : i32
      %dma_start3A_52 = tpu.memref_slice %arg7[%dma_start3A_50, %dma_start3A_51] : memref<8x128xi32, #tpu.memory_space<vmem>> -> memref<1x128xi32, #tpu.memory_space<vmem>>
      %dma_start3A_53 = tpu.memref_squeeze %dma_start3A_52 : memref<1x128xi32, #tpu.memory_space<vmem>> -> memref<128xi32, #tpu.memory_space<vmem>>
      %dma_start3A_54 = arith.constant 0 : i32
      %dma_start3A_55 = arith.constant 0 : i32
      %dma_start3A_56 = tpu.memref_slice %arg2[%dma_start3A_54, %dma_start3A_55] : memref<10240x128xf32, #tpu.memory_space<hbm>> -> memref<10240x128xf32, #tpu.memory_space<hbm>>
      tpu.enqueue_indirect_dma source(%dma_start3A_56 : memref<10240x128xf32, #tpu.memory_space<hbm>>) target(%arg10 : memref<128x128xf32, #tpu.memory_space<vmem>>) offsets(%dma_start3A_53 : memref<128xi32, #tpu.memory_space<vmem>>) semaphore(%arg12 : memref<!tpu.dma_semaphore, #tpu.memory_space<semaphore_mem>>)
      %dma_wait3A = arith.constant 0 : i32
      %dma_wait3A_57 = arith.constant 0 : i32
      %dma_wait3A_58 = tpu.memref_slice %arg7[%dma_wait3A, %dma_wait3A_57] : memref<8x128xi32, #tpu.memory_space<vmem>> -> memref<1x128xi32, #tpu.memory_space<vmem>>
      %dma_wait3A_59 = tpu.memref_squeeze %dma_wait3A_58 : memref<1x128xi32, #tpu.memory_space<vmem>> -> memref<128xi32, #tpu.memory_space<vmem>>
      %dma_wait3A_60 = arith.constant 0 : i32
      %dma_wait3A_61 = arith.constant 0 : i32
      %dma_wait3A_62 = tpu.memref_slice %arg2[%dma_wait3A_60, %dma_wait3A_61] : memref<10240x128xf32, #tpu.memory_space<hbm>> -> memref<10240x128xf32, #tpu.memory_space<hbm>>
      tpu.wait_indirect_dma semaphore(%arg11 : memref<!tpu.dma_semaphore, #tpu.memory_space<semaphore_mem>>) src(%dma_wait3A_62 : memref<10240x128xf32, #tpu.memory_space<hbm>>) dst(%arg9 : memref<128x128xf32, #tpu.memory_space<vmem>>)
      %dma_start3A_63 = arith.constant 0 : i32
      %dma_start3A_64 = arith.constant 0 : i32
      %dma_start3A_65 = tpu.memref_slice %arg8[%dma_start3A_63, %dma_start3A_64] : memref<8x128xi32, #tpu.memory_space<vmem>> -> memref<1x128xi32, #tpu.memory_space<vmem>>
      %dma_start3A_66 = tpu.memref_squeeze %dma_start3A_65 : memref<1x128xi32, #tpu.memory_space<vmem>> -> memref<128xi32, #tpu.memory_space<vmem>>
      %dma_start3A_67 = arith.constant 0 : i32
      %dma_start3A_68 = arith.constant 0 : i32
      %dma_start3A_69 = tpu.memref_slice %arg6[%dma_start3A_67, %dma_start3A_68] : memref<10240x128xf32, #tpu.memory_space<vmem_shared>> -> memref<10240x128xf32, #tpu.memory_space<vmem_shared>>
      tpu.enqueue_indirect_dma source(%arg9 : memref<128x128xf32, #tpu.memory_space<vmem>>) target(%dma_start3A_69 : memref<10240x128xf32, #tpu.memory_space<vmem_shared>>) offsets(%dma_start3A_66 : memref<128xi32, #tpu.memory_space<vmem>>) semaphore(%arg13 : memref<!tpu.dma_semaphore, #tpu.memory_space<semaphore_mem>>) {add = true}
      %scan3A_70 = arith.constant 0 : i32
      %scan3A_71 = arith.constant 1 : i32
      %scan3A_72 = arith.constant 3 : i32
      %scan3A_73 = arith.addi %scan3A_71, %scan3A_72 : i32
      %scan3A_74 = arith.constant 1 : i32
      scf.for %scan3A_104 = %scan3A_71 to %scan3A_73 step %scan3A_74  : i32 {
        %mul3A_105 = arith.constant 2 : i32
        %mul3A_106 = arith.muli %mul3A_105, %scan3A_104 : i32
        %add3A_107 = arith.constant 0 : i32
        %add3A_108 = arith.addi %mul3A_106, %add3A_107 : i32
        %dma_wait3A_109 = arith.constant 0 : i32
        %dma_wait3A_110 = arith.constant 0 : i32
        %dma_wait3A_111 = tpu.memref_slice %arg8[%dma_wait3A_109, %dma_wait3A_110] : memref<8x128xi32, #tpu.memory_space<vmem>> -> memref<1x128xi32, #tpu.memory_space<vmem>>
        %dma_wait3A_112 = tpu.memref_squeeze %dma_wait3A_111 : memref<1x128xi32, #tpu.memory_space<vmem>> -> memref<128xi32, #tpu.memory_space<vmem>>
        %dma_wait3A_113 = arith.constant 0 : i32
        %dma_wait3A_114 = arith.constant 0 : i32
        %dma_wait3A_115 = tpu.memref_slice %arg6[%dma_wait3A_113, %dma_wait3A_114] : memref<10240x128xf32, #tpu.memory_space<vmem_shared>> -> memref<10240x128xf32, #tpu.memory_space<vmem_shared>>
        tpu.wait_indirect_dma semaphore(%arg13 : memref<!tpu.dma_semaphore, #tpu.memory_space<semaphore_mem>>) src(%arg9 : memref<128x128xf32, #tpu.memory_space<vmem>>) dst(%dma_wait3A_115 : memref<10240x128xf32, #tpu.memory_space<vmem_shared>>)
        %dma_start3A_116 = arith.constant 0 : i32
        %dma_start3A_117 = tpu.memref_slice %arg7[%add3A_108, %dma_start3A_116] : memref<8x128xi32, #tpu.memory_space<vmem>> -> memref<1x128xi32, #tpu.memory_space<vmem>>
        %dma_start3A_118 = tpu.memref_squeeze %dma_start3A_117 : memref<1x128xi32, #tpu.memory_space<vmem>> -> memref<128xi32, #tpu.memory_space<vmem>>
        %dma_start3A_119 = arith.constant 0 : i32
        %dma_start3A_120 = arith.constant 0 : i32
        %dma_start3A_121 = tpu.memref_slice %arg2[%dma_start3A_119, %dma_start3A_120] : memref<10240x128xf32, #tpu.memory_space<hbm>> -> memref<10240x128xf32, #tpu.memory_space<hbm>>
        tpu.enqueue_indirect_dma source(%dma_start3A_121 : memref<10240x128xf32, #tpu.memory_space<hbm>>) target(%arg9 : memref<128x128xf32, #tpu.memory_space<vmem>>) offsets(%dma_start3A_118 : memref<128xi32, #tpu.memory_space<vmem>>) semaphore(%arg11 : memref<!tpu.dma_semaphore, #tpu.memory_space<semaphore_mem>>)
        %dma_wait3A_122 = arith.constant 0 : i32
        %dma_wait3A_123 = arith.constant 0 : i32
        %dma_wait3A_124 = tpu.memref_slice %arg7[%dma_wait3A_122, %dma_wait3A_123] : memref<8x128xi32, #tpu.memory_space<vmem>> -> memref<1x128xi32, #tpu.memory_space<vmem>>
        %dma_wait3A_125 = tpu.memref_squeeze %dma_wait3A_124 : memref<1x128xi32, #tpu.memory_space<vmem>> -> memref<128xi32, #tpu.memory_space<vmem>>
        %dma_wait3A_126 = arith.constant 0 : i32
        %dma_wait3A_127 = arith.constant 0 : i32
        %dma_wait3A_128 = tpu.memref_slice %arg2[%dma_wait3A_126, %dma_wait3A_127] : memref<10240x128xf32, #tpu.memory_space<hbm>> -> memref<10240x128xf32, #tpu.memory_space<hbm>>
        tpu.wait_indirect_dma semaphore(%arg12 : memref<!tpu.dma_semaphore, #tpu.memory_space<semaphore_mem>>) src(%dma_wait3A_128 : memref<10240x128xf32, #tpu.memory_space<hbm>>) dst(%arg10 : memref<128x128xf32, #tpu.memory_space<vmem>>)
        %sub3A = arith.constant 1 : i32
        %sub3A_129 = arith.subi %add3A_108, %sub3A : i32
        %dma_start3A_130 = arith.constant 0 : i32
        %dma_start3A_131 = tpu.memref_slice %arg8[%sub3A_129, %dma_start3A_130] : memref<8x128xi32, #tpu.memory_space<vmem>> -> memref<1x128xi32, #tpu.memory_space<vmem>>
        %dma_start3A_132 = tpu.memref_squeeze %dma_start3A_131 : memref<1x128xi32, #tpu.memory_space<vmem>> -> memref<128xi32, #tpu.memory_space<vmem>>
        %dma_start3A_133 = arith.constant 0 : i32
        %dma_start3A_134 = arith.constant 0 : i32
        %dma_start3A_135 = tpu.memref_slice %arg6[%dma_start3A_133, %dma_start3A_134] : memref<10240x128xf32, #tpu.memory_space<vmem_shared>> -> memref<10240x128xf32, #tpu.memory_space<vmem_shared>>
        tpu.enqueue_indirect_dma source(%arg10 : memref<128x128xf32, #tpu.memory_space<vmem>>) target(%dma_start3A_135 : memref<10240x128xf32, #tpu.memory_space<vmem_shared>>) offsets(%dma_start3A_132 : memref<128xi32, #tpu.memory_space<vmem>>) semaphore(%arg14 : memref<!tpu.dma_semaphore, #tpu.memory_space<semaphore_mem>>) {add = true}
        %mul3A_136 = arith.constant 2 : i32
        %mul3A_137 = arith.muli %mul3A_136, %scan3A_104 : i32
        %add3A_138 = arith.constant 1 : i32
        %add3A_139 = arith.addi %mul3A_137, %add3A_138 : i32
        %dma_wait3A_140 = arith.constant 0 : i32
        %dma_wait3A_141 = arith.constant 0 : i32
        %dma_wait3A_142 = tpu.memref_slice %arg8[%dma_wait3A_140, %dma_wait3A_141] : memref<8x128xi32, #tpu.memory_space<vmem>> -> memref<1x128xi32, #tpu.memory_space<vmem>>
        %dma_wait3A_143 = tpu.memref_squeeze %dma_wait3A_142 : memref<1x128xi32, #tpu.memory_space<vmem>> -> memref<128xi32, #tpu.memory_space<vmem>>
        %dma_wait3A_144 = arith.constant 0 : i32
        %dma_wait3A_145 = arith.constant 0 : i32
        %dma_wait3A_146 = tpu.memref_slice %arg6[%dma_wait3A_144, %dma_wait3A_145] : memref<10240x128xf32, #tpu.memory_space<vmem_shared>> -> memref<10240x128xf32, #tpu.memory_space<vmem_shared>>
        tpu.wait_indirect_dma semaphore(%arg14 : memref<!tpu.dma_semaphore, #tpu.memory_space<semaphore_mem>>) src(%arg10 : memref<128x128xf32, #tpu.memory_space<vmem>>) dst(%dma_wait3A_146 : memref<10240x128xf32, #tpu.memory_space<vmem_shared>>)
        %dma_start3A_147 = arith.constant 0 : i32
        %dma_start3A_148 = tpu.memref_slice %arg7[%add3A_139, %dma_start3A_147] : memref<8x128xi32, #tpu.memory_space<vmem>> -> memref<1x128xi32, #tpu.memory_space<vmem>>
        %dma_start3A_149 = tpu.memref_squeeze %dma_start3A_148 : memref<1x128xi32, #tpu.memory_space<vmem>> -> memref<128xi32, #tpu.memory_space<vmem>>
        %dma_start3A_150 = arith.constant 0 : i32
        %dma_start3A_151 = arith.constant 0 : i32
        %dma_start3A_152 = tpu.memref_slice %arg2[%dma_start3A_150, %dma_start3A_151] : memref<10240x128xf32, #tpu.memory_space<hbm>> -> memref<10240x128xf32, #tpu.memory_space<hbm>>
        tpu.enqueue_indirect_dma source(%dma_start3A_152 : memref<10240x128xf32, #tpu.memory_space<hbm>>) target(%arg10 : memref<128x128xf32, #tpu.memory_space<vmem>>) offsets(%dma_start3A_149 : memref<128xi32, #tpu.memory_space<vmem>>) semaphore(%arg12 : memref<!tpu.dma_semaphore, #tpu.memory_space<semaphore_mem>>)
        %dma_wait3A_153 = arith.constant 0 : i32
        %dma_wait3A_154 = arith.constant 0 : i32
        %dma_wait3A_155 = tpu.memref_slice %arg7[%dma_wait3A_153, %dma_wait3A_154] : memref<8x128xi32, #tpu.memory_space<vmem>> -> memref<1x128xi32, #tpu.memory_space<vmem>>
        %dma_wait3A_156 = tpu.memref_squeeze %dma_wait3A_155 : memref<1x128xi32, #tpu.memory_space<vmem>> -> memref<128xi32, #tpu.memory_space<vmem>>
        %dma_wait3A_157 = arith.constant 0 : i32
        %dma_wait3A_158 = arith.constant 0 : i32
        %dma_wait3A_159 = tpu.memref_slice %arg2[%dma_wait3A_157, %dma_wait3A_158] : memref<10240x128xf32, #tpu.memory_space<hbm>> -> memref<10240x128xf32, #tpu.memory_space<hbm>>
        tpu.wait_indirect_dma semaphore(%arg11 : memref<!tpu.dma_semaphore, #tpu.memory_space<semaphore_mem>>) src(%dma_wait3A_159 : memref<10240x128xf32, #tpu.memory_space<hbm>>) dst(%arg9 : memref<128x128xf32, #tpu.memory_space<vmem>>)
        %sub3A_160 = arith.constant 1 : i32
        %sub3A_161 = arith.subi %add3A_139, %sub3A_160 : i32
        %dma_start3A_162 = arith.constant 0 : i32
        %dma_start3A_163 = tpu.memref_slice %arg8[%sub3A_161, %dma_start3A_162] : memref<8x128xi32, #tpu.memory_space<vmem>> -> memref<1x128xi32, #tpu.memory_space<vmem>>
        %dma_start3A_164 = tpu.memref_squeeze %dma_start3A_163 : memref<1x128xi32, #tpu.memory_space<vmem>> -> memref<128xi32, #tpu.memory_space<vmem>>
        %dma_start3A_165 = arith.constant 0 : i32
        %dma_start3A_166 = arith.constant 0 : i32
        %dma_start3A_167 = tpu.memref_slice %arg6[%dma_start3A_165, %dma_start3A_166] : memref<10240x128xf32, #tpu.memory_space<vmem_shared>> -> memref<10240x128xf32, #tpu.memory_space<vmem_shared>>
        tpu.enqueue_indirect_dma source(%arg9 : memref<128x128xf32, #tpu.memory_space<vmem>>) target(%dma_start3A_167 : memref<10240x128xf32, #tpu.memory_space<vmem_shared>>) offsets(%dma_start3A_164 : memref<128xi32, #tpu.memory_space<vmem>>) semaphore(%arg13 : memref<!tpu.dma_semaphore, #tpu.memory_space<semaphore_mem>>) {add = true}
      }
      %scan3A_75 = arith.constant 3 : i32
      %dma_wait3A_76 = arith.constant 0 : i32
      %dma_wait3A_77 = arith.constant 0 : i32
      %dma_wait3A_78 = tpu.memref_slice %arg7[%dma_wait3A_76, %dma_wait3A_77] : memref<8x128xi32, #tpu.memory_space<vmem>> -> memref<1x128xi32, #tpu.memory_space<vmem>>
      %dma_wait3A_79 = tpu.memref_squeeze %dma_wait3A_78 : memref<1x128xi32, #tpu.memory_space<vmem>> -> memref<128xi32, #tpu.memory_space<vmem>>
      %dma_wait3A_80 = arith.constant 0 : i32
      %dma_wait3A_81 = arith.constant 0 : i32
      %dma_wait3A_82 = tpu.memref_slice %arg2[%dma_wait3A_80, %dma_wait3A_81] : memref<10240x128xf32, #tpu.memory_space<hbm>> -> memref<10240x128xf32, #tpu.memory_space<hbm>>
      tpu.wait_indirect_dma semaphore(%arg12 : memref<!tpu.dma_semaphore, #tpu.memory_space<semaphore_mem>>) src(%dma_wait3A_82 : memref<10240x128xf32, #tpu.memory_space<hbm>>) dst(%arg10 : memref<128x128xf32, #tpu.memory_space<vmem>>)
      %dma_start3A_83 = arith.constant 7 : i32
      %dma_start3A_84 = arith.constant 0 : i32
      %dma_start3A_85 = tpu.memref_slice %arg8[%dma_start3A_83, %dma_start3A_84] : memref<8x128xi32, #tpu.memory_space<vmem>> -> memref<1x128xi32, #tpu.memory_space<vmem>>
      %dma_start3A_86 = tpu.memref_squeeze %dma_start3A_85 : memref<1x128xi32, #tpu.memory_space<vmem>> -> memref<128xi32, #tpu.memory_space<vmem>>
      %dma_start3A_87 = arith.constant 0 : i32
      %dma_start3A_88 = arith.constant 0 : i32
      %dma_start3A_89 = tpu.memref_slice %arg6[%dma_start3A_87, %dma_start3A_88] : memref<10240x128xf32, #tpu.memory_space<vmem_shared>> -> memref<10240x128xf32, #tpu.memory_space<vmem_shared>>
      tpu.enqueue_indirect_dma source(%arg10 : memref<128x128xf32, #tpu.memory_space<vmem>>) target(%dma_start3A_89 : memref<10240x128xf32, #tpu.memory_space<vmem_shared>>) offsets(%dma_start3A_86 : memref<128xi32, #tpu.memory_space<vmem>>) semaphore(%arg14 : memref<!tpu.dma_semaphore, #tpu.memory_space<semaphore_mem>>) {add = true}
      %dma_wait3A_90 = arith.constant 0 : i32
      %dma_wait3A_91 = arith.constant 0 : i32
      %dma_wait3A_92 = tpu.memref_slice %arg8[%dma_wait3A_90, %dma_wait3A_91] : memref<8x128xi32, #tpu.memory_space<vmem>> -> memref<1x128xi32, #tpu.memory_space<vmem>>
      %dma_wait3A_93 = tpu.memref_squeeze %dma_wait3A_92 : memref<1x128xi32, #tpu.memory_space<vmem>> -> memref<128xi32, #tpu.memory_space<vmem>>
      %dma_wait3A_94 = arith.constant 0 : i32
      %dma_wait3A_95 = arith.constant 0 : i32
      %dma_wait3A_96 = tpu.memref_slice %arg6[%dma_wait3A_94, %dma_wait3A_95] : memref<10240x128xf32, #tpu.memory_space<vmem_shared>> -> memref<10240x128xf32, #tpu.memory_space<vmem_shared>>
      tpu.wait_indirect_dma semaphore(%arg13 : memref<!tpu.dma_semaphore, #tpu.memory_space<semaphore_mem>>) src(%arg9 : memref<128x128xf32, #tpu.memory_space<vmem>>) dst(%dma_wait3A_96 : memref<10240x128xf32, #tpu.memory_space<vmem_shared>>)
      %dma_wait3A_97 = arith.constant 0 : i32
      %dma_wait3A_98 = arith.constant 0 : i32
      %dma_wait3A_99 = tpu.memref_slice %arg8[%dma_wait3A_97, %dma_wait3A_98] : memref<8x128xi32, #tpu.memory_space<vmem>> -> memref<1x128xi32, #tpu.memory_space<vmem>>
      %dma_wait3A_100 = tpu.memref_squeeze %dma_wait3A_99 : memref<1x128xi32, #tpu.memory_space<vmem>> -> memref<128xi32, #tpu.memory_space<vmem>>
      %dma_wait3A_101 = arith.constant 0 : i32
      %dma_wait3A_102 = arith.constant 0 : i32
      %dma_wait3A_103 = tpu.memref_slice %arg6[%dma_wait3A_101, %dma_wait3A_102] : memref<10240x128xf32, #tpu.memory_space<vmem_shared>> -> memref<10240x128xf32, #tpu.memory_space<vmem_shared>>
      tpu.wait_indirect_dma semaphore(%arg14 : memref<!tpu.dma_semaphore, #tpu.memory_space<semaphore_mem>>) src(%arg10 : memref<128x128xf32, #tpu.memory_space<vmem>>) dst(%dma_wait3A_103 : memref<10240x128xf32, #tpu.memory_space<vmem_shared>>)
    }
    %while3A_35 = arith.constant 1 : i32
    scf.for %while3A_40 = %while3A_33 to %while3A_29 step %while3A_35  : i32 {
      %mul3A_41 = arith.constant 8 : i32
      %mul3A_42 = arith.muli %while3A_40, %mul3A_41 : i32
      %add3A_43 = arith.addi %select_n3A_26, %mul3A_42 : i32
      "tpu.region"() ({
        %run_scoped3A = tpu.sem_alloc : memref<!tpu.dma_semaphore, #tpu.memory_space<semaphore_mem>>
        %dma_start3A_104 = arith.constant 0 : i32
        %dma_start3A_105 = tpu.memref_slice %arg3[%add3A_43, %dma_start3A_104] : memref<2560x128xi32, #tpu.memory_space<hbm>> -> memref<8x128xi32, #tpu.memory_space<hbm>>
        %dma_start3A_106 = arith.constant 0 : i32
        %dma_start3A_107 = tpu.memref_slice %arg3[%add3A_43, %dma_start3A_106] : memref<2560x128xi32, #tpu.memory_space<hbm>> -> memref<8x128xi32, #tpu.memory_space<hbm>>
        tpu.enqueue_dma source(%dma_start3A_107 : memref<8x128xi32, #tpu.memory_space<hbm>>) target(%arg7 : memref<8x128xi32, #tpu.memory_space<vmem>>) target_semaphore(%run_scoped3A : memref<!tpu.dma_semaphore, #tpu.memory_space<semaphore_mem>>)
        %dma_wait3A_108 = arith.constant 0 : i32
        %dma_wait3A_109 = tpu.memref_slice %arg3[%add3A_43, %dma_wait3A_108] : memref<2560x128xi32, #tpu.memory_space<hbm>> -> memref<8x128xi32, #tpu.memory_space<hbm>>
        %dma_wait3A_110 = arith.constant 0 : i32
        %dma_wait3A_111 = tpu.memref_slice %arg3[%add3A_43, %dma_wait3A_110] : memref<2560x128xi32, #tpu.memory_space<hbm>> -> memref<8x128xi32, #tpu.memory_space<hbm>>
        tpu.wait_dma2 semaphore(%run_scoped3A : memref<!tpu.dma_semaphore, #tpu.memory_space<semaphore_mem>>) src(%dma_wait3A_111 : memref<8x128xi32, #tpu.memory_space<hbm>>) dst(%arg7 : memref<8x128xi32, #tpu.memory_space<vmem>>)
        tpu.yield
      }) : () -> ()
      "tpu.region"() ({
        %run_scoped3A = tpu.sem_alloc : memref<!tpu.dma_semaphore, #tpu.memory_space<semaphore_mem>>
        %dma_start3A_104 = arith.constant 0 : i32
        %dma_start3A_105 = tpu.memref_slice %arg4[%add3A_43, %dma_start3A_104] : memref<2560x128xi32, #tpu.memory_space<hbm>> -> memref<8x128xi32, #tpu.memory_space<hbm>>
        %dma_start3A_106 = arith.constant 0 : i32
        %dma_start3A_107 = tpu.memref_slice %arg4[%add3A_43, %dma_start3A_106] : memref<2560x128xi32, #tpu.memory_space<hbm>> -> memref<8x128xi32, #tpu.memory_space<hbm>>
        tpu.enqueue_dma source(%dma_start3A_107 : memref<8x128xi32, #tpu.memory_space<hbm>>) target(%arg8 : memref<8x128xi32, #tpu.memory_space<vmem>>) target_semaphore(%run_scoped3A : memref<!tpu.dma_semaphore, #tpu.memory_space<semaphore_mem>>)
        %dma_wait3A_108 = arith.constant 0 : i32
        %dma_wait3A_109 = tpu.memref_slice %arg4[%add3A_43, %dma_wait3A_108] : memref<2560x128xi32, #tpu.memory_space<hbm>> -> memref<8x128xi32, #tpu.memory_space<hbm>>
        %dma_wait3A_110 = arith.constant 0 : i32
        %dma_wait3A_111 = tpu.memref_slice %arg4[%add3A_43, %dma_wait3A_110] : memref<2560x128xi32, #tpu.memory_space<hbm>> -> memref<8x128xi32, #tpu.memory_space<hbm>>
        tpu.wait_dma2 semaphore(%run_scoped3A : memref<!tpu.dma_semaphore, #tpu.memory_space<semaphore_mem>>) src(%dma_wait3A_111 : memref<8x128xi32, #tpu.memory_space<hbm>>) dst(%arg8 : memref<8x128xi32, #tpu.memory_space<vmem>>)
        tpu.yield
      }) : () -> ()
      %dma_start3A = arith.constant 0 : i32
      %dma_start3A_44 = arith.constant 0 : i32
      %dma_start3A_45 = tpu.memref_slice %arg7[%dma_start3A, %dma_start3A_44] : memref<8x128xi32, #tpu.memory_space<vmem>> -> memref<1x128xi32, #tpu.memory_space<vmem>>
      %dma_start3A_46 = tpu.memref_squeeze %dma_start3A_45 : memref<1x128xi32, #tpu.memory_space<vmem>> -> memref<128xi32, #tpu.memory_space<vmem>>
      %dma_start3A_47 = arith.constant 0 : i32
      %dma_start3A_48 = arith.constant 0 : i32
      %dma_start3A_49 = tpu.memref_slice %arg2[%dma_start3A_47, %dma_start3A_48] : memref<10240x128xf32, #tpu.memory_space<hbm>> -> memref<10240x128xf32, #tpu.memory_space<hbm>>
      tpu.enqueue_indirect_dma source(%dma_start3A_49 : memref<10240x128xf32, #tpu.memory_space<hbm>>) target(%arg9 : memref<128x128xf32, #tpu.memory_space<vmem>>) offsets(%dma_start3A_46 : memref<128xi32, #tpu.memory_space<vmem>>) semaphore(%arg11 : memref<!tpu.dma_semaphore, #tpu.memory_space<semaphore_mem>>)
      %dma_start3A_50 = arith.constant 1 : i32
      %dma_start3A_51 = arith.constant 0 : i32
      %dma_start3A_52 = tpu.memref_slice %arg7[%dma_start3A_50, %dma_start3A_51] : memref<8x128xi32, #tpu.memory_space<vmem>> -> memref<1x128xi32, #tpu.memory_space<vmem>>
      %dma_start3A_53 = tpu.memref_squeeze %dma_start3A_52 : memref<1x128xi32, #tpu.memory_space<vmem>> -> memref<128xi32, #tpu.memory_space<vmem>>
      %dma_start3A_54 = arith.constant 0 : i32
      %dma_start3A_55 = arith.constant 0 : i32
      %dma_start3A_56 = tpu.memref_slice %arg2[%dma_start3A_54, %dma_start3A_55] : memref<10240x128xf32, #tpu.memory_space<hbm>> -> memref<10240x128xf32, #tpu.memory_space<hbm>>
      tpu.enqueue_indirect_dma source(%dma_start3A_56 : memref<10240x128xf32, #tpu.memory_space<hbm>>) target(%arg10 : memref<128x128xf32, #tpu.memory_space<vmem>>) offsets(%dma_start3A_53 : memref<128xi32, #tpu.memory_space<vmem>>) semaphore(%arg12 : memref<!tpu.dma_semaphore, #tpu.memory_space<semaphore_mem>>)
      %dma_wait3A = arith.constant 0 : i32
      %dma_wait3A_57 = arith.constant 0 : i32
      %dma_wait3A_58 = tpu.memref_slice %arg7[%dma_wait3A, %dma_wait3A_57] : memref<8x128xi32, #tpu.memory_space<vmem>> -> memref<1x128xi32, #tpu.memory_space<vmem>>
      %dma_wait3A_59 = tpu.memref_squeeze %dma_wait3A_58 : memref<1x128xi32, #tpu.memory_space<vmem>> -> memref<128xi32, #tpu.memory_space<vmem>>
      %dma_wait3A_60 = arith.constant 0 : i32
      %dma_wait3A_61 = arith.constant 0 : i32
      %dma_wait3A_62 = tpu.memref_slice %arg2[%dma_wait3A_60, %dma_wait3A_61] : memref<10240x128xf32, #tpu.memory_space<hbm>> -> memref<10240x128xf32, #tpu.memory_space<hbm>>
      tpu.wait_indirect_dma semaphore(%arg11 : memref<!tpu.dma_semaphore, #tpu.memory_space<semaphore_mem>>) src(%dma_wait3A_62 : memref<10240x128xf32, #tpu.memory_space<hbm>>) dst(%arg9 : memref<128x128xf32, #tpu.memory_space<vmem>>)
      %dma_start3A_63 = arith.constant 0 : i32
      %dma_start3A_64 = arith.constant 0 : i32
      %dma_start3A_65 = tpu.memref_slice %arg8[%dma_start3A_63, %dma_start3A_64] : memref<8x128xi32, #tpu.memory_space<vmem>> -> memref<1x128xi32, #tpu.memory_space<vmem>>
      %dma_start3A_66 = tpu.memref_squeeze %dma_start3A_65 : memref<1x128xi32, #tpu.memory_space<vmem>> -> memref<128xi32, #tpu.memory_space<vmem>>
      %dma_start3A_67 = arith.constant 0 : i32
      %dma_start3A_68 = arith.constant 0 : i32
      %dma_start3A_69 = tpu.memref_slice %arg6[%dma_start3A_67, %dma_start3A_68] : memref<10240x128xf32, #tpu.memory_space<vmem_shared>> -> memref<10240x128xf32, #tpu.memory_space<vmem_shared>>
      tpu.enqueue_indirect_dma source(%arg9 : memref<128x128xf32, #tpu.memory_space<vmem>>) target(%dma_start3A_69 : memref<10240x128xf32, #tpu.memory_space<vmem_shared>>) offsets(%dma_start3A_66 : memref<128xi32, #tpu.memory_space<vmem>>) semaphore(%arg13 : memref<!tpu.dma_semaphore, #tpu.memory_space<semaphore_mem>>) {add = true}
      %scan3A_70 = arith.constant 0 : i32
      %scan3A_71 = arith.constant 1 : i32
      %scan3A_72 = arith.constant 3 : i32
      %scan3A_73 = arith.addi %scan3A_71, %scan3A_72 : i32
      %scan3A_74 = arith.constant 1 : i32
      scf.for %scan3A_104 = %scan3A_71 to %scan3A_73 step %scan3A_74  : i32 {
        %mul3A_105 = arith.constant 2 : i32
        %mul3A_106 = arith.muli %mul3A_105, %scan3A_104 : i32
        %add3A_107 = arith.constant 0 : i32
        %add3A_108 = arith.addi %mul3A_106, %add3A_107 : i32
        %dma_wait3A_109 = arith.constant 0 : i32
        %dma_wait3A_110 = arith.constant 0 : i32
        %dma_wait3A_111 = tpu.memref_slice %arg8[%dma_wait3A_109, %dma_wait3A_110] : memref<8x128xi32, #tpu.memory_space<vmem>> -> memref<1x128xi32, #tpu.memory_space<vmem>>
        %dma_wait3A_112 = tpu.memref_squeeze %dma_wait3A_111 : memref<1x128xi32, #tpu.memory_space<vmem>> -> memref<128xi32, #tpu.memory_space<vmem>>
        %dma_wait3A_113 = arith.constant 0 : i32
        %dma_wait3A_114 = arith.constant 0 : i32
        %dma_wait3A_115 = tpu.memref_slice %arg6[%dma_wait3A_113, %dma_wait3A_114] : memref<10240x128xf32, #tpu.memory_space<vmem_shared>> -> memref<10240x128xf32, #tpu.memory_space<vmem_shared>>
        tpu.wait_indirect_dma semaphore(%arg13 : memref<!tpu.dma_semaphore, #tpu.memory_space<semaphore_mem>>) src(%arg9 : memref<128x128xf32, #tpu.memory_space<vmem>>) dst(%dma_wait3A_115 : memref<10240x128xf32, #tpu.memory_space<vmem_shared>>)
        %dma_start3A_116 = arith.constant 0 : i32
        %dma_start3A_117 = tpu.memref_slice %arg7[%add3A_108, %dma_start3A_116] : memref<8x128xi32, #tpu.memory_space<vmem>> -> memref<1x128xi32, #tpu.memory_space<vmem>>
        %dma_start3A_118 = tpu.memref_squeeze %dma_start3A_117 : memref<1x128xi32, #tpu.memory_space<vmem>> -> memref<128xi32, #tpu.memory_space<vmem>>
        %dma_start3A_119 = arith.constant 0 : i32
        %dma_start3A_120 = arith.constant 0 : i32
        %dma_start3A_121 = tpu.memref_slice %arg2[%dma_start3A_119, %dma_start3A_120] : memref<10240x128xf32, #tpu.memory_space<hbm>> -> memref<10240x128xf32, #tpu.memory_space<hbm>>
        tpu.enqueue_indirect_dma source(%dma_start3A_121 : memref<10240x128xf32, #tpu.memory_space<hbm>>) target(%arg9 : memref<128x128xf32, #tpu.memory_space<vmem>>) offsets(%dma_start3A_118 : memref<128xi32, #tpu.memory_space<vmem>>) semaphore(%arg11 : memref<!tpu.dma_semaphore, #tpu.memory_space<semaphore_mem>>)
        %dma_wait3A_122 = arith.constant 0 : i32
        %dma_wait3A_123 = arith.constant 0 : i32
        %dma_wait3A_124 = tpu.memref_slice %arg7[%dma_wait3A_122, %dma_wait3A_123] : memref<8x128xi32, #tpu.memory_space<vmem>> -> memref<1x128xi32, #tpu.memory_space<vmem>>
        %dma_wait3A_125 = tpu.memref_squeeze %dma_wait3A_124 : memref<1x128xi32, #tpu.memory_space<vmem>> -> memref<128xi32, #tpu.memory_space<vmem>>
        %dma_wait3A_126 = arith.constant 0 : i32
        %dma_wait3A_127 = arith.constant 0 : i32
        %dma_wait3A_128 = tpu.memref_slice %arg2[%dma_wait3A_126, %dma_wait3A_127] : memref<10240x128xf32, #tpu.memory_space<hbm>> -> memref<10240x128xf32, #tpu.memory_space<hbm>>
        tpu.wait_indirect_dma semaphore(%arg12 : memref<!tpu.dma_semaphore, #tpu.memory_space<semaphore_mem>>) src(%dma_wait3A_128 : memref<10240x128xf32, #tpu.memory_space<hbm>>) dst(%arg10 : memref<128x128xf32, #tpu.memory_space<vmem>>)
        %sub3A = arith.constant 1 : i32
        %sub3A_129 = arith.subi %add3A_108, %sub3A : i32
        %dma_start3A_130 = arith.constant 0 : i32
        %dma_start3A_131 = tpu.memref_slice %arg8[%sub3A_129, %dma_start3A_130] : memref<8x128xi32, #tpu.memory_space<vmem>> -> memref<1x128xi32, #tpu.memory_space<vmem>>
        %dma_start3A_132 = tpu.memref_squeeze %dma_start3A_131 : memref<1x128xi32, #tpu.memory_space<vmem>> -> memref<128xi32, #tpu.memory_space<vmem>>
        %dma_start3A_133 = arith.constant 0 : i32
        %dma_start3A_134 = arith.constant 0 : i32
        %dma_start3A_135 = tpu.memref_slice %arg6[%dma_start3A_133, %dma_start3A_134] : memref<10240x128xf32, #tpu.memory_space<vmem_shared>> -> memref<10240x128xf32, #tpu.memory_space<vmem_shared>>
        tpu.enqueue_indirect_dma source(%arg10 : memref<128x128xf32, #tpu.memory_space<vmem>>) target(%dma_start3A_135 : memref<10240x128xf32, #tpu.memory_space<vmem_shared>>) offsets(%dma_start3A_132 : memref<128xi32, #tpu.memory_space<vmem>>) semaphore(%arg14 : memref<!tpu.dma_semaphore, #tpu.memory_space<semaphore_mem>>) {add = true}
        %mul3A_136 = arith.constant 2 : i32
        %mul3A_137 = arith.muli %mul3A_136, %scan3A_104 : i32
        %add3A_138 = arith.constant 1 : i32
        %add3A_139 = arith.addi %mul3A_137, %add3A_138 : i32
        %dma_wait3A_140 = arith.constant 0 : i32
        %dma_wait3A_141 = arith.constant 0 : i32
        %dma_wait3A_142 = tpu.memref_slice %arg8[%dma_wait3A_140, %dma_wait3A_141] : memref<8x128xi32, #tpu.memory_space<vmem>> -> memref<1x128xi32, #tpu.memory_space<vmem>>
        %dma_wait3A_143 = tpu.memref_squeeze %dma_wait3A_142 : memref<1x128xi32, #tpu.memory_space<vmem>> -> memref<128xi32, #tpu.memory_space<vmem>>
        %dma_wait3A_144 = arith.constant 0 : i32
        %dma_wait3A_145 = arith.constant 0 : i32
        %dma_wait3A_146 = tpu.memref_slice %arg6[%dma_wait3A_144, %dma_wait3A_145] : memref<10240x128xf32, #tpu.memory_space<vmem_shared>> -> memref<10240x128xf32, #tpu.memory_space<vmem_shared>>
        tpu.wait_indirect_dma semaphore(%arg14 : memref<!tpu.dma_semaphore, #tpu.memory_space<semaphore_mem>>) src(%arg10 : memref<128x128xf32, #tpu.memory_space<vmem>>) dst(%dma_wait3A_146 : memref<10240x128xf32, #tpu.memory_space<vmem_shared>>)
        %dma_start3A_147 = arith.constant 0 : i32
        %dma_start3A_148 = tpu.memref_slice %arg7[%add3A_139, %dma_start3A_147] : memref<8x128xi32, #tpu.memory_space<vmem>> -> memref<1x128xi32, #tpu.memory_space<vmem>>
        %dma_start3A_149 = tpu.memref_squeeze %dma_start3A_148 : memref<1x128xi32, #tpu.memory_space<vmem>> -> memref<128xi32, #tpu.memory_space<vmem>>
        %dma_start3A_150 = arith.constant 0 : i32
        %dma_start3A_151 = arith.constant 0 : i32
        %dma_start3A_152 = tpu.memref_slice %arg2[%dma_start3A_150, %dma_start3A_151] : memref<10240x128xf32, #tpu.memory_space<hbm>> -> memref<10240x128xf32, #tpu.memory_space<hbm>>
        tpu.enqueue_indirect_dma source(%dma_start3A_152 : memref<10240x128xf32, #tpu.memory_space<hbm>>) target(%arg10 : memref<128x128xf32, #tpu.memory_space<vmem>>) offsets(%dma_start3A_149 : memref<128xi32, #tpu.memory_space<vmem>>) semaphore(%arg12 : memref<!tpu.dma_semaphore, #tpu.memory_space<semaphore_mem>>)
        %dma_wait3A_153 = arith.constant 0 : i32
        %dma_wait3A_154 = arith.constant 0 : i32
        %dma_wait3A_155 = tpu.memref_slice %arg7[%dma_wait3A_153, %dma_wait3A_154] : memref<8x128xi32, #tpu.memory_space<vmem>> -> memref<1x128xi32, #tpu.memory_space<vmem>>
        %dma_wait3A_156 = tpu.memref_squeeze %dma_wait3A_155 : memref<1x128xi32, #tpu.memory_space<vmem>> -> memref<128xi32, #tpu.memory_space<vmem>>
        %dma_wait3A_157 = arith.constant 0 : i32
        %dma_wait3A_158 = arith.constant 0 : i32
        %dma_wait3A_159 = tpu.memref_slice %arg2[%dma_wait3A_157, %dma_wait3A_158] : memref<10240x128xf32, #tpu.memory_space<hbm>> -> memref<10240x128xf32, #tpu.memory_space<hbm>>
        tpu.wait_indirect_dma semaphore(%arg11 : memref<!tpu.dma_semaphore, #tpu.memory_space<semaphore_mem>>) src(%dma_wait3A_159 : memref<10240x128xf32, #tpu.memory_space<hbm>>) dst(%arg9 : memref<128x128xf32, #tpu.memory_space<vmem>>)
        %sub3A_160 = arith.constant 1 : i32
        %sub3A_161 = arith.subi %add3A_139, %sub3A_160 : i32
        %dma_start3A_162 = arith.constant 0 : i32
        %dma_start3A_163 = tpu.memref_slice %arg8[%sub3A_161, %dma_start3A_162] : memref<8x128xi32, #tpu.memory_space<vmem>> -> memref<1x128xi32, #tpu.memory_space<vmem>>
        %dma_start3A_164 = tpu.memref_squeeze %dma_start3A_163 : memref<1x128xi32, #tpu.memory_space<vmem>> -> memref<128xi32, #tpu.memory_space<vmem>>
        %dma_start3A_165 = arith.constant 0 : i32
        %dma_start3A_166 = arith.constant 0 : i32
        %dma_start3A_167 = tpu.memref_slice %arg6[%dma_start3A_165, %dma_start3A_166] : memref<10240x128xf32, #tpu.memory_space<vmem_shared>> -> memref<10240x128xf32, #tpu.memory_space<vmem_shared>>
        tpu.enqueue_indirect_dma source(%arg9 : memref<128x128xf32, #tpu.memory_space<vmem>>) target(%dma_start3A_167 : memref<10240x128xf32, #tpu.memory_space<vmem_shared>>) offsets(%dma_start3A_164 : memref<128xi32, #tpu.memory_space<vmem>>) semaphore(%arg13 : memref<!tpu.dma_semaphore, #tpu.memory_space<semaphore_mem>>) {add = true}
      }
      %scan3A_75 = arith.constant 3 : i32
      %dma_wait3A_76 = arith.constant 0 : i32
      %dma_wait3A_77 = arith.constant 0 : i32
      %dma_wait3A_78 = tpu.memref_slice %arg7[%dma_wait3A_76, %dma_wait3A_77] : memref<8x128xi32, #tpu.memory_space<vmem>> -> memref<1x128xi32, #tpu.memory_space<vmem>>
      %dma_wait3A_79 = tpu.memref_squeeze %dma_wait3A_78 : memref<1x128xi32, #tpu.memory_space<vmem>> -> memref<128xi32, #tpu.memory_space<vmem>>
      %dma_wait3A_80 = arith.constant 0 : i32
      %dma_wait3A_81 = arith.constant 0 : i32
      %dma_wait3A_82 = tpu.memref_slice %arg2[%dma_wait3A_80, %dma_wait3A_81] : memref<10240x128xf32, #tpu.memory_space<hbm>> -> memref<10240x128xf32, #tpu.memory_space<hbm>>
      tpu.wait_indirect_dma semaphore(%arg12 : memref<!tpu.dma_semaphore, #tpu.memory_space<semaphore_mem>>) src(%dma_wait3A_82 : memref<10240x128xf32, #tpu.memory_space<hbm>>) dst(%arg10 : memref<128x128xf32, #tpu.memory_space<vmem>>)
      %dma_start3A_83 = arith.constant 7 : i32
      %dma_start3A_84 = arith.constant 0 : i32
      %dma_start3A_85 = tpu.memref_slice %arg8[%dma_start3A_83, %dma_start3A_84] : memref<8x128xi32, #tpu.memory_space<vmem>> -> memref<1x128xi32, #tpu.memory_space<vmem>>
      %dma_start3A_86 = tpu.memref_squeeze %dma_start3A_85 : memref<1x128xi32, #tpu.memory_space<vmem>> -> memref<128xi32, #tpu.memory_space<vmem>>
      %dma_start3A_87 = arith.constant 0 : i32
      %dma_start3A_88 = arith.constant 0 : i32
      %dma_start3A_89 = tpu.memref_slice %arg6[%dma_start3A_87, %dma_start3A_88] : memref<10240x128xf32, #tpu.memory_space<vmem_shared>> -> memref<10240x128xf32, #tpu.memory_space<vmem_shared>>
      tpu.enqueue_indirect_dma source(%arg10 : memref<128x128xf32, #tpu.memory_space<vmem>>) target(%dma_start3A_89 : memref<10240x128xf32, #tpu.memory_space<vmem_shared>>) offsets(%dma_start3A_86 : memref<128xi32, #tpu.memory_space<vmem>>) semaphore(%arg14 : memref<!tpu.dma_semaphore, #tpu.memory_space<semaphore_mem>>) {add = true}
      %dma_wait3A_90 = arith.constant 0 : i32
      %dma_wait3A_91 = arith.constant 0 : i32
      %dma_wait3A_92 = tpu.memref_slice %arg8[%dma_wait3A_90, %dma_wait3A_91] : memref<8x128xi32, #tpu.memory_space<vmem>> -> memref<1x128xi32, #tpu.memory_space<vmem>>
      %dma_wait3A_93 = tpu.memref_squeeze %dma_wait3A_92 : memref<1x128xi32, #tpu.memory_space<vmem>> -> memref<128xi32, #tpu.memory_space<vmem>>
      %dma_wait3A_94 = arith.constant 0 : i32
      %dma_wait3A_95 = arith.constant 0 : i32
      %dma_wait3A_96 = tpu.memref_slice %arg6[%dma_wait3A_94, %dma_wait3A_95] : memref<10240x128xf32, #tpu.memory_space<vmem_shared>> -> memref<10240x128xf32, #tpu.memory_space<vmem_shared>>
      tpu.wait_indirect_dma semaphore(%arg13 : memref<!tpu.dma_semaphore, #tpu.memory_space<semaphore_mem>>) src(%arg9 : memref<128x128xf32, #tpu.memory_space<vmem>>) dst(%dma_wait3A_96 : memref<10240x128xf32, #tpu.memory_space<vmem_shared>>)
      %dma_wait3A_97 = arith.constant 0 : i32
      %dma_wait3A_98 = arith.constant 0 : i32
      %dma_wait3A_99 = tpu.memref_slice %arg8[%dma_wait3A_97, %dma_wait3A_98] : memref<8x128xi32, #tpu.memory_space<vmem>> -> memref<1x128xi32, #tpu.memory_space<vmem>>
      %dma_wait3A_100 = tpu.memref_squeeze %dma_wait3A_99 : memref<1x128xi32, #tpu.memory_space<vmem>> -> memref<128xi32, #tpu.memory_space<vmem>>
      %dma_wait3A_101 = arith.constant 0 : i32
      %dma_wait3A_102 = arith.constant 0 : i32
      %dma_wait3A_103 = tpu.memref_slice %arg6[%dma_wait3A_101, %dma_wait3A_102] : memref<10240x128xf32, #tpu.memory_space<vmem_shared>> -> memref<10240x128xf32, #tpu.memory_space<vmem_shared>>
      tpu.wait_indirect_dma semaphore(%arg14 : memref<!tpu.dma_semaphore, #tpu.memory_space<semaphore_mem>>) src(%arg10 : memref<128x128xf32, #tpu.memory_space<vmem>>) dst(%dma_wait3A_103 : memref<10240x128xf32, #tpu.memory_space<vmem_shared>>)
    }
    %barrier3A_36 = arith.constant 0 : index
    tpu.barrier barrier_id(%barrier3A_36)
    %mul3A_37 = arith.constant 10240 : i32
    %mul3A_38 = arith.muli %arg0, %mul3A_37 : i32
    %add3A_39 = arith.addi %mul3A_38, %mul3A_0 : i32
    "tpu.region"() ({
      %run_scoped3A = tpu.sem_alloc : memref<!tpu.dma_semaphore, #tpu.memory_space<semaphore_mem>>
      %dma_start3A = arith.constant 0 : i32
      %dma_start3A_40 = tpu.memref_slice %arg5[%add3A_39, %dma_start3A] : memref<20480x128xf32, #tpu.memory_space<hbm>> -> memref<640x128xf32, #tpu.memory_space<hbm>>
      %dma_start3A_41 = arith.constant 0 : i32
      %dma_start3A_42 = tpu.memref_slice %arg6[%mul3A_0, %dma_start3A_41] : memref<10240x128xf32, #tpu.memory_space<vmem_shared>> -> memref<640x128xf32, #tpu.memory_space<vmem_shared>>
      tpu.enqueue_dma source(%dma_start3A_42 : memref<640x128xf32, #tpu.memory_space<vmem_shared>>) target(%dma_start3A_40 : memref<640x128xf32, #tpu.memory_space<hbm>>) target_semaphore(%run_scoped3A : memref<!tpu.dma_semaphore, #tpu.memory_space<semaphore_mem>>)
      %dma_wait3A = arith.constant 0 : i32
      %dma_wait3A_43 = tpu.memref_slice %arg5[%add3A_39, %dma_wait3A] : memref<20480x128xf32, #tpu.memory_space<hbm>> -> memref<640x128xf32, #tpu.memory_space<hbm>>
      %dma_wait3A_44 = arith.constant 0 : i32
      %dma_wait3A_45 = tpu.memref_slice %arg6[%mul3A_0, %dma_wait3A_44] : memref<10240x128xf32, #tpu.memory_space<vmem_shared>> -> memref<640x128xf32, #tpu.memory_space<vmem_shared>>
      tpu.wait_dma2 semaphore(%run_scoped3A : memref<!tpu.dma_semaphore, #tpu.memory_space<semaphore_mem>>) src(%dma_wait3A_45 : memref<640x128xf32, #tpu.memory_space<vmem_shared>>) dst(%dma_wait3A_43 : memref<640x128xf32, #tpu.memory_space<hbm>>)
      tpu.yield
    }) : () -> ()
    return
  }
}

#map = affine_map<(d0, d1) -> (0, 0)>
module attributes {stable_mosaic.version = 14 : i64} {
  func.func @_sc_scatter_body(%arg0: i32, %arg1: i32, %arg2: memref<10240x128xf32, #tpu.memory_space<hbm>>, %arg3: memref<2560x128xi32, #tpu.memory_space<hbm>>, %arg4: memref<2560x128xi32, #tpu.memory_space<hbm>>, %arg5: memref<20480x128xf32, #tpu.memory_space<hbm>>, %arg6: memref<10240x128xf32, #tpu.memory_space<vmem_shared>>, %arg7: memref<8x128xi32, #tpu.memory_space<vmem>>, %arg8: memref<8x128xi32, #tpu.memory_space<vmem>>, %arg9: memref<128x128xf32, #tpu.memory_space<vmem>>, %arg10: memref<128x128xf32, #tpu.memory_space<vmem>>, %arg11: memref<!tpu.dma_semaphore, #tpu.memory_space<semaphore_mem>>, %arg12: memref<!tpu.dma_semaphore, #tpu.memory_space<semaphore_mem>>, %arg13: memref<!tpu.dma_semaphore, #tpu.memory_space<semaphore_mem>>, %arg14: memref<!tpu.dma_semaphore, #tpu.memory_space<semaphore_mem>>) attributes {dimension_semantics = [#tpu.dimension_semantics<core_parallel>, #tpu.dimension_semantics<subcore_parallel>], iteration_bounds = array<i64: 2, 16>, scalar_prefetch = 0 : i64, scratch_operands = 9 : i64, tpu.core_type = #tpu.core_type<sc_vector_subcore>, window_params = [{transform_indices = #map}, {transform_indices = #map}, {transform_indices = #map}, {transform_indices = #map}]} {
    %mul3A = arith.constant 640 : i32
    %mul3A_0 = arith.muli %arg1, %mul3A : i32
    %broadcast_in_dim3A = arith.constant 0.000000e+00 : f32
    %broadcast_in_dim3A_1 = vector.broadcast %broadcast_in_dim3A : f32 to vector<16xf32>
    %scan3A = arith.constant 0 : i32
    %scan3A_2 = arith.constant 0 : i32
    %scan3A_3 = arith.constant 128 : i32
    %scan3A_4 = arith.addi %scan3A_2, %scan3A_3 : i32
    %scan3A_5 = arith.constant 1 : i32
    scf.for %scan3A_40 = %scan3A_2 to %scan3A_4 step %scan3A_5  : i32 {
      %swap3A = arith.index_cast %scan3A_40 : i32 to index
      %swap3A_41 = arith.constant 0 : index
      %swap3A_42 = tpu.vector_load %arg9[%swap3A, %swap3A_41] {strides = array<i32>} : memref<128x128xf32, #tpu.memory_space<vmem>>, vector<1x16xf32>,
      %swap3A_43 = vector.shape_cast %swap3A_42 : vector<1x16xf32> to vector<16xf32>
      %swap3A_44 = vector.shape_cast %broadcast_in_dim3A_1 : vector<16xf32> to vector<1x16xf32>
      tpu.vector_store %arg9[%swap3A, %swap3A_41], %swap3A_44 {strides = array<i32>} : memref<128x128xf32, #tpu.memory_space<vmem>>, vector<1x16xf32>,
      %swap3A_45 = arith.index_cast %scan3A_40 : i32 to index
      %swap3A_46 = arith.constant 16 : index
      %swap3A_47 = tpu.vector_load %arg9[%swap3A_45, %swap3A_46] {strides = array<i32>} : memref<128x128xf32, #tpu.memory_space<vmem>>, vector<1x16xf32>,
      %swap3A_48 = vector.shape_cast %swap3A_47 : vector<1x16xf32> to vector<16xf32>
      %swap3A_49 = vector.shape_cast %broadcast_in_dim3A_1 : vector<16xf32> to vector<1x16xf32>
      tpu.vector_store %arg9[%swap3A_45, %swap3A_46], %swap3A_49 {strides = array<i32>} : memref<128x128xf32, #tpu.memory_space<vmem>>, vector<1x16xf32>,
      %swap3A_50 = arith.index_cast %scan3A_40 : i32 to index
      %swap3A_51 = arith.constant 32 : index
      %swap3A_52 = tpu.vector_load %arg9[%swap3A_50, %swap3A_51] {strides = array<i32>} : memref<128x128xf32, #tpu.memory_space<vmem>>, vector<1x16xf32>,
      %swap3A_53 = vector.shape_cast %swap3A_52 : vector<1x16xf32> to vector<16xf32>
      %swap3A_54 = vector.shape_cast %broadcast_in_dim3A_1 : vector<16xf32> to vector<1x16xf32>
      tpu.vector_store %arg9[%swap3A_50, %swap3A_51], %swap3A_54 {strides = array<i32>} : memref<128x128xf32, #tpu.memory_space<vmem>>, vector<1x16xf32>,
      %swap3A_55 = arith.index_cast %scan3A_40 : i32 to index
      %swap3A_56 = arith.constant 48 : index
      %swap3A_57 = tpu.vector_load %arg9[%swap3A_55, %swap3A_56] {strides = array<i32>} : memref<128x128xf32, #tpu.memory_space<vmem>>, vector<1x16xf32>,
      %swap3A_58 = vector.shape_cast %swap3A_57 : vector<1x16xf32> to vector<16xf32>
      %swap3A_59 = vector.shape_cast %broadcast_in_dim3A_1 : vector<16xf32> to vector<1x16xf32>
      tpu.vector_store %arg9[%swap3A_55, %swap3A_56], %swap3A_59 {strides = array<i32>} : memref<128x128xf32, #tpu.memory_space<vmem>>, vector<1x16xf32>,
      %swap3A_60 = arith.index_cast %scan3A_40 : i32 to index
      %swap3A_61 = arith.constant 64 : index
      %swap3A_62 = tpu.vector_load %arg9[%swap3A_60, %swap3A_61] {strides = array<i32>} : memref<128x128xf32, #tpu.memory_space<vmem>>, vector<1x16xf32>,
      %swap3A_63 = vector.shape_cast %swap3A_62 : vector<1x16xf32> to vector<16xf32>
      %swap3A_64 = vector.shape_cast %broadcast_in_dim3A_1 : vector<16xf32> to vector<1x16xf32>
      tpu.vector_store %arg9[%swap3A_60, %swap3A_61], %swap3A_64 {strides = array<i32>} : memref<128x128xf32, #tpu.memory_space<vmem>>, vector<1x16xf32>,
      %swap3A_65 = arith.index_cast %scan3A_40 : i32 to index
      %swap3A_66 = arith.constant 80 : index
      %swap3A_67 = tpu.vector_load %arg9[%swap3A_65, %swap3A_66] {strides = array<i32>} : memref<128x128xf32, #tpu.memory_space<vmem>>, vector<1x16xf32>,
      %swap3A_68 = vector.shape_cast %swap3A_67 : vector<1x16xf32> to vector<16xf32>
      %swap3A_69 = vector.shape_cast %broadcast_in_dim3A_1 : vector<16xf32> to vector<1x16xf32>
      tpu.vector_store %arg9[%swap3A_65, %swap3A_66], %swap3A_69 {strides = array<i32>} : memref<128x128xf32, #tpu.memory_space<vmem>>, vector<1x16xf32>,
      %swap3A_70 = arith.index_cast %scan3A_40 : i32 to index
      %swap3A_71 = arith.constant 96 : index
      %swap3A_72 = tpu.vector_load %arg9[%swap3A_70, %swap3A_71] {strides = array<i32>} : memref<128x128xf32, #tpu.memory_space<vmem>>, vector<1x16xf32>,
      %swap3A_73 = vector.shape_cast %swap3A_72 : vector<1x16xf32> to vector<16xf32>
      %swap3A_74 = vector.shape_cast %broadcast_in_dim3A_1 : vector<16xf32> to vector<1x16xf32>
      tpu.vector_store %arg9[%swap3A_70, %swap3A_71], %swap3A_74 {strides = array<i32>} : memref<128x128xf32, #tpu.memory_space<vmem>>, vector<1x16xf32>,
      %swap3A_75 = arith.index_cast %scan3A_40 : i32 to index
      %swap3A_76 = arith.constant 112 : index
      %swap3A_77 = tpu.vector_load %arg9[%swap3A_75, %swap3A_76] {strides = array<i32>} : memref<128x128xf32, #tpu.memory_space<vmem>>, vector<1x16xf32>,
      %swap3A_78 = vector.shape_cast %swap3A_77 : vector<1x16xf32> to vector<16xf32>
      %swap3A_79 = vector.shape_cast %broadcast_in_dim3A_1 : vector<16xf32> to vector<1x16xf32>
      tpu.vector_store %arg9[%swap3A_75, %swap3A_76], %swap3A_79 {strides = array<i32>} : memref<128x128xf32, #tpu.memory_space<vmem>>, vector<1x16xf32>,
    }
    %scan3A_6 = arith.constant 128 : i32
    %add3A = arith.constant 0 : i32
    %add3A_7 = arith.addi %mul3A_0, %add3A : i32
    "tpu.region"() ({
      %run_scoped3A = tpu.sem_alloc : memref<!tpu.dma_semaphore, #tpu.memory_space<semaphore_mem>>
      %dma_start3A = arith.constant 0 : i32
      %dma_start3A_40 = tpu.memref_slice %arg6[%add3A_7, %dma_start3A] : memref<10240x128xf32, #tpu.memory_space<vmem_shared>> -> memref<128x128xf32, #tpu.memory_space<vmem_shared>>
      %dma_start3A_41 = arith.constant 0 : i32
      %dma_start3A_42 = tpu.memref_slice %arg6[%add3A_7, %dma_start3A_41] : memref<10240x128xf32, #tpu.memory_space<vmem_shared>> -> memref<128x128xf32, #tpu.memory_space<vmem_shared>>
      tpu.enqueue_dma source(%arg9 : memref<128x128xf32, #tpu.memory_space<vmem>>) target(%dma_start3A_42 : memref<128x128xf32, #tpu.memory_space<vmem_shared>>) target_semaphore(%run_scoped3A : memref<!tpu.dma_semaphore, #tpu.memory_space<semaphore_mem>>)
      %dma_wait3A = arith.constant 0 : i32
      %dma_wait3A_43 = tpu.memref_slice %arg6[%add3A_7, %dma_wait3A] : memref<10240x128xf32, #tpu.memory_space<vmem_shared>> -> memref<128x128xf32, #tpu.memory_space<vmem_shared>>
      %dma_wait3A_44 = arith.constant 0 : i32
      %dma_wait3A_45 = tpu.memref_slice %arg6[%add3A_7, %dma_wait3A_44] : memref<10240x128xf32, #tpu.memory_space<vmem_shared>> -> memref<128x128xf32, #tpu.memory_space<vmem_shared>>
      tpu.wait_dma2 semaphore(%run_scoped3A : memref<!tpu.dma_semaphore, #tpu.memory_space<semaphore_mem>>) src(%arg9 : memref<128x128xf32, #tpu.memory_space<vmem>>) dst(%dma_wait3A_45 : memref<128x128xf32, #tpu.memory_space<vmem_shared>>)
      tpu.yield
    }) : () -> ()
    %add3A_8 = arith.constant 128 : i32
    %add3A_9 = arith.addi %mul3A_0, %add3A_8 : i32
    "tpu.region"() ({
      %run_scoped3A = tpu.sem_alloc : memref<!tpu.dma_semaphore, #tpu.memory_space<semaphore_mem>>
      %dma_start3A = arith.constant 0 : i32
      %dma_start3A_40 = tpu.memref_slice %arg6[%add3A_9, %dma_start3A] : memref<10240x128xf32, #tpu.memory_space<vmem_shared>> -> memref<128x128xf32, #tpu.memory_space<vmem_shared>>
      %dma_start3A_41 = arith.constant 0 : i32
      %dma_start3A_42 = tpu.memref_slice %arg6[%add3A_9, %dma_start3A_41] : memref<10240x128xf32, #tpu.memory_space<vmem_shared>> -> memref<128x128xf32, #tpu.memory_space<vmem_shared>>
      tpu.enqueue_dma source(%arg9 : memref<128x128xf32, #tpu.memory_space<vmem>>) target(%dma_start3A_42 : memref<128x128xf32, #tpu.memory_space<vmem_shared>>) target_semaphore(%run_scoped3A : memref<!tpu.dma_semaphore, #tpu.memory_space<semaphore_mem>>)
      %dma_wait3A = arith.constant 0 : i32
      %dma_wait3A_43 = tpu.memref_slice %arg6[%add3A_9, %dma_wait3A] : memref<10240x128xf32, #tpu.memory_space<vmem_shared>> -> memref<128x128xf32, #tpu.memory_space<vmem_shared>>
      %dma_wait3A_44 = arith.constant 0 : i32
      %dma_wait3A_45 = tpu.memref_slice %arg6[%add3A_9, %dma_wait3A_44] : memref<10240x128xf32, #tpu.memory_space<vmem_shared>> -> memref<128x128xf32, #tpu.memory_space<vmem_shared>>
      tpu.wait_dma2 semaphore(%run_scoped3A : memref<!tpu.dma_semaphore, #tpu.memory_space<semaphore_mem>>) src(%arg9 : memref<128x128xf32, #tpu.memory_space<vmem>>) dst(%dma_wait3A_45 : memref<128x128xf32, #tpu.memory_space<vmem_shared>>)
      tpu.yield
    }) : () -> ()
    %add3A_10 = arith.constant 256 : i32
    %add3A_11 = arith.addi %mul3A_0, %add3A_10 : i32
    "tpu.region"() ({
      %run_scoped3A = tpu.sem_alloc : memref<!tpu.dma_semaphore, #tpu.memory_space<semaphore_mem>>
      %dma_start3A = arith.constant 0 : i32
      %dma_start3A_40 = tpu.memref_slice %arg6[%add3A_11, %dma_start3A] : memref<10240x128xf32, #tpu.memory_space<vmem_shared>> -> memref<128x128xf32, #tpu.memory_space<vmem_shared>>
      %dma_start3A_41 = arith.constant 0 : i32
      %dma_start3A_42 = tpu.memref_slice %arg6[%add3A_11, %dma_start3A_41] : memref<10240x128xf32, #tpu.memory_space<vmem_shared>> -> memref<128x128xf32, #tpu.memory_space<vmem_shared>>
      tpu.enqueue_dma source(%arg9 : memref<128x128xf32, #tpu.memory_space<vmem>>) target(%dma_start3A_42 : memref<128x128xf32, #tpu.memory_space<vmem_shared>>) target_semaphore(%run_scoped3A : memref<!tpu.dma_semaphore, #tpu.memory_space<semaphore_mem>>)
      %dma_wait3A = arith.constant 0 : i32
      %dma_wait3A_43 = tpu.memref_slice %arg6[%add3A_11, %dma_wait3A] : memref<10240x128xf32, #tpu.memory_space<vmem_shared>> -> memref<128x128xf32, #tpu.memory_space<vmem_shared>>
      %dma_wait3A_44 = arith.constant 0 : i32
      %dma_wait3A_45 = tpu.memref_slice %arg6[%add3A_11, %dma_wait3A_44] : memref<10240x128xf32, #tpu.memory_space<vmem_shared>> -> memref<128x128xf32, #tpu.memory_space<vmem_shared>>
      tpu.wait_dma2 semaphore(%run_scoped3A : memref<!tpu.dma_semaphore, #tpu.memory_space<semaphore_mem>>) src(%arg9 : memref<128x128xf32, #tpu.memory_space<vmem>>) dst(%dma_wait3A_45 : memref<128x128xf32, #tpu.memory_space<vmem_shared>>)
      tpu.yield
    }) : () -> ()
    %add3A_12 = arith.constant 384 : i32
    %add3A_13 = arith.addi %mul3A_0, %add3A_12 : i32
    "tpu.region"() ({
      %run_scoped3A = tpu.sem_alloc : memref<!tpu.dma_semaphore, #tpu.memory_space<semaphore_mem>>
      %dma_start3A = arith.constant 0 : i32
      %dma_start3A_40 = tpu.memref_slice %arg6[%add3A_13, %dma_start3A] : memref<10240x128xf32, #tpu.memory_space<vmem_shared>> -> memref<128x128xf32, #tpu.memory_space<vmem_shared>>
      %dma_start3A_41 = arith.constant 0 : i32
      %dma_start3A_42 = tpu.memref_slice %arg6[%add3A_13, %dma_start3A_41] : memref<10240x128xf32, #tpu.memory_space<vmem_shared>> -> memref<128x128xf32, #tpu.memory_space<vmem_shared>>
      tpu.enqueue_dma source(%arg9 : memref<128x128xf32, #tpu.memory_space<vmem>>) target(%dma_start3A_42 : memref<128x128xf32, #tpu.memory_space<vmem_shared>>) target_semaphore(%run_scoped3A : memref<!tpu.dma_semaphore, #tpu.memory_space<semaphore_mem>>)
      %dma_wait3A = arith.constant 0 : i32
      %dma_wait3A_43 = tpu.memref_slice %arg6[%add3A_13, %dma_wait3A] : memref<10240x128xf32, #tpu.memory_space<vmem_shared>> -> memref<128x128xf32, #tpu.memory_space<vmem_shared>>
      %dma_wait3A_44 = arith.constant 0 : i32
      %dma_wait3A_45 = tpu.memref_slice %arg6[%add3A_13, %dma_wait3A_44] : memref<10240x128xf32, #tpu.memory_space<vmem_shared>> -> memref<128x128xf32, #tpu.memory_space<vmem_shared>>
      tpu.wait_dma2 semaphore(%run_scoped3A : memref<!tpu.dma_semaphore, #tpu.memory_space<semaphore_mem>>) src(%arg9 : memref<128x128xf32, #tpu.memory_space<vmem>>) dst(%dma_wait3A_45 : memref<128x128xf32, #tpu.memory_space<vmem_shared>>)
      tpu.yield
    }) : () -> ()
    %add3A_14 = arith.constant 512 : i32
    %add3A_15 = arith.addi %mul3A_0, %add3A_14 : i32
    "tpu.region"() ({
      %run_scoped3A = tpu.sem_alloc : memref<!tpu.dma_semaphore, #tpu.memory_space<semaphore_mem>>
      %dma_start3A = arith.constant 0 : i32
      %dma_start3A_40 = tpu.memref_slice %arg6[%add3A_15, %dma_start3A] : memref<10240x128xf32, #tpu.memory_space<vmem_shared>> -> memref<128x128xf32, #tpu.memory_space<vmem_shared>>
      %dma_start3A_41 = arith.constant 0 : i32
      %dma_start3A_42 = tpu.memref_slice %arg6[%add3A_15, %dma_start3A_41] : memref<10240x128xf32, #tpu.memory_space<vmem_shared>> -> memref<128x128xf32, #tpu.memory_space<vmem_shared>>
      tpu.enqueue_dma source(%arg9 : memref<128x128xf32, #tpu.memory_space<vmem>>) target(%dma_start3A_42 : memref<128x128xf32, #tpu.memory_space<vmem_shared>>) target_semaphore(%run_scoped3A : memref<!tpu.dma_semaphore, #tpu.memory_space<semaphore_mem>>)
      %dma_wait3A = arith.constant 0 : i32
      %dma_wait3A_43 = tpu.memref_slice %arg6[%add3A_15, %dma_wait3A] : memref<10240x128xf32, #tpu.memory_space<vmem_shared>> -> memref<128x128xf32, #tpu.memory_space<vmem_shared>>
      %dma_wait3A_44 = arith.constant 0 : i32
      %dma_wait3A_45 = tpu.memref_slice %arg6[%add3A_15, %dma_wait3A_44] : memref<10240x128xf32, #tpu.memory_space<vmem_shared>> -> memref<128x128xf32, #tpu.memory_space<vmem_shared>>
      tpu.wait_dma2 semaphore(%run_scoped3A : memref<!tpu.dma_semaphore, #tpu.memory_space<semaphore_mem>>) src(%arg9 : memref<128x128xf32, #tpu.memory_space<vmem>>) dst(%dma_wait3A_45 : memref<128x128xf32, #tpu.memory_space<vmem_shared>>)
      tpu.yield
    }) : () -> ()
    %barrier3A = arith.constant 0 : index
    tpu.barrier barrier_id(%barrier3A)
    %eq3A = arith.constant 0 : i32
    %eq3A_16 = arith.cmpi eq, %arg0, %eq3A : i32
    %jit3A = arith.constant 19 : i32
    %jit3A_17 = arith.constant 1 : i32
    %select_n3A = arith.select %eq3A_16, %jit3A, %jit3A_17 : i32
    %eq3A_18 = arith.constant 0 : i32
    %eq3A_19 = arith.cmpi eq, %arg0, %eq3A_18 : i32
    %mul3A_20 = arith.constant 152 : i32
    %mul3A_21 = arith.muli %arg1, %mul3A_20 : i32
    %mul3A_22 = arith.constant 8 : i32
    %mul3A_23 = arith.muli %arg1, %mul3A_22 : i32
    %add3A_24 = arith.constant 2432 : i32
    %add3A_25 = arith.addi %add3A_24, %mul3A_23 : i32
    %select_n3A_26 = arith.select %eq3A_19, %mul3A_21, %add3A_25 : i32
    %while3A = arith.constant 0 : i32
    %while3A_27 = arith.constant 0 : i32
    %while3A_28 = arith.subi %select_n3A, %while3A_27 : i32
    %while3A_29 = arith.addi %while3A_27, %while3A_28 : i32
    %while3A_30 = arith.constant 1 : i32
    %while3A_31 = arith.divsi %while3A_28, %while3A_30 : i32
    %while3A_32 = arith.muli %while3A_31, %while3A_30 : i32
    %while3A_33 = arith.addi %while3A_27, %while3A_32 : i32
    %while3A_34 = arith.constant 1 : i32
    scf.for %while3A_40 = %while3A_27 to %while3A_33 step %while3A_34  : i32 {
      %mul3A_41 = arith.constant 8 : i32
      %mul3A_42 = arith.muli %while3A_40, %mul3A_41 : i32
      %add3A_43 = arith.addi %select_n3A_26, %mul3A_42 : i32
      "tpu.region"() ({
        %run_scoped3A = tpu.sem_alloc : memref<!tpu.dma_semaphore, #tpu.memory_space<semaphore_mem>>
        %dma_start3A_104 = arith.constant 0 : i32
        %dma_start3A_105 = tpu.memref_slice %arg3[%add3A_43, %dma_start3A_104] : memref<2560x128xi32, #tpu.memory_space<hbm>> -> memref<8x128xi32, #tpu.memory_space<hbm>>
        %dma_start3A_106 = arith.constant 0 : i32
        %dma_start3A_107 = tpu.memref_slice %arg3[%add3A_43, %dma_start3A_106] : memref<2560x128xi32, #tpu.memory_space<hbm>> -> memref<8x128xi32, #tpu.memory_space<hbm>>
        tpu.enqueue_dma source(%dma_start3A_107 : memref<8x128xi32, #tpu.memory_space<hbm>>) target(%arg7 : memref<8x128xi32, #tpu.memory_space<vmem>>) target_semaphore(%run_scoped3A : memref<!tpu.dma_semaphore, #tpu.memory_space<semaphore_mem>>)
        %dma_wait3A_108 = arith.constant 0 : i32
        %dma_wait3A_109 = tpu.memref_slice %arg3[%add3A_43, %dma_wait3A_108] : memref<2560x128xi32, #tpu.memory_space<hbm>> -> memref<8x128xi32, #tpu.memory_space<hbm>>
        %dma_wait3A_110 = arith.constant 0 : i32
        %dma_wait3A_111 = tpu.memref_slice %arg3[%add3A_43, %dma_wait3A_110] : memref<2560x128xi32, #tpu.memory_space<hbm>> -> memref<8x128xi32, #tpu.memory_space<hbm>>
        tpu.wait_dma2 semaphore(%run_scoped3A : memref<!tpu.dma_semaphore, #tpu.memory_space<semaphore_mem>>) src(%dma_wait3A_111 : memref<8x128xi32, #tpu.memory_space<hbm>>) dst(%arg7 : memref<8x128xi32, #tpu.memory_space<vmem>>)
        tpu.yield
      }) : () -> ()
      "tpu.region"() ({
        %run_scoped3A = tpu.sem_alloc : memref<!tpu.dma_semaphore, #tpu.memory_space<semaphore_mem>>
        %dma_start3A_104 = arith.constant 0 : i32
        %dma_start3A_105 = tpu.memref_slice %arg4[%add3A_43, %dma_start3A_104] : memref<2560x128xi32, #tpu.memory_space<hbm>> -> memref<8x128xi32, #tpu.memory_space<hbm>>
        %dma_start3A_106 = arith.constant 0 : i32
        %dma_start3A_107 = tpu.memref_slice %arg4[%add3A_43, %dma_start3A_106] : memref<2560x128xi32, #tpu.memory_space<hbm>> -> memref<8x128xi32, #tpu.memory_space<hbm>>
        tpu.enqueue_dma source(%dma_start3A_107 : memref<8x128xi32, #tpu.memory_space<hbm>>) target(%arg8 : memref<8x128xi32, #tpu.memory_space<vmem>>) target_semaphore(%run_scoped3A : memref<!tpu.dma_semaphore, #tpu.memory_space<semaphore_mem>>)
        %dma_wait3A_108 = arith.constant 0 : i32
        %dma_wait3A_109 = tpu.memref_slice %arg4[%add3A_43, %dma_wait3A_108] : memref<2560x128xi32, #tpu.memory_space<hbm>> -> memref<8x128xi32, #tpu.memory_space<hbm>>
        %dma_wait3A_110 = arith.constant 0 : i32
        %dma_wait3A_111 = tpu.memref_slice %arg4[%add3A_43, %dma_wait3A_110] : memref<2560x128xi32, #tpu.memory_space<hbm>> -> memref<8x128xi32, #tpu.memory_space<hbm>>
        tpu.wait_dma2 semaphore(%run_scoped3A : memref<!tpu.dma_semaphore, #tpu.memory_space<semaphore_mem>>) src(%dma_wait3A_111 : memref<8x128xi32, #tpu.memory_space<hbm>>) dst(%arg8 : memref<8x128xi32, #tpu.memory_space<vmem>>)
        tpu.yield
      }) : () -> ()
      %dma_start3A = arith.constant 0 : i32
      %dma_start3A_44 = arith.constant 0 : i32
      %dma_start3A_45 = tpu.memref_slice %arg7[%dma_start3A, %dma_start3A_44] : memref<8x128xi32, #tpu.memory_space<vmem>> -> memref<1x128xi32, #tpu.memory_space<vmem>>
      %dma_start3A_46 = tpu.memref_squeeze %dma_start3A_45 : memref<1x128xi32, #tpu.memory_space<vmem>> -> memref<128xi32, #tpu.memory_space<vmem>>
      %dma_start3A_47 = arith.constant 0 : i32
      %dma_start3A_48 = arith.constant 0 : i32
      %dma_start3A_49 = tpu.memref_slice %arg2[%dma_start3A_47, %dma_start3A_48] : memref<10240x128xf32, #tpu.memory_space<hbm>> -> memref<10240x128xf32, #tpu.memory_space<hbm>>
      tpu.enqueue_indirect_dma source(%dma_start3A_49 : memref<10240x128xf32, #tpu.memory_space<hbm>>) target(%arg9 : memref<128x128xf32, #tpu.memory_space<vmem>>) offsets(%dma_start3A_46 : memref<128xi32, #tpu.memory_space<vmem>>) semaphore(%arg11 : memref<!tpu.dma_semaphore, #tpu.memory_space<semaphore_mem>>)
      %dma_start3A_50 = arith.constant 1 : i32
      %dma_start3A_51 = arith.constant 0 : i32
      %dma_start3A_52 = tpu.memref_slice %arg7[%dma_start3A_50, %dma_start3A_51] : memref<8x128xi32, #tpu.memory_space<vmem>> -> memref<1x128xi32, #tpu.memory_space<vmem>>
      %dma_start3A_53 = tpu.memref_squeeze %dma_start3A_52 : memref<1x128xi32, #tpu.memory_space<vmem>> -> memref<128xi32, #tpu.memory_space<vmem>>
      %dma_start3A_54 = arith.constant 0 : i32
      %dma_start3A_55 = arith.constant 0 : i32
      %dma_start3A_56 = tpu.memref_slice %arg2[%dma_start3A_54, %dma_start3A_55] : memref<10240x128xf32, #tpu.memory_space<hbm>> -> memref<10240x128xf32, #tpu.memory_space<hbm>>
      tpu.enqueue_indirect_dma source(%dma_start3A_56 : memref<10240x128xf32, #tpu.memory_space<hbm>>) target(%arg10 : memref<128x128xf32, #tpu.memory_space<vmem>>) offsets(%dma_start3A_53 : memref<128xi32, #tpu.memory_space<vmem>>) semaphore(%arg12 : memref<!tpu.dma_semaphore, #tpu.memory_space<semaphore_mem>>)
      %dma_wait3A = arith.constant 0 : i32
      %dma_wait3A_57 = arith.constant 0 : i32
      %dma_wait3A_58 = tpu.memref_slice %arg7[%dma_wait3A, %dma_wait3A_57] : memref<8x128xi32, #tpu.memory_space<vmem>> -> memref<1x128xi32, #tpu.memory_space<vmem>>
      %dma_wait3A_59 = tpu.memref_squeeze %dma_wait3A_58 : memref<1x128xi32, #tpu.memory_space<vmem>> -> memref<128xi32, #tpu.memory_space<vmem>>
      %dma_wait3A_60 = arith.constant 0 : i32
      %dma_wait3A_61 = arith.constant 0 : i32
      %dma_wait3A_62 = tpu.memref_slice %arg2[%dma_wait3A_60, %dma_wait3A_61] : memref<10240x128xf32, #tpu.memory_space<hbm>> -> memref<10240x128xf32, #tpu.memory_space<hbm>>
      tpu.wait_indirect_dma semaphore(%arg11 : memref<!tpu.dma_semaphore, #tpu.memory_space<semaphore_mem>>) src(%dma_wait3A_62 : memref<10240x128xf32, #tpu.memory_space<hbm>>) dst(%arg9 : memref<128x128xf32, #tpu.memory_space<vmem>>)
      %dma_start3A_63 = arith.constant 0 : i32
      %dma_start3A_64 = arith.constant 0 : i32
      %dma_start3A_65 = tpu.memref_slice %arg8[%dma_start3A_63, %dma_start3A_64] : memref<8x128xi32, #tpu.memory_space<vmem>> -> memref<1x128xi32, #tpu.memory_space<vmem>>
      %dma_start3A_66 = tpu.memref_squeeze %dma_start3A_65 : memref<1x128xi32, #tpu.memory_space<vmem>> -> memref<128xi32, #tpu.memory_space<vmem>>
      %dma_start3A_67 = arith.constant 0 : i32
      %dma_start3A_68 = arith.constant 0 : i32
      %dma_start3A_69 = tpu.memref_slice %arg6[%dma_start3A_67, %dma_start3A_68] : memref<10240x128xf32, #tpu.memory_space<vmem_shared>> -> memref<10240x128xf32, #tpu.memory_space<vmem_shared>>
      tpu.enqueue_indirect_dma source(%arg9 : memref<128x128xf32, #tpu.memory_space<vmem>>) target(%dma_start3A_69 : memref<10240x128xf32, #tpu.memory_space<vmem_shared>>) offsets(%dma_start3A_66 : memref<128xi32, #tpu.memory_space<vmem>>) semaphore(%arg13 : memref<!tpu.dma_semaphore, #tpu.memory_space<semaphore_mem>>) {add = true}
      %scan3A_70 = arith.constant 0 : i32
      %scan3A_71 = arith.constant 1 : i32
      %scan3A_72 = arith.constant 3 : i32
      %scan3A_73 = arith.addi %scan3A_71, %scan3A_72 : i32
      %scan3A_74 = arith.constant 1 : i32
      scf.for %scan3A_104 = %scan3A_71 to %scan3A_73 step %scan3A_74  : i32 {
        %mul3A_105 = arith.constant 2 : i32
        %mul3A_106 = arith.muli %mul3A_105, %scan3A_104 : i32
        %add3A_107 = arith.constant 0 : i32
        %add3A_108 = arith.addi %mul3A_106, %add3A_107 : i32
        %dma_wait3A_109 = arith.constant 0 : i32
        %dma_wait3A_110 = arith.constant 0 : i32
        %dma_wait3A_111 = tpu.memref_slice %arg8[%dma_wait3A_109, %dma_wait3A_110] : memref<8x128xi32, #tpu.memory_space<vmem>> -> memref<1x128xi32, #tpu.memory_space<vmem>>
        %dma_wait3A_112 = tpu.memref_squeeze %dma_wait3A_111 : memref<1x128xi32, #tpu.memory_space<vmem>> -> memref<128xi32, #tpu.memory_space<vmem>>
        %dma_wait3A_113 = arith.constant 0 : i32
        %dma_wait3A_114 = arith.constant 0 : i32
        %dma_wait3A_115 = tpu.memref_slice %arg6[%dma_wait3A_113, %dma_wait3A_114] : memref<10240x128xf32, #tpu.memory_space<vmem_shared>> -> memref<10240x128xf32, #tpu.memory_space<vmem_shared>>
        tpu.wait_indirect_dma semaphore(%arg13 : memref<!tpu.dma_semaphore, #tpu.memory_space<semaphore_mem>>) src(%arg9 : memref<128x128xf32, #tpu.memory_space<vmem>>) dst(%dma_wait3A_115 : memref<10240x128xf32, #tpu.memory_space<vmem_shared>>)
        %dma_start3A_116 = arith.constant 0 : i32
        %dma_start3A_117 = tpu.memref_slice %arg7[%add3A_108, %dma_start3A_116] : memref<8x128xi32, #tpu.memory_space<vmem>> -> memref<1x128xi32, #tpu.memory_space<vmem>>
        %dma_start3A_118 = tpu.memref_squeeze %dma_start3A_117 : memref<1x128xi32, #tpu.memory_space<vmem>> -> memref<128xi32, #tpu.memory_space<vmem>>
        %dma_start3A_119 = arith.constant 0 : i32
        %dma_start3A_120 = arith.constant 0 : i32
        %dma_start3A_121 = tpu.memref_slice %arg2[%dma_start3A_119, %dma_start3A_120] : memref<10240x128xf32, #tpu.memory_space<hbm>> -> memref<10240x128xf32, #tpu.memory_space<hbm>>
        tpu.enqueue_indirect_dma source(%dma_start3A_121 : memref<10240x128xf32, #tpu.memory_space<hbm>>) target(%arg9 : memref<128x128xf32, #tpu.memory_space<vmem>>) offsets(%dma_start3A_118 : memref<128xi32, #tpu.memory_space<vmem>>) semaphore(%arg11 : memref<!tpu.dma_semaphore, #tpu.memory_space<semaphore_mem>>)
        %dma_wait3A_122 = arith.constant 0 : i32
        %dma_wait3A_123 = arith.constant 0 : i32
        %dma_wait3A_124 = tpu.memref_slice %arg7[%dma_wait3A_122, %dma_wait3A_123] : memref<8x128xi32, #tpu.memory_space<vmem>> -> memref<1x128xi32, #tpu.memory_space<vmem>>
        %dma_wait3A_125 = tpu.memref_squeeze %dma_wait3A_124 : memref<1x128xi32, #tpu.memory_space<vmem>> -> memref<128xi32, #tpu.memory_space<vmem>>
        %dma_wait3A_126 = arith.constant 0 : i32
        %dma_wait3A_127 = arith.constant 0 : i32
        %dma_wait3A_128 = tpu.memref_slice %arg2[%dma_wait3A_126, %dma_wait3A_127] : memref<10240x128xf32, #tpu.memory_space<hbm>> -> memref<10240x128xf32, #tpu.memory_space<hbm>>
        tpu.wait_indirect_dma semaphore(%arg12 : memref<!tpu.dma_semaphore, #tpu.memory_space<semaphore_mem>>) src(%dma_wait3A_128 : memref<10240x128xf32, #tpu.memory_space<hbm>>) dst(%arg10 : memref<128x128xf32, #tpu.memory_space<vmem>>)
        %sub3A = arith.constant 1 : i32
        %sub3A_129 = arith.subi %add3A_108, %sub3A : i32
        %dma_start3A_130 = arith.constant 0 : i32
        %dma_start3A_131 = tpu.memref_slice %arg8[%sub3A_129, %dma_start3A_130] : memref<8x128xi32, #tpu.memory_space<vmem>> -> memref<1x128xi32, #tpu.memory_space<vmem>>
        %dma_start3A_132 = tpu.memref_squeeze %dma_start3A_131 : memref<1x128xi32, #tpu.memory_space<vmem>> -> memref<128xi32, #tpu.memory_space<vmem>>
        %dma_start3A_133 = arith.constant 0 : i32
        %dma_start3A_134 = arith.constant 0 : i32
        %dma_start3A_135 = tpu.memref_slice %arg6[%dma_start3A_133, %dma_start3A_134] : memref<10240x128xf32, #tpu.memory_space<vmem_shared>> -> memref<10240x128xf32, #tpu.memory_space<vmem_shared>>
        tpu.enqueue_indirect_dma source(%arg10 : memref<128x128xf32, #tpu.memory_space<vmem>>) target(%dma_start3A_135 : memref<10240x128xf32, #tpu.memory_space<vmem_shared>>) offsets(%dma_start3A_132 : memref<128xi32, #tpu.memory_space<vmem>>) semaphore(%arg14 : memref<!tpu.dma_semaphore, #tpu.memory_space<semaphore_mem>>) {add = true}
        %mul3A_136 = arith.constant 2 : i32
        %mul3A_137 = arith.muli %mul3A_136, %scan3A_104 : i32
        %add3A_138 = arith.constant 1 : i32
        %add3A_139 = arith.addi %mul3A_137, %add3A_138 : i32
        %dma_wait3A_140 = arith.constant 0 : i32
        %dma_wait3A_141 = arith.constant 0 : i32
        %dma_wait3A_142 = tpu.memref_slice %arg8[%dma_wait3A_140, %dma_wait3A_141] : memref<8x128xi32, #tpu.memory_space<vmem>> -> memref<1x128xi32, #tpu.memory_space<vmem>>
        %dma_wait3A_143 = tpu.memref_squeeze %dma_wait3A_142 : memref<1x128xi32, #tpu.memory_space<vmem>> -> memref<128xi32, #tpu.memory_space<vmem>>
        %dma_wait3A_144 = arith.constant 0 : i32
        %dma_wait3A_145 = arith.constant 0 : i32
        %dma_wait3A_146 = tpu.memref_slice %arg6[%dma_wait3A_144, %dma_wait3A_145] : memref<10240x128xf32, #tpu.memory_space<vmem_shared>> -> memref<10240x128xf32, #tpu.memory_space<vmem_shared>>
        tpu.wait_indirect_dma semaphore(%arg14 : memref<!tpu.dma_semaphore, #tpu.memory_space<semaphore_mem>>) src(%arg10 : memref<128x128xf32, #tpu.memory_space<vmem>>) dst(%dma_wait3A_146 : memref<10240x128xf32, #tpu.memory_space<vmem_shared>>)
        %dma_start3A_147 = arith.constant 0 : i32
        %dma_start3A_148 = tpu.memref_slice %arg7[%add3A_139, %dma_start3A_147] : memref<8x128xi32, #tpu.memory_space<vmem>> -> memref<1x128xi32, #tpu.memory_space<vmem>>
        %dma_start3A_149 = tpu.memref_squeeze %dma_start3A_148 : memref<1x128xi32, #tpu.memory_space<vmem>> -> memref<128xi32, #tpu.memory_space<vmem>>
        %dma_start3A_150 = arith.constant 0 : i32
        %dma_start3A_151 = arith.constant 0 : i32
        %dma_start3A_152 = tpu.memref_slice %arg2[%dma_start3A_150, %dma_start3A_151] : memref<10240x128xf32, #tpu.memory_space<hbm>> -> memref<10240x128xf32, #tpu.memory_space<hbm>>
        tpu.enqueue_indirect_dma source(%dma_start3A_152 : memref<10240x128xf32, #tpu.memory_space<hbm>>) target(%arg10 : memref<128x128xf32, #tpu.memory_space<vmem>>) offsets(%dma_start3A_149 : memref<128xi32, #tpu.memory_space<vmem>>) semaphore(%arg12 : memref<!tpu.dma_semaphore, #tpu.memory_space<semaphore_mem>>)
        %dma_wait3A_153 = arith.constant 0 : i32
        %dma_wait3A_154 = arith.constant 0 : i32
        %dma_wait3A_155 = tpu.memref_slice %arg7[%dma_wait3A_153, %dma_wait3A_154] : memref<8x128xi32, #tpu.memory_space<vmem>> -> memref<1x128xi32, #tpu.memory_space<vmem>>
        %dma_wait3A_156 = tpu.memref_squeeze %dma_wait3A_155 : memref<1x128xi32, #tpu.memory_space<vmem>> -> memref<128xi32, #tpu.memory_space<vmem>>
        %dma_wait3A_157 = arith.constant 0 : i32
        %dma_wait3A_158 = arith.constant 0 : i32
        %dma_wait3A_159 = tpu.memref_slice %arg2[%dma_wait3A_157, %dma_wait3A_158] : memref<10240x128xf32, #tpu.memory_space<hbm>> -> memref<10240x128xf32, #tpu.memory_space<hbm>>
        tpu.wait_indirect_dma semaphore(%arg11 : memref<!tpu.dma_semaphore, #tpu.memory_space<semaphore_mem>>) src(%dma_wait3A_159 : memref<10240x128xf32, #tpu.memory_space<hbm>>) dst(%arg9 : memref<128x128xf32, #tpu.memory_space<vmem>>)
        %sub3A_160 = arith.constant 1 : i32
        %sub3A_161 = arith.subi %add3A_139, %sub3A_160 : i32
        %dma_start3A_162 = arith.constant 0 : i32
        %dma_start3A_163 = tpu.memref_slice %arg8[%sub3A_161, %dma_start3A_162] : memref<8x128xi32, #tpu.memory_space<vmem>> -> memref<1x128xi32, #tpu.memory_space<vmem>>
        %dma_start3A_164 = tpu.memref_squeeze %dma_start3A_163 : memref<1x128xi32, #tpu.memory_space<vmem>> -> memref<128xi32, #tpu.memory_space<vmem>>
        %dma_start3A_165 = arith.constant 0 : i32
        %dma_start3A_166 = arith.constant 0 : i32
        %dma_start3A_167 = tpu.memref_slice %arg6[%dma_start3A_165, %dma_start3A_166] : memref<10240x128xf32, #tpu.memory_space<vmem_shared>> -> memref<10240x128xf32, #tpu.memory_space<vmem_shared>>
        tpu.enqueue_indirect_dma source(%arg9 : memref<128x128xf32, #tpu.memory_space<vmem>>) target(%dma_start3A_167 : memref<10240x128xf32, #tpu.memory_space<vmem_shared>>) offsets(%dma_start3A_164 : memref<128xi32, #tpu.memory_space<vmem>>) semaphore(%arg13 : memref<!tpu.dma_semaphore, #tpu.memory_space<semaphore_mem>>) {add = true}
      }
      %scan3A_75 = arith.constant 3 : i32
      %dma_wait3A_76 = arith.constant 0 : i32
      %dma_wait3A_77 = arith.constant 0 : i32
      %dma_wait3A_78 = tpu.memref_slice %arg7[%dma_wait3A_76, %dma_wait3A_77] : memref<8x128xi32, #tpu.memory_space<vmem>> -> memref<1x128xi32, #tpu.memory_space<vmem>>
      %dma_wait3A_79 = tpu.memref_squeeze %dma_wait3A_78 : memref<1x128xi32, #tpu.memory_space<vmem>> -> memref<128xi32, #tpu.memory_space<vmem>>
      %dma_wait3A_80 = arith.constant 0 : i32
      %dma_wait3A_81 = arith.constant 0 : i32
      %dma_wait3A_82 = tpu.memref_slice %arg2[%dma_wait3A_80, %dma_wait3A_81] : memref<10240x128xf32, #tpu.memory_space<hbm>> -> memref<10240x128xf32, #tpu.memory_space<hbm>>
      tpu.wait_indirect_dma semaphore(%arg12 : memref<!tpu.dma_semaphore, #tpu.memory_space<semaphore_mem>>) src(%dma_wait3A_82 : memref<10240x128xf32, #tpu.memory_space<hbm>>) dst(%arg10 : memref<128x128xf32, #tpu.memory_space<vmem>>)
      %dma_start3A_83 = arith.constant 7 : i32
      %dma_start3A_84 = arith.constant 0 : i32
      %dma_start3A_85 = tpu.memref_slice %arg8[%dma_start3A_83, %dma_start3A_84] : memref<8x128xi32, #tpu.memory_space<vmem>> -> memref<1x128xi32, #tpu.memory_space<vmem>>
      %dma_start3A_86 = tpu.memref_squeeze %dma_start3A_85 : memref<1x128xi32, #tpu.memory_space<vmem>> -> memref<128xi32, #tpu.memory_space<vmem>>
      %dma_start3A_87 = arith.constant 0 : i32
      %dma_start3A_88 = arith.constant 0 : i32
      %dma_start3A_89 = tpu.memref_slice %arg6[%dma_start3A_87, %dma_start3A_88] : memref<10240x128xf32, #tpu.memory_space<vmem_shared>> -> memref<10240x128xf32, #tpu.memory_space<vmem_shared>>
      tpu.enqueue_indirect_dma source(%arg10 : memref<128x128xf32, #tpu.memory_space<vmem>>) target(%dma_start3A_89 : memref<10240x128xf32, #tpu.memory_space<vmem_shared>>) offsets(%dma_start3A_86 : memref<128xi32, #tpu.memory_space<vmem>>) semaphore(%arg14 : memref<!tpu.dma_semaphore, #tpu.memory_space<semaphore_mem>>) {add = true}
      %dma_wait3A_90 = arith.constant 0 : i32
      %dma_wait3A_91 = arith.constant 0 : i32
      %dma_wait3A_92 = tpu.memref_slice %arg8[%dma_wait3A_90, %dma_wait3A_91] : memref<8x128xi32, #tpu.memory_space<vmem>> -> memref<1x128xi32, #tpu.memory_space<vmem>>
      %dma_wait3A_93 = tpu.memref_squeeze %dma_wait3A_92 : memref<1x128xi32, #tpu.memory_space<vmem>> -> memref<128xi32, #tpu.memory_space<vmem>>
      %dma_wait3A_94 = arith.constant 0 : i32
      %dma_wait3A_95 = arith.constant 0 : i32
      %dma_wait3A_96 = tpu.memref_slice %arg6[%dma_wait3A_94, %dma_wait3A_95] : memref<10240x128xf32, #tpu.memory_space<vmem_shared>> -> memref<10240x128xf32, #tpu.memory_space<vmem_shared>>
      tpu.wait_indirect_dma semaphore(%arg13 : memref<!tpu.dma_semaphore, #tpu.memory_space<semaphore_mem>>) src(%arg9 : memref<128x128xf32, #tpu.memory_space<vmem>>) dst(%dma_wait3A_96 : memref<10240x128xf32, #tpu.memory_space<vmem_shared>>)
      %dma_wait3A_97 = arith.constant 0 : i32
      %dma_wait3A_98 = arith.constant 0 : i32
      %dma_wait3A_99 = tpu.memref_slice %arg8[%dma_wait3A_97, %dma_wait3A_98] : memref<8x128xi32, #tpu.memory_space<vmem>> -> memref<1x128xi32, #tpu.memory_space<vmem>>
      %dma_wait3A_100 = tpu.memref_squeeze %dma_wait3A_99 : memref<1x128xi32, #tpu.memory_space<vmem>> -> memref<128xi32, #tpu.memory_space<vmem>>
      %dma_wait3A_101 = arith.constant 0 : i32
      %dma_wait3A_102 = arith.constant 0 : i32
      %dma_wait3A_103 = tpu.memref_slice %arg6[%dma_wait3A_101, %dma_wait3A_102] : memref<10240x128xf32, #tpu.memory_space<vmem_shared>> -> memref<10240x128xf32, #tpu.memory_space<vmem_shared>>
      tpu.wait_indirect_dma semaphore(%arg14 : memref<!tpu.dma_semaphore, #tpu.memory_space<semaphore_mem>>) src(%arg10 : memref<128x128xf32, #tpu.memory_space<vmem>>) dst(%dma_wait3A_103 : memref<10240x128xf32, #tpu.memory_space<vmem_shared>>)
    }
    %while3A_35 = arith.constant 1 : i32
    scf.for %while3A_40 = %while3A_33 to %while3A_29 step %while3A_35  : i32 {
      %mul3A_41 = arith.constant 8 : i32
      %mul3A_42 = arith.muli %while3A_40, %mul3A_41 : i32
      %add3A_43 = arith.addi %select_n3A_26, %mul3A_42 : i32
      "tpu.region"() ({
        %run_scoped3A = tpu.sem_alloc : memref<!tpu.dma_semaphore, #tpu.memory_space<semaphore_mem>>
        %dma_start3A_104 = arith.constant 0 : i32
        %dma_start3A_105 = tpu.memref_slice %arg3[%add3A_43, %dma_start3A_104] : memref<2560x128xi32, #tpu.memory_space<hbm>> -> memref<8x128xi32, #tpu.memory_space<hbm>>
        %dma_start3A_106 = arith.constant 0 : i32
        %dma_start3A_107 = tpu.memref_slice %arg3[%add3A_43, %dma_start3A_106] : memref<2560x128xi32, #tpu.memory_space<hbm>> -> memref<8x128xi32, #tpu.memory_space<hbm>>
        tpu.enqueue_dma source(%dma_start3A_107 : memref<8x128xi32, #tpu.memory_space<hbm>>) target(%arg7 : memref<8x128xi32, #tpu.memory_space<vmem>>) target_semaphore(%run_scoped3A : memref<!tpu.dma_semaphore, #tpu.memory_space<semaphore_mem>>)
        %dma_wait3A_108 = arith.constant 0 : i32
        %dma_wait3A_109 = tpu.memref_slice %arg3[%add3A_43, %dma_wait3A_108] : memref<2560x128xi32, #tpu.memory_space<hbm>> -> memref<8x128xi32, #tpu.memory_space<hbm>>
        %dma_wait3A_110 = arith.constant 0 : i32
        %dma_wait3A_111 = tpu.memref_slice %arg3[%add3A_43, %dma_wait3A_110] : memref<2560x128xi32, #tpu.memory_space<hbm>> -> memref<8x128xi32, #tpu.memory_space<hbm>>
        tpu.wait_dma2 semaphore(%run_scoped3A : memref<!tpu.dma_semaphore, #tpu.memory_space<semaphore_mem>>) src(%dma_wait3A_111 : memref<8x128xi32, #tpu.memory_space<hbm>>) dst(%arg7 : memref<8x128xi32, #tpu.memory_space<vmem>>)
        tpu.yield
      }) : () -> ()
      "tpu.region"() ({
        %run_scoped3A = tpu.sem_alloc : memref<!tpu.dma_semaphore, #tpu.memory_space<semaphore_mem>>
        %dma_start3A_104 = arith.constant 0 : i32
        %dma_start3A_105 = tpu.memref_slice %arg4[%add3A_43, %dma_start3A_104] : memref<2560x128xi32, #tpu.memory_space<hbm>> -> memref<8x128xi32, #tpu.memory_space<hbm>>
        %dma_start3A_106 = arith.constant 0 : i32
        %dma_start3A_107 = tpu.memref_slice %arg4[%add3A_43, %dma_start3A_106] : memref<2560x128xi32, #tpu.memory_space<hbm>> -> memref<8x128xi32, #tpu.memory_space<hbm>>
        tpu.enqueue_dma source(%dma_start3A_107 : memref<8x128xi32, #tpu.memory_space<hbm>>) target(%arg8 : memref<8x128xi32, #tpu.memory_space<vmem>>) target_semaphore(%run_scoped3A : memref<!tpu.dma_semaphore, #tpu.memory_space<semaphore_mem>>)
        %dma_wait3A_108 = arith.constant 0 : i32
        %dma_wait3A_109 = tpu.memref_slice %arg4[%add3A_43, %dma_wait3A_108] : memref<2560x128xi32, #tpu.memory_space<hbm>> -> memref<8x128xi32, #tpu.memory_space<hbm>>
        %dma_wait3A_110 = arith.constant 0 : i32
        %dma_wait3A_111 = tpu.memref_slice %arg4[%add3A_43, %dma_wait3A_110] : memref<2560x128xi32, #tpu.memory_space<hbm>> -> memref<8x128xi32, #tpu.memory_space<hbm>>
        tpu.wait_dma2 semaphore(%run_scoped3A : memref<!tpu.dma_semaphore, #tpu.memory_space<semaphore_mem>>) src(%dma_wait3A_111 : memref<8x128xi32, #tpu.memory_space<hbm>>) dst(%arg8 : memref<8x128xi32, #tpu.memory_space<vmem>>)
        tpu.yield
      }) : () -> ()
      %dma_start3A = arith.constant 0 : i32
      %dma_start3A_44 = arith.constant 0 : i32
      %dma_start3A_45 = tpu.memref_slice %arg7[%dma_start3A, %dma_start3A_44] : memref<8x128xi32, #tpu.memory_space<vmem>> -> memref<1x128xi32, #tpu.memory_space<vmem>>
      %dma_start3A_46 = tpu.memref_squeeze %dma_start3A_45 : memref<1x128xi32, #tpu.memory_space<vmem>> -> memref<128xi32, #tpu.memory_space<vmem>>
      %dma_start3A_47 = arith.constant 0 : i32
      %dma_start3A_48 = arith.constant 0 : i32
      %dma_start3A_49 = tpu.memref_slice %arg2[%dma_start3A_47, %dma_start3A_48] : memref<10240x128xf32, #tpu.memory_space<hbm>> -> memref<10240x128xf32, #tpu.memory_space<hbm>>
      tpu.enqueue_indirect_dma source(%dma_start3A_49 : memref<10240x128xf32, #tpu.memory_space<hbm>>) target(%arg9 : memref<128x128xf32, #tpu.memory_space<vmem>>) offsets(%dma_start3A_46 : memref<128xi32, #tpu.memory_space<vmem>>) semaphore(%arg11 : memref<!tpu.dma_semaphore, #tpu.memory_space<semaphore_mem>>)
      %dma_start3A_50 = arith.constant 1 : i32
      %dma_start3A_51 = arith.constant 0 : i32
      %dma_start3A_52 = tpu.memref_slice %arg7[%dma_start3A_50, %dma_start3A_51] : memref<8x128xi32, #tpu.memory_space<vmem>> -> memref<1x128xi32, #tpu.memory_space<vmem>>
      %dma_start3A_53 = tpu.memref_squeeze %dma_start3A_52 : memref<1x128xi32, #tpu.memory_space<vmem>> -> memref<128xi32, #tpu.memory_space<vmem>>
      %dma_start3A_54 = arith.constant 0 : i32
      %dma_start3A_55 = arith.constant 0 : i32
      %dma_start3A_56 = tpu.memref_slice %arg2[%dma_start3A_54, %dma_start3A_55] : memref<10240x128xf32, #tpu.memory_space<hbm>> -> memref<10240x128xf32, #tpu.memory_space<hbm>>
      tpu.enqueue_indirect_dma source(%dma_start3A_56 : memref<10240x128xf32, #tpu.memory_space<hbm>>) target(%arg10 : memref<128x128xf32, #tpu.memory_space<vmem>>) offsets(%dma_start3A_53 : memref<128xi32, #tpu.memory_space<vmem>>) semaphore(%arg12 : memref<!tpu.dma_semaphore, #tpu.memory_space<semaphore_mem>>)
      %dma_wait3A = arith.constant 0 : i32
      %dma_wait3A_57 = arith.constant 0 : i32
      %dma_wait3A_58 = tpu.memref_slice %arg7[%dma_wait3A, %dma_wait3A_57] : memref<8x128xi32, #tpu.memory_space<vmem>> -> memref<1x128xi32, #tpu.memory_space<vmem>>
      %dma_wait3A_59 = tpu.memref_squeeze %dma_wait3A_58 : memref<1x128xi32, #tpu.memory_space<vmem>> -> memref<128xi32, #tpu.memory_space<vmem>>
      %dma_wait3A_60 = arith.constant 0 : i32
      %dma_wait3A_61 = arith.constant 0 : i32
      %dma_wait3A_62 = tpu.memref_slice %arg2[%dma_wait3A_60, %dma_wait3A_61] : memref<10240x128xf32, #tpu.memory_space<hbm>> -> memref<10240x128xf32, #tpu.memory_space<hbm>>
      tpu.wait_indirect_dma semaphore(%arg11 : memref<!tpu.dma_semaphore, #tpu.memory_space<semaphore_mem>>) src(%dma_wait3A_62 : memref<10240x128xf32, #tpu.memory_space<hbm>>) dst(%arg9 : memref<128x128xf32, #tpu.memory_space<vmem>>)
      %dma_start3A_63 = arith.constant 0 : i32
      %dma_start3A_64 = arith.constant 0 : i32
      %dma_start3A_65 = tpu.memref_slice %arg8[%dma_start3A_63, %dma_start3A_64] : memref<8x128xi32, #tpu.memory_space<vmem>> -> memref<1x128xi32, #tpu.memory_space<vmem>>
      %dma_start3A_66 = tpu.memref_squeeze %dma_start3A_65 : memref<1x128xi32, #tpu.memory_space<vmem>> -> memref<128xi32, #tpu.memory_space<vmem>>
      %dma_start3A_67 = arith.constant 0 : i32
      %dma_start3A_68 = arith.constant 0 : i32
      %dma_start3A_69 = tpu.memref_slice %arg6[%dma_start3A_67, %dma_start3A_68] : memref<10240x128xf32, #tpu.memory_space<vmem_shared>> -> memref<10240x128xf32, #tpu.memory_space<vmem_shared>>
      tpu.enqueue_indirect_dma source(%arg9 : memref<128x128xf32, #tpu.memory_space<vmem>>) target(%dma_start3A_69 : memref<10240x128xf32, #tpu.memory_space<vmem_shared>>) offsets(%dma_start3A_66 : memref<128xi32, #tpu.memory_space<vmem>>) semaphore(%arg13 : memref<!tpu.dma_semaphore, #tpu.memory_space<semaphore_mem>>) {add = true}
      %scan3A_70 = arith.constant 0 : i32
      %scan3A_71 = arith.constant 1 : i32
      %scan3A_72 = arith.constant 3 : i32
      %scan3A_73 = arith.addi %scan3A_71, %scan3A_72 : i32
      %scan3A_74 = arith.constant 1 : i32
      scf.for %scan3A_104 = %scan3A_71 to %scan3A_73 step %scan3A_74  : i32 {
        %mul3A_105 = arith.constant 2 : i32
        %mul3A_106 = arith.muli %mul3A_105, %scan3A_104 : i32
        %add3A_107 = arith.constant 0 : i32
        %add3A_108 = arith.addi %mul3A_106, %add3A_107 : i32
        %dma_wait3A_109 = arith.constant 0 : i32
        %dma_wait3A_110 = arith.constant 0 : i32
        %dma_wait3A_111 = tpu.memref_slice %arg8[%dma_wait3A_109, %dma_wait3A_110] : memref<8x128xi32, #tpu.memory_space<vmem>> -> memref<1x128xi32, #tpu.memory_space<vmem>>
        %dma_wait3A_112 = tpu.memref_squeeze %dma_wait3A_111 : memref<1x128xi32, #tpu.memory_space<vmem>> -> memref<128xi32, #tpu.memory_space<vmem>>
        %dma_wait3A_113 = arith.constant 0 : i32
        %dma_wait3A_114 = arith.constant 0 : i32
        %dma_wait3A_115 = tpu.memref_slice %arg6[%dma_wait3A_113, %dma_wait3A_114] : memref<10240x128xf32, #tpu.memory_space<vmem_shared>> -> memref<10240x128xf32, #tpu.memory_space<vmem_shared>>
        tpu.wait_indirect_dma semaphore(%arg13 : memref<!tpu.dma_semaphore, #tpu.memory_space<semaphore_mem>>) src(%arg9 : memref<128x128xf32, #tpu.memory_space<vmem>>) dst(%dma_wait3A_115 : memref<10240x128xf32, #tpu.memory_space<vmem_shared>>)
        %dma_start3A_116 = arith.constant 0 : i32
        %dma_start3A_117 = tpu.memref_slice %arg7[%add3A_108, %dma_start3A_116] : memref<8x128xi32, #tpu.memory_space<vmem>> -> memref<1x128xi32, #tpu.memory_space<vmem>>
        %dma_start3A_118 = tpu.memref_squeeze %dma_start3A_117 : memref<1x128xi32, #tpu.memory_space<vmem>> -> memref<128xi32, #tpu.memory_space<vmem>>
        %dma_start3A_119 = arith.constant 0 : i32
        %dma_start3A_120 = arith.constant 0 : i32
        %dma_start3A_121 = tpu.memref_slice %arg2[%dma_start3A_119, %dma_start3A_120] : memref<10240x128xf32, #tpu.memory_space<hbm>> -> memref<10240x128xf32, #tpu.memory_space<hbm>>
        tpu.enqueue_indirect_dma source(%dma_start3A_121 : memref<10240x128xf32, #tpu.memory_space<hbm>>) target(%arg9 : memref<128x128xf32, #tpu.memory_space<vmem>>) offsets(%dma_start3A_118 : memref<128xi32, #tpu.memory_space<vmem>>) semaphore(%arg11 : memref<!tpu.dma_semaphore, #tpu.memory_space<semaphore_mem>>)
        %dma_wait3A_122 = arith.constant 0 : i32
        %dma_wait3A_123 = arith.constant 0 : i32
        %dma_wait3A_124 = tpu.memref_slice %arg7[%dma_wait3A_122, %dma_wait3A_123] : memref<8x128xi32, #tpu.memory_space<vmem>> -> memref<1x128xi32, #tpu.memory_space<vmem>>
        %dma_wait3A_125 = tpu.memref_squeeze %dma_wait3A_124 : memref<1x128xi32, #tpu.memory_space<vmem>> -> memref<128xi32, #tpu.memory_space<vmem>>
        %dma_wait3A_126 = arith.constant 0 : i32
        %dma_wait3A_127 = arith.constant 0 : i32
        %dma_wait3A_128 = tpu.memref_slice %arg2[%dma_wait3A_126, %dma_wait3A_127] : memref<10240x128xf32, #tpu.memory_space<hbm>> -> memref<10240x128xf32, #tpu.memory_space<hbm>>
        tpu.wait_indirect_dma semaphore(%arg12 : memref<!tpu.dma_semaphore, #tpu.memory_space<semaphore_mem>>) src(%dma_wait3A_128 : memref<10240x128xf32, #tpu.memory_space<hbm>>) dst(%arg10 : memref<128x128xf32, #tpu.memory_space<vmem>>)
        %sub3A = arith.constant 1 : i32
        %sub3A_129 = arith.subi %add3A_108, %sub3A : i32
        %dma_start3A_130 = arith.constant 0 : i32
        %dma_start3A_131 = tpu.memref_slice %arg8[%sub3A_129, %dma_start3A_130] : memref<8x128xi32, #tpu.memory_space<vmem>> -> memref<1x128xi32, #tpu.memory_space<vmem>>
        %dma_start3A_132 = tpu.memref_squeeze %dma_start3A_131 : memref<1x128xi32, #tpu.memory_space<vmem>> -> memref<128xi32, #tpu.memory_space<vmem>>
        %dma_start3A_133 = arith.constant 0 : i32
        %dma_start3A_134 = arith.constant 0 : i32
        %dma_start3A_135 = tpu.memref_slice %arg6[%dma_start3A_133, %dma_start3A_134] : memref<10240x128xf32, #tpu.memory_space<vmem_shared>> -> memref<10240x128xf32, #tpu.memory_space<vmem_shared>>
        tpu.enqueue_indirect_dma source(%arg10 : memref<128x128xf32, #tpu.memory_space<vmem>>) target(%dma_start3A_135 : memref<10240x128xf32, #tpu.memory_space<vmem_shared>>) offsets(%dma_start3A_132 : memref<128xi32, #tpu.memory_space<vmem>>) semaphore(%arg14 : memref<!tpu.dma_semaphore, #tpu.memory_space<semaphore_mem>>) {add = true}
        %mul3A_136 = arith.constant 2 : i32
        %mul3A_137 = arith.muli %mul3A_136, %scan3A_104 : i32
        %add3A_138 = arith.constant 1 : i32
        %add3A_139 = arith.addi %mul3A_137, %add3A_138 : i32
        %dma_wait3A_140 = arith.constant 0 : i32
        %dma_wait3A_141 = arith.constant 0 : i32
        %dma_wait3A_142 = tpu.memref_slice %arg8[%dma_wait3A_140, %dma_wait3A_141] : memref<8x128xi32, #tpu.memory_space<vmem>> -> memref<1x128xi32, #tpu.memory_space<vmem>>
        %dma_wait3A_143 = tpu.memref_squeeze %dma_wait3A_142 : memref<1x128xi32, #tpu.memory_space<vmem>> -> memref<128xi32, #tpu.memory_space<vmem>>
        %dma_wait3A_144 = arith.constant 0 : i32
        %dma_wait3A_145 = arith.constant 0 : i32
        %dma_wait3A_146 = tpu.memref_slice %arg6[%dma_wait3A_144, %dma_wait3A_145] : memref<10240x128xf32, #tpu.memory_space<vmem_shared>> -> memref<10240x128xf32, #tpu.memory_space<vmem_shared>>
        tpu.wait_indirect_dma semaphore(%arg14 : memref<!tpu.dma_semaphore, #tpu.memory_space<semaphore_mem>>) src(%arg10 : memref<128x128xf32, #tpu.memory_space<vmem>>) dst(%dma_wait3A_146 : memref<10240x128xf32, #tpu.memory_space<vmem_shared>>)
        %dma_start3A_147 = arith.constant 0 : i32
        %dma_start3A_148 = tpu.memref_slice %arg7[%add3A_139, %dma_start3A_147] : memref<8x128xi32, #tpu.memory_space<vmem>> -> memref<1x128xi32, #tpu.memory_space<vmem>>
        %dma_start3A_149 = tpu.memref_squeeze %dma_start3A_148 : memref<1x128xi32, #tpu.memory_space<vmem>> -> memref<128xi32, #tpu.memory_space<vmem>>
        %dma_start3A_150 = arith.constant 0 : i32
        %dma_start3A_151 = arith.constant 0 : i32
        %dma_start3A_152 = tpu.memref_slice %arg2[%dma_start3A_150, %dma_start3A_151] : memref<10240x128xf32, #tpu.memory_space<hbm>> -> memref<10240x128xf32, #tpu.memory_space<hbm>>
        tpu.enqueue_indirect_dma source(%dma_start3A_152 : memref<10240x128xf32, #tpu.memory_space<hbm>>) target(%arg10 : memref<128x128xf32, #tpu.memory_space<vmem>>) offsets(%dma_start3A_149 : memref<128xi32, #tpu.memory_space<vmem>>) semaphore(%arg12 : memref<!tpu.dma_semaphore, #tpu.memory_space<semaphore_mem>>)
        %dma_wait3A_153 = arith.constant 0 : i32
        %dma_wait3A_154 = arith.constant 0 : i32
        %dma_wait3A_155 = tpu.memref_slice %arg7[%dma_wait3A_153, %dma_wait3A_154] : memref<8x128xi32, #tpu.memory_space<vmem>> -> memref<1x128xi32, #tpu.memory_space<vmem>>
        %dma_wait3A_156 = tpu.memref_squeeze %dma_wait3A_155 : memref<1x128xi32, #tpu.memory_space<vmem>> -> memref<128xi32, #tpu.memory_space<vmem>>
        %dma_wait3A_157 = arith.constant 0 : i32
        %dma_wait3A_158 = arith.constant 0 : i32
        %dma_wait3A_159 = tpu.memref_slice %arg2[%dma_wait3A_157, %dma_wait3A_158] : memref<10240x128xf32, #tpu.memory_space<hbm>> -> memref<10240x128xf32, #tpu.memory_space<hbm>>
        tpu.wait_indirect_dma semaphore(%arg11 : memref<!tpu.dma_semaphore, #tpu.memory_space<semaphore_mem>>) src(%dma_wait3A_159 : memref<10240x128xf32, #tpu.memory_space<hbm>>) dst(%arg9 : memref<128x128xf32, #tpu.memory_space<vmem>>)
        %sub3A_160 = arith.constant 1 : i32
        %sub3A_161 = arith.subi %add3A_139, %sub3A_160 : i32
        %dma_start3A_162 = arith.constant 0 : i32
        %dma_start3A_163 = tpu.memref_slice %arg8[%sub3A_161, %dma_start3A_162] : memref<8x128xi32, #tpu.memory_space<vmem>> -> memref<1x128xi32, #tpu.memory_space<vmem>>
        %dma_start3A_164 = tpu.memref_squeeze %dma_start3A_163 : memref<1x128xi32, #tpu.memory_space<vmem>> -> memref<128xi32, #tpu.memory_space<vmem>>
        %dma_start3A_165 = arith.constant 0 : i32
        %dma_start3A_166 = arith.constant 0 : i32
        %dma_start3A_167 = tpu.memref_slice %arg6[%dma_start3A_165, %dma_start3A_166] : memref<10240x128xf32, #tpu.memory_space<vmem_shared>> -> memref<10240x128xf32, #tpu.memory_space<vmem_shared>>
        tpu.enqueue_indirect_dma source(%arg9 : memref<128x128xf32, #tpu.memory_space<vmem>>) target(%dma_start3A_167 : memref<10240x128xf32, #tpu.memory_space<vmem_shared>>) offsets(%dma_start3A_164 : memref<128xi32, #tpu.memory_space<vmem>>) semaphore(%arg13 : memref<!tpu.dma_semaphore, #tpu.memory_space<semaphore_mem>>) {add = true}
      }
      %scan3A_75 = arith.constant 3 : i32
      %dma_wait3A_76 = arith.constant 0 : i32
      %dma_wait3A_77 = arith.constant 0 : i32
      %dma_wait3A_78 = tpu.memref_slice %arg7[%dma_wait3A_76, %dma_wait3A_77] : memref<8x128xi32, #tpu.memory_space<vmem>> -> memref<1x128xi32, #tpu.memory_space<vmem>>
      %dma_wait3A_79 = tpu.memref_squeeze %dma_wait3A_78 : memref<1x128xi32, #tpu.memory_space<vmem>> -> memref<128xi32, #tpu.memory_space<vmem>>
      %dma_wait3A_80 = arith.constant 0 : i32
      %dma_wait3A_81 = arith.constant 0 : i32
      %dma_wait3A_82 = tpu.memref_slice %arg2[%dma_wait3A_80, %dma_wait3A_81] : memref<10240x128xf32, #tpu.memory_space<hbm>> -> memref<10240x128xf32, #tpu.memory_space<hbm>>
      tpu.wait_indirect_dma semaphore(%arg12 : memref<!tpu.dma_semaphore, #tpu.memory_space<semaphore_mem>>) src(%dma_wait3A_82 : memref<10240x128xf32, #tpu.memory_space<hbm>>) dst(%arg10 : memref<128x128xf32, #tpu.memory_space<vmem>>)
      %dma_start3A_83 = arith.constant 7 : i32
      %dma_start3A_84 = arith.constant 0 : i32
      %dma_start3A_85 = tpu.memref_slice %arg8[%dma_start3A_83, %dma_start3A_84] : memref<8x128xi32, #tpu.memory_space<vmem>> -> memref<1x128xi32, #tpu.memory_space<vmem>>
      %dma_start3A_86 = tpu.memref_squeeze %dma_start3A_85 : memref<1x128xi32, #tpu.memory_space<vmem>> -> memref<128xi32, #tpu.memory_space<vmem>>
      %dma_start3A_87 = arith.constant 0 : i32
      %dma_start3A_88 = arith.constant 0 : i32
      %dma_start3A_89 = tpu.memref_slice %arg6[%dma_start3A_87, %dma_start3A_88] : memref<10240x128xf32, #tpu.memory_space<vmem_shared>> -> memref<10240x128xf32, #tpu.memory_space<vmem_shared>>
      tpu.enqueue_indirect_dma source(%arg10 : memref<128x128xf32, #tpu.memory_space<vmem>>) target(%dma_start3A_89 : memref<10240x128xf32, #tpu.memory_space<vmem_shared>>) offsets(%dma_start3A_86 : memref<128xi32, #tpu.memory_space<vmem>>) semaphore(%arg14 : memref<!tpu.dma_semaphore, #tpu.memory_space<semaphore_mem>>) {add = true}
      %dma_wait3A_90 = arith.constant 0 : i32
      %dma_wait3A_91 = arith.constant 0 : i32
      %dma_wait3A_92 = tpu.memref_slice %arg8[%dma_wait3A_90, %dma_wait3A_91] : memref<8x128xi32, #tpu.memory_space<vmem>> -> memref<1x128xi32, #tpu.memory_space<vmem>>
      %dma_wait3A_93 = tpu.memref_squeeze %dma_wait3A_92 : memref<1x128xi32, #tpu.memory_space<vmem>> -> memref<128xi32, #tpu.memory_space<vmem>>
      %dma_wait3A_94 = arith.constant 0 : i32
      %dma_wait3A_95 = arith.constant 0 : i32
      %dma_wait3A_96 = tpu.memref_slice %arg6[%dma_wait3A_94, %dma_wait3A_95] : memref<10240x128xf32, #tpu.memory_space<vmem_shared>> -> memref<10240x128xf32, #tpu.memory_space<vmem_shared>>
      tpu.wait_indirect_dma semaphore(%arg13 : memref<!tpu.dma_semaphore, #tpu.memory_space<semaphore_mem>>) src(%arg9 : memref<128x128xf32, #tpu.memory_space<vmem>>) dst(%dma_wait3A_96 : memref<10240x128xf32, #tpu.memory_space<vmem_shared>>)
      %dma_wait3A_97 = arith.constant 0 : i32
      %dma_wait3A_98 = arith.constant 0 : i32
      %dma_wait3A_99 = tpu.memref_slice %arg8[%dma_wait3A_97, %dma_wait3A_98] : memref<8x128xi32, #tpu.memory_space<vmem>> -> memref<1x128xi32, #tpu.memory_space<vmem>>
      %dma_wait3A_100 = tpu.memref_squeeze %dma_wait3A_99 : memref<1x128xi32, #tpu.memory_space<vmem>> -> memref<128xi32, #tpu.memory_space<vmem>>
      %dma_wait3A_101 = arith.constant 0 : i32
      %dma_wait3A_102 = arith.constant 0 : i32
      %dma_wait3A_103 = tpu.memref_slice %arg6[%dma_wait3A_101, %dma_wait3A_102] : memref<10240x128xf32, #tpu.memory_space<vmem_shared>> -> memref<10240x128xf32, #tpu.memory_space<vmem_shared>>
      tpu.wait_indirect_dma semaphore(%arg14 : memref<!tpu.dma_semaphore, #tpu.memory_space<semaphore_mem>>) src(%arg10 : memref<128x128xf32, #tpu.memory_space<vmem>>) dst(%dma_wait3A_103 : memref<10240x128xf32, #tpu.memory_space<vmem_shared>>)
    }
    %barrier3A_36 = arith.constant 0 : index
    tpu.barrier barrier_id(%barrier3A_36)
    %mul3A_37 = arith.constant 10240 : i32
    %mul3A_38 = arith.muli %arg0, %mul3A_37 : i32
    %add3A_39 = arith.addi %mul3A_38, %mul3A_0 : i32
    "tpu.region"() ({
      %run_scoped3A = tpu.sem_alloc : memref<!tpu.dma_semaphore, #tpu.memory_space<semaphore_mem>>
      %dma_start3A = arith.constant 0 : i32
      %dma_start3A_40 = tpu.memref_slice %arg5[%add3A_39, %dma_start3A] : memref<20480x128xf32, #tpu.memory_space<hbm>> -> memref<640x128xf32, #tpu.memory_space<hbm>>
      %dma_start3A_41 = arith.constant 0 : i32
      %dma_start3A_42 = tpu.memref_slice %arg6[%mul3A_0, %dma_start3A_41] : memref<10240x128xf32, #tpu.memory_space<vmem_shared>> -> memref<640x128xf32, #tpu.memory_space<vmem_shared>>
      tpu.enqueue_dma source(%dma_start3A_42 : memref<640x128xf32, #tpu.memory_space<vmem_shared>>) target(%dma_start3A_40 : memref<640x128xf32, #tpu.memory_space<hbm>>) target_semaphore(%run_scoped3A : memref<!tpu.dma_semaphore, #tpu.memory_space<semaphore_mem>>)
      %dma_wait3A = arith.constant 0 : i32
      %dma_wait3A_43 = tpu.memref_slice %arg5[%add3A_39, %dma_wait3A] : memref<20480x128xf32, #tpu.memory_space<hbm>> -> memref<640x128xf32, #tpu.memory_space<hbm>>
      %dma_wait3A_44 = arith.constant 0 : i32
      %dma_wait3A_45 = tpu.memref_slice %arg6[%mul3A_0, %dma_wait3A_44] : memref<10240x128xf32, #tpu.memory_space<vmem_shared>> -> memref<640x128xf32, #tpu.memory_space<vmem_shared>>
      tpu.wait_dma2 semaphore(%run_scoped3A : memref<!tpu.dma_semaphore, #tpu.memory_space<semaphore_mem>>) src(%dma_wait3A_45 : memref<640x128xf32, #tpu.memory_space<vmem_shared>>) dst(%dma_wait3A_43 : memref<640x128xf32, #tpu.memory_space<hbm>>)
      tpu.yield
    }) : () -> ()
    return
  }
}

module attributes {stable_mosaic.version = 14 : i64} {
  func.func @_mlp_body(%arg0: i32, %arg1: memref<512x128xf32, #tpu.memory_space<vmem>>, %arg2: memref<512x128xf32, #tpu.memory_space<vmem>>, %arg3: memref<512x128xf32, #tpu.memory_space<vmem>>, %arg4: memref<128x128xf32, #tpu.memory_space<vmem>>, %arg5: memref<1x128xf32, #tpu.memory_space<vmem>>, %arg6: memref<128x128xf32, #tpu.memory_space<vmem>>, %arg7: memref<1x128xf32, #tpu.memory_space<vmem>>, %arg8: memref<1x128xf32, #tpu.memory_space<vmem>>, %arg9: memref<1x128xf32, #tpu.memory_space<vmem>>, %arg10: memref<512x128xf32, #tpu.memory_space<vmem>>) attributes {dimension_semantics = [#tpu.dimension_semantics<parallel>], iteration_bounds = array<i64: 20>, scalar_prefetch = 0 : i64, scratch_operands = 0 : i64, tpu.core_type = #tpu.core_type<tc>, window_params = [{transform_indices = @transform_0, window_bounds = array<i64: 512, 128>}, {transform_indices = @transform_1, window_bounds = array<i64: 512, 128>}, {transform_indices = @transform_2, window_bounds = array<i64: 512, 128>}, {pipeline_mode = #tpu.pipeline_mode<synchronous>, transform_indices = @transform_3, window_bounds = array<i64: 128, 128>}, {pipeline_mode = #tpu.pipeline_mode<synchronous>, transform_indices = @transform_4, window_bounds = array<i64: 1, 128>}, {pipeline_mode = #tpu.pipeline_mode<synchronous>, transform_indices = @transform_5, window_bounds = array<i64: 128, 128>}, {pipeline_mode = #tpu.pipeline_mode<synchronous>, transform_indices = @transform_6, window_bounds = array<i64: 1, 128>}, {pipeline_mode = #tpu.pipeline_mode<synchronous>, transform_indices = @transform_7, window_bounds = array<i64: 1, 128>}, {pipeline_mode = #tpu.pipeline_mode<synchronous>, transform_indices = @transform_8, window_bounds = array<i64: 1, 128>}, {transform_indices = @transform_9, window_bounds = array<i64: 512, 128>}]} {
    %get3A = arith.constant 0 : index
    %get3A_0 = arith.constant 0 : index
    %get3A_1 = vector.load %arg1[%get3A, %get3A_0] : memref<512x128xf32, #tpu.memory_space<vmem>>, vector<512x128xf32>
    %get3A_2 = arith.constant 0 : index
    %get3A_3 = arith.constant 0 : index
    %get3A_4 = vector.load %arg2[%get3A_2, %get3A_3] : memref<512x128xf32, #tpu.memory_space<vmem>>, vector<512x128xf32>
    %add3A = arith.addf %get3A_1, %get3A_4 : vector<512x128xf32>
    %get3A_5 = arith.constant 0 : index
    %get3A_6 = arith.constant 0 : index
    %get3A_7 = vector.load %arg3[%get3A_5, %get3A_6] : memref<512x128xf32, #tpu.memory_space<vmem>>, vector<512x128xf32>
    %add3A_8 = arith.addf %add3A, %get3A_7 : vector<512x128xf32>
    %get3A_9 = arith.constant 0 : index
    %get3A_10 = arith.constant 0 : index
    %get3A_11 = vector.load %arg4[%get3A_9, %get3A_10] : memref<128x128xf32, #tpu.memory_space<vmem>>, vector<128x128xf32>
    %dot_general3A = arith.constant dense<0.000000e+00> : vector<512x128xf32>
    %dot_general3A_12 = tpu.matmul %add3A_8, %get3A_11, %dot_general3A {dimension_numbers = #tpu.dot_dimension_numbers<[1], [1], [0], [0], [0, 0, 1, 0], [], []>, transpose_lhs_hint = false} : vector<512x128xf32>, vector<128x128xf32>, vector<512x128xf32> -> vector<512x128xf32>
    %get3A_13 = arith.constant 0 : index
    %get3A_14 = arith.constant 0 : index
    %get3A_15 = vector.load %arg5[%get3A_13, %get3A_14] : memref<1x128xf32, #tpu.memory_space<vmem>>, vector<1x128xf32>
    %add3A_16 = vector.broadcast %get3A_15 : vector<1x128xf32> to vector<512x128xf32>
    %add3A_17 = arith.addf %dot_general3A_12, %add3A_16 : vector<512x128xf32>
    %max3A = arith.constant 0.000000e+00 : f32
    %max3A_18 = vector.broadcast %max3A : f32 to vector<512x128xf32>
    %max3A_19 = arith.maximumf %add3A_17, %max3A_18 : vector<512x128xf32>
    %get3A_20 = arith.constant 0 : index
    %get3A_21 = arith.constant 0 : index
    %get3A_22 = vector.load %arg6[%get3A_20, %get3A_21] : memref<128x128xf32, #tpu.memory_space<vmem>>, vector<128x128xf32>
    %dot_general3A_23 = arith.constant dense<0.000000e+00> : vector<512x128xf32>
    %dot_general3A_24 = tpu.matmul %max3A_19, %get3A_22, %dot_general3A_23 {dimension_numbers = #tpu.dot_dimension_numbers<[1], [1], [0], [0], [0, 0, 1, 0], [], []>, transpose_lhs_hint = false} : vector<512x128xf32>, vector<128x128xf32>, vector<512x128xf32> -> vector<512x128xf32>
    %get3A_25 = arith.constant 0 : index
    %get3A_26 = arith.constant 0 : index
    %get3A_27 = vector.load %arg7[%get3A_25, %get3A_26] : memref<1x128xf32, #tpu.memory_space<vmem>>, vector<1x128xf32>
    %add3A_28 = vector.broadcast %get3A_27 : vector<1x128xf32> to vector<512x128xf32>
    %add3A_29 = arith.addf %dot_general3A_24, %add3A_28 : vector<512x128xf32>
    %mul3A = arith.constant 0.999994993 : f32
    %mul3A_30 = vector.broadcast %mul3A : f32 to vector<512x128xf32>
    %mul3A_31 = arith.mulf %add3A_29, %mul3A_30 : vector<512x128xf32>
    %get3A_32 = arith.constant 0 : index
    %get3A_33 = arith.constant 0 : index
    %get3A_34 = vector.load %arg8[%get3A_32, %get3A_33] : memref<1x128xf32, #tpu.memory_space<vmem>>, vector<1x128xf32>
    %mul3A_35 = vector.broadcast %get3A_34 : vector<1x128xf32> to vector<512x128xf32>
    %mul3A_36 = arith.mulf %mul3A_31, %mul3A_35 : vector<512x128xf32>
    %get3A_37 = arith.constant 0 : index
    %get3A_38 = arith.constant 0 : index
    %get3A_39 = vector.load %arg9[%get3A_37, %get3A_38] : memref<1x128xf32, #tpu.memory_space<vmem>>, vector<1x128xf32>
    %add3A_40 = vector.broadcast %get3A_39 : vector<1x128xf32> to vector<512x128xf32>
    %add3A_41 = arith.addf %mul3A_36, %add3A_40 : vector<512x128xf32>
    %max3A_42 = arith.constant 0.000000e+00 : f32
    %max3A_43 = vector.broadcast %max3A_42 : f32 to vector<512x128xf32>
    %max3A_44 = arith.maximumf %add3A_41, %max3A_43 : vector<512x128xf32>
    %swap3A = arith.constant 0 : index
    %swap3A_45 = arith.constant 0 : index
    %swap3A_46 = vector.load %arg10[%swap3A, %swap3A_45] : memref<512x128xf32, #tpu.memory_space<vmem>>, vector<512x128xf32>
    tpu.vector_store %arg10[%swap3A, %swap3A_45], %max3A_44 {strides = array<i32>} : memref<512x128xf32, #tpu.memory_space<vmem>>, vector<512x128xf32>,
    return
  }
  func.func @transform_0(%arg0: i32) -> (i32, i32) {
    %c0_i32 = arith.constant 0 : i32
    %c0_i32_0 = arith.constant 0 : i32
    return %arg0, %c0_i32 : i32, i32
  }
  func.func @transform_1(%arg0: i32) -> (i32, i32) {
    %c0_i32 = arith.constant 0 : i32
    %c0_i32_0 = arith.constant 0 : i32
    return %arg0, %c0_i32 : i32, i32
  }
  func.func @transform_2(%arg0: i32) -> (i32, i32) {
    %c0_i32 = arith.constant 0 : i32
    %c0_i32_0 = arith.constant 0 : i32
    return %arg0, %c0_i32 : i32, i32
  }
  func.func @transform_3(%arg0: i32) -> (i32, i32) {
    %c0_i32 = arith.constant 0 : i32
    %c0_i32_0 = arith.constant 0 : i32
    %c0_i32_1 = arith.constant 0 : i32
    return %c0_i32, %c0_i32_0 : i32, i32
  }
  func.func @transform_4(%arg0: i32) -> (i32, i32) {
    %c0_i32 = arith.constant 0 : i32
    %c0_i32_0 = arith.constant 0 : i32
    %c0_i32_1 = arith.constant 0 : i32
    return %c0_i32, %c0_i32_0 : i32, i32
  }
  func.func @transform_5(%arg0: i32) -> (i32, i32) {
    %c0_i32 = arith.constant 0 : i32
    %c0_i32_0 = arith.constant 0 : i32
    %c0_i32_1 = arith.constant 0 : i32
    return %c0_i32, %c0_i32_0 : i32, i32
  }
  func.func @transform_6(%arg0: i32) -> (i32, i32) {
    %c0_i32 = arith.constant 0 : i32
    %c0_i32_0 = arith.constant 0 : i32
    %c0_i32_1 = arith.constant 0 : i32
    return %c0_i32, %c0_i32_0 : i32, i32
  }
  func.func @transform_7(%arg0: i32) -> (i32, i32) {
    %c0_i32 = arith.constant 0 : i32
    %c0_i32_0 = arith.constant 0 : i32
    %c0_i32_1 = arith.constant 0 : i32
    return %c0_i32, %c0_i32_0 : i32, i32
  }
  func.func @transform_8(%arg0: i32) -> (i32, i32) {
    %c0_i32 = arith.constant 0 : i32
    %c0_i32_0 = arith.constant 0 : i32
    %c0_i32_1 = arith.constant 0 : i32
    return %c0_i32, %c0_i32_0 : i32, i32
  }
  func.func @transform_9(%arg0: i32) -> (i32, i32) {
    %c0_i32 = arith.constant 0 : i32
    %c0_i32_0 = arith.constant 0 : i32
    return %arg0, %c0_i32 : i32, i32
  }
}

module attributes {stable_mosaic.version = 14 : i64} {
  func.func @_mlp_qkv_body(%arg0: i32, %arg1: memref<512x128xf32, #tpu.memory_space<vmem>>, %arg2: memref<512x128xf32, #tpu.memory_space<vmem>>, %arg3: memref<512x128xf32, #tpu.memory_space<vmem>>, %arg4: memref<128x128xf32, #tpu.memory_space<vmem>>, %arg5: memref<1x128xf32, #tpu.memory_space<vmem>>, %arg6: memref<128x128xf32, #tpu.memory_space<vmem>>, %arg7: memref<1x128xf32, #tpu.memory_space<vmem>>, %arg8: memref<1x128xf32, #tpu.memory_space<vmem>>, %arg9: memref<1x128xf32, #tpu.memory_space<vmem>>, %arg10: memref<1x128xf32, #tpu.memory_space<vmem>>, %arg11: memref<384x128xf32, #tpu.memory_space<vmem>>, %arg12: memref<1x384xf32, #tpu.memory_space<vmem>>, %arg13: memref<512x128xf32, #tpu.memory_space<vmem>>, %arg14: memref<512x128xf32, #tpu.memory_space<vmem>>, %arg15: memref<512x128xf32, #tpu.memory_space<vmem>>, %arg16: memref<512x128xf32, #tpu.memory_space<vmem>>) attributes {dimension_semantics = [#tpu.dimension_semantics<parallel>], iteration_bounds = array<i64: 20>, scalar_prefetch = 0 : i64, scratch_operands = 0 : i64, tpu.core_type = #tpu.core_type<tc>, window_params = [{transform_indices = @transform_0, window_bounds = array<i64: 512, 128>}, {transform_indices = @transform_1, window_bounds = array<i64: 512, 128>}, {transform_indices = @transform_2, window_bounds = array<i64: 512, 128>}, {pipeline_mode = #tpu.pipeline_mode<synchronous>, transform_indices = @transform_3, window_bounds = array<i64: 128, 128>}, {pipeline_mode = #tpu.pipeline_mode<synchronous>, transform_indices = @transform_4, window_bounds = array<i64: 1, 128>}, {pipeline_mode = #tpu.pipeline_mode<synchronous>, transform_indices = @transform_5, window_bounds = array<i64: 128, 128>}, {pipeline_mode = #tpu.pipeline_mode<synchronous>, transform_indices = @transform_6, window_bounds = array<i64: 1, 128>}, {pipeline_mode = #tpu.pipeline_mode<synchronous>, transform_indices = @transform_7, window_bounds = array<i64: 1, 128>}, {pipeline_mode = #tpu.pipeline_mode<synchronous>, transform_indices = @transform_8, window_bounds = array<i64: 1, 128>}, {pipeline_mode = #tpu.pipeline_mode<synchronous>, transform_indices = @transform_9, window_bounds = array<i64: 1, 128>}, {pipeline_mode = #tpu.pipeline_mode<synchronous>, transform_indices = @transform_10, window_bounds = array<i64: 384, 128>}, {pipeline_mode = #tpu.pipeline_mode<synchronous>, transform_indices = @transform_11, window_bounds = array<i64: 1, 384>}, {transform_indices = @transform_12, window_bounds = array<i64: 512, 128>}, {transform_indices = @transform_13, window_bounds = array<i64: 512, 128>}, {transform_indices = @transform_14, window_bounds = array<i64: 512, 128>}, {transform_indices = @transform_15, window_bounds = array<i64: 512, 128>}]} {
    %get3A = arith.constant 0 : index
    %get3A_0 = arith.constant 0 : index
    %get3A_1 = vector.load %arg1[%get3A, %get3A_0] : memref<512x128xf32, #tpu.memory_space<vmem>>, vector<512x128xf32>
    %get3A_2 = arith.constant 0 : index
    %get3A_3 = arith.constant 0 : index
    %get3A_4 = vector.load %arg2[%get3A_2, %get3A_3] : memref<512x128xf32, #tpu.memory_space<vmem>>, vector<512x128xf32>
    %add3A = arith.addf %get3A_1, %get3A_4 : vector<512x128xf32>
    %get3A_5 = arith.constant 0 : index
    %get3A_6 = arith.constant 0 : index
    %get3A_7 = vector.load %arg3[%get3A_5, %get3A_6] : memref<512x128xf32, #tpu.memory_space<vmem>>, vector<512x128xf32>
    %add3A_8 = arith.addf %add3A, %get3A_7 : vector<512x128xf32>
    %get3A_9 = arith.constant 0 : index
    %get3A_10 = arith.constant 0 : index
    %get3A_11 = vector.load %arg4[%get3A_9, %get3A_10] : memref<128x128xf32, #tpu.memory_space<vmem>>, vector<128x128xf32>
    %dot_general3A = arith.constant dense<0.000000e+00> : vector<512x128xf32>
    %dot_general3A_12 = tpu.matmul %add3A_8, %get3A_11, %dot_general3A {dimension_numbers = #tpu.dot_dimension_numbers<[1], [1], [0], [0], [0, 0, 1, 0], [], []>, transpose_lhs_hint = false} : vector<512x128xf32>, vector<128x128xf32>, vector<512x128xf32> -> vector<512x128xf32>
    %get3A_13 = arith.constant 0 : index
    %get3A_14 = arith.constant 0 : index
    %get3A_15 = vector.load %arg5[%get3A_13, %get3A_14] : memref<1x128xf32, #tpu.memory_space<vmem>>, vector<1x128xf32>
    %add3A_16 = vector.broadcast %get3A_15 : vector<1x128xf32> to vector<512x128xf32>
    %add3A_17 = arith.addf %dot_general3A_12, %add3A_16 : vector<512x128xf32>
    %max3A = arith.constant 0.000000e+00 : f32
    %max3A_18 = vector.broadcast %max3A : f32 to vector<512x128xf32>
    %max3A_19 = arith.maximumf %add3A_17, %max3A_18 : vector<512x128xf32>
    %get3A_20 = arith.constant 0 : index
    %get3A_21 = arith.constant 0 : index
    %get3A_22 = vector.load %arg6[%get3A_20, %get3A_21] : memref<128x128xf32, #tpu.memory_space<vmem>>, vector<128x128xf32>
    %dot_general3A_23 = arith.constant dense<0.000000e+00> : vector<512x128xf32>
    %dot_general3A_24 = tpu.matmul %max3A_19, %get3A_22, %dot_general3A_23 {dimension_numbers = #tpu.dot_dimension_numbers<[1], [1], [0], [0], [0, 0, 1, 0], [], []>, transpose_lhs_hint = false} : vector<512x128xf32>, vector<128x128xf32>, vector<512x128xf32> -> vector<512x128xf32>
    %get3A_25 = arith.constant 0 : index
    %get3A_26 = arith.constant 0 : index
    %get3A_27 = vector.load %arg7[%get3A_25, %get3A_26] : memref<1x128xf32, #tpu.memory_space<vmem>>, vector<1x128xf32>
    %add3A_28 = vector.broadcast %get3A_27 : vector<1x128xf32> to vector<512x128xf32>
    %add3A_29 = arith.addf %dot_general3A_24, %add3A_28 : vector<512x128xf32>
    %mul3A = arith.constant 0.999994993 : f32
    %mul3A_30 = vector.broadcast %mul3A : f32 to vector<512x128xf32>
    %mul3A_31 = arith.mulf %add3A_29, %mul3A_30 : vector<512x128xf32>
    %get3A_32 = arith.constant 0 : index
    %get3A_33 = arith.constant 0 : index
    %get3A_34 = vector.load %arg8[%get3A_32, %get3A_33] : memref<1x128xf32, #tpu.memory_space<vmem>>, vector<1x128xf32>
    %mul3A_35 = vector.broadcast %get3A_34 : vector<1x128xf32> to vector<512x128xf32>
    %mul3A_36 = arith.mulf %mul3A_31, %mul3A_35 : vector<512x128xf32>
    %get3A_37 = arith.constant 0 : index
    %get3A_38 = arith.constant 0 : index
    %get3A_39 = vector.load %arg9[%get3A_37, %get3A_38] : memref<1x128xf32, #tpu.memory_space<vmem>>, vector<1x128xf32>
    %add3A_40 = vector.broadcast %get3A_39 : vector<1x128xf32> to vector<512x128xf32>
    %add3A_41 = arith.addf %mul3A_36, %add3A_40 : vector<512x128xf32>
    %max3A_42 = arith.constant 0.000000e+00 : f32
    %max3A_43 = vector.broadcast %max3A_42 : f32 to vector<512x128xf32>
    %max3A_44 = arith.maximumf %add3A_41, %max3A_43 : vector<512x128xf32>
    %get3A_45 = arith.constant 0 : index
    %get3A_46 = arith.constant 0 : index
    %get3A_47 = vector.load %arg10[%get3A_45, %get3A_46] : memref<1x128xf32, #tpu.memory_space<vmem>>, vector<1x128xf32>
    %add3A_48 = vector.broadcast %get3A_47 : vector<1x128xf32> to vector<512x128xf32>
    %add3A_49 = arith.addf %max3A_44, %add3A_48 : vector<512x128xf32>
    %get3A_50 = arith.constant 0 : index
    %get3A_51 = arith.constant 0 : index
    %get3A_52 = vector.load %arg11[%get3A_50, %get3A_51] : memref<384x128xf32, #tpu.memory_space<vmem>>, vector<384x128xf32>
    %dot_general3A_53 = arith.constant dense<0.000000e+00> : vector<512x384xf32>
    %dot_general3A_54 = tpu.matmul %add3A_49, %get3A_52, %dot_general3A_53 {dimension_numbers = #tpu.dot_dimension_numbers<[1], [1], [0], [0], [0, 0, 1, 0], [], []>, transpose_lhs_hint = false} : vector<512x128xf32>, vector<384x128xf32>, vector<512x384xf32> -> vector<512x384xf32>
    %get3A_55 = arith.constant 0 : index
    %get3A_56 = arith.constant 0 : index
    %get3A_57 = vector.load %arg12[%get3A_55, %get3A_56] : memref<1x384xf32, #tpu.memory_space<vmem>>, vector<1x384xf32>
    %add3A_58 = vector.broadcast %get3A_57 : vector<1x384xf32> to vector<512x384xf32>
    %add3A_59 = arith.addf %dot_general3A_54, %add3A_58 : vector<512x384xf32>
    %swap3A = arith.constant 0 : index
    %swap3A_60 = arith.constant 0 : index
    %swap3A_61 = vector.load %arg13[%swap3A, %swap3A_60] : memref<512x128xf32, #tpu.memory_space<vmem>>, vector<512x128xf32>
    tpu.vector_store %arg13[%swap3A, %swap3A_60], %add3A_49 {strides = array<i32>} : memref<512x128xf32, #tpu.memory_space<vmem>>, vector<512x128xf32>,
    %slice3A = vector.extract_strided_slice %add3A_59 {offsets = [0, 0], sizes = [512, 128], strides = [1, 1]} : vector<512x384xf32> to vector<512x128xf32>
    %swap3A_62 = arith.constant 0 : index
    %swap3A_63 = arith.constant 0 : index
    %swap3A_64 = vector.load %arg14[%swap3A_62, %swap3A_63] : memref<512x128xf32, #tpu.memory_space<vmem>>, vector<512x128xf32>
    tpu.vector_store %arg14[%swap3A_62, %swap3A_63], %slice3A {strides = array<i32>} : memref<512x128xf32, #tpu.memory_space<vmem>>, vector<512x128xf32>,
    %slice3A_65 = vector.extract_strided_slice %add3A_59 {offsets = [0, 128], sizes = [512, 128], strides = [1, 1]} : vector<512x384xf32> to vector<512x128xf32>
    %swap3A_66 = arith.constant 0 : index
    %swap3A_67 = arith.constant 0 : index
    %swap3A_68 = vector.load %arg15[%swap3A_66, %swap3A_67] : memref<512x128xf32, #tpu.memory_space<vmem>>, vector<512x128xf32>
    tpu.vector_store %arg15[%swap3A_66, %swap3A_67], %slice3A_65 {strides = array<i32>} : memref<512x128xf32, #tpu.memory_space<vmem>>, vector<512x128xf32>,
    %slice3A_69 = vector.extract_strided_slice %add3A_59 {offsets = [0, 256], sizes = [512, 128], strides = [1, 1]} : vector<512x384xf32> to vector<512x128xf32>
    %swap3A_70 = arith.constant 0 : index
    %swap3A_71 = arith.constant 0 : index
    %swap3A_72 = vector.load %arg16[%swap3A_70, %swap3A_71] : memref<512x128xf32, #tpu.memory_space<vmem>>, vector<512x128xf32>
    tpu.vector_store %arg16[%swap3A_70, %swap3A_71], %slice3A_69 {strides = array<i32>} : memref<512x128xf32, #tpu.memory_space<vmem>>, vector<512x128xf32>,
    return
  }
  func.func @transform_0(%arg0: i32) -> (i32, i32) {
    %c0_i32 = arith.constant 0 : i32
    %c0_i32_0 = arith.constant 0 : i32
    return %arg0, %c0_i32 : i32, i32
  }
  func.func @transform_1(%arg0: i32) -> (i32, i32) {
    %c0_i32 = arith.constant 0 : i32
    %c0_i32_0 = arith.constant 0 : i32
    return %arg0, %c0_i32 : i32, i32
  }
  func.func @transform_2(%arg0: i32) -> (i32, i32) {
    %c0_i32 = arith.constant 0 : i32
    %c0_i32_0 = arith.constant 0 : i32
    return %arg0, %c0_i32 : i32, i32
  }
  func.func @transform_3(%arg0: i32) -> (i32, i32) {
    %c0_i32 = arith.constant 0 : i32
    %c0_i32_0 = arith.constant 0 : i32
    %c0_i32_1 = arith.constant 0 : i32
    return %c0_i32, %c0_i32_0 : i32, i32
  }
  func.func @transform_4(%arg0: i32) -> (i32, i32) {
    %c0_i32 = arith.constant 0 : i32
    %c0_i32_0 = arith.constant 0 : i32
    %c0_i32_1 = arith.constant 0 : i32
    return %c0_i32, %c0_i32_0 : i32, i32
  }
  func.func @transform_5(%arg0: i32) -> (i32, i32) {
    %c0_i32 = arith.constant 0 : i32
    %c0_i32_0 = arith.constant 0 : i32
    %c0_i32_1 = arith.constant 0 : i32
    return %c0_i32, %c0_i32_0 : i32, i32
  }
  func.func @transform_6(%arg0: i32) -> (i32, i32) {
    %c0_i32 = arith.constant 0 : i32
    %c0_i32_0 = arith.constant 0 : i32
    %c0_i32_1 = arith.constant 0 : i32
    return %c0_i32, %c0_i32_0 : i32, i32
  }
  func.func @transform_7(%arg0: i32) -> (i32, i32) {
    %c0_i32 = arith.constant 0 : i32
    %c0_i32_0 = arith.constant 0 : i32
    %c0_i32_1 = arith.constant 0 : i32
    return %c0_i32, %c0_i32_0 : i32, i32
  }
  func.func @transform_8(%arg0: i32) -> (i32, i32) {
    %c0_i32 = arith.constant 0 : i32
    %c0_i32_0 = arith.constant 0 : i32
    %c0_i32_1 = arith.constant 0 : i32
    return %c0_i32, %c0_i32_0 : i32, i32
  }
  func.func @transform_9(%arg0: i32) -> (i32, i32) {
    %c0_i32 = arith.constant 0 : i32
    %c0_i32_0 = arith.constant 0 : i32
    %c0_i32_1 = arith.constant 0 : i32
    return %c0_i32, %c0_i32_0 : i32, i32
  }
  func.func @transform_10(%arg0: i32) -> (i32, i32) {
    %c0_i32 = arith.constant 0 : i32
    %c0_i32_0 = arith.constant 0 : i32
    %c0_i32_1 = arith.constant 0 : i32
    return %c0_i32, %c0_i32_0 : i32, i32
  }
  func.func @transform_11(%arg0: i32) -> (i32, i32) {
    %c0_i32 = arith.constant 0 : i32
    %c0_i32_0 = arith.constant 0 : i32
    %c0_i32_1 = arith.constant 0 : i32
    return %c0_i32, %c0_i32_0 : i32, i32
  }
  func.func @transform_12(%arg0: i32) -> (i32, i32) {
    %c0_i32 = arith.constant 0 : i32
    %c0_i32_0 = arith.constant 0 : i32
    return %arg0, %c0_i32 : i32, i32
  }
  func.func @transform_13(%arg0: i32) -> (i32, i32) {
    %c0_i32 = arith.constant 0 : i32
    %c0_i32_0 = arith.constant 0 : i32
    return %arg0, %c0_i32 : i32, i32
  }
  func.func @transform_14(%arg0: i32) -> (i32, i32) {
    %c0_i32 = arith.constant 0 : i32
    %c0_i32_0 = arith.constant 0 : i32
    return %arg0, %c0_i32 : i32, i32
  }
  func.func @transform_15(%arg0: i32) -> (i32, i32) {
    %c0_i32 = arith.constant 0 : i32
    %c0_i32_0 = arith.constant 0 : i32
    return %arg0, %c0_i32 : i32, i32
  }
}

module attributes {stable_mosaic.version = 14 : i64} {
  func.func @_attn_body(%arg0: i32, %arg1: memref<512x128xf32, #tpu.memory_space<vmem>>, %arg2: memref<512x128xf32, #tpu.memory_space<vmem>>, %arg3: memref<10240x128xf32, #tpu.memory_space<vmem>>, %arg4: memref<10240x128xf32, #tpu.memory_space<vmem>>, %arg5: memref<512x1xi32, #tpu.memory_space<vmem>>, %arg6: memref<1x10240xi32, #tpu.memory_space<vmem>>, %arg7: memref<128x128xf32, #tpu.memory_space<vmem>>, %arg8: memref<1x128xf32, #tpu.memory_space<vmem>>, %arg9: memref<1x128xf32, #tpu.memory_space<vmem>>, %arg10: memref<1x128xf32, #tpu.memory_space<vmem>>, %arg11: memref<512x128xf32, #tpu.memory_space<vmem>>, %arg12: memref<1x512xf32, #tpu.memory_space<vmem>>, %arg13: memref<128x512xf32, #tpu.memory_space<vmem>>, %arg14: memref<1x128xf32, #tpu.memory_space<vmem>>, %arg15: memref<1x128xf32, #tpu.memory_space<vmem>>, %arg16: memref<1x128xf32, #tpu.memory_space<vmem>>, %arg17: memref<512x128xf32, #tpu.memory_space<vmem>>) attributes {dimension_semantics = [#tpu.dimension_semantics<arbitrary>], iteration_bounds = array<i64: 20>, scalar_prefetch = 0 : i64, scratch_operands = 0 : i64, tpu.core_type = #tpu.core_type<tc>, window_params = [{transform_indices = @transform_0, window_bounds = array<i64: 512, 128>}, {transform_indices = @transform_1, window_bounds = array<i64: 512, 128>}, {pipeline_mode = #tpu.pipeline_mode<synchronous>, transform_indices = @transform_2, window_bounds = array<i64: 10240, 128>}, {pipeline_mode = #tpu.pipeline_mode<synchronous>, transform_indices = @transform_3, window_bounds = array<i64: 10240, 128>}, {transform_indices = @transform_4, window_bounds = array<i64: 512, 1>}, {pipeline_mode = #tpu.pipeline_mode<synchronous>, transform_indices = @transform_5, window_bounds = array<i64: 1, 10240>}, {pipeline_mode = #tpu.pipeline_mode<synchronous>, transform_indices = @transform_6, window_bounds = array<i64: 128, 128>}, {pipeline_mode = #tpu.pipeline_mode<synchronous>, transform_indices = @transform_7, window_bounds = array<i64: 1, 128>}, {pipeline_mode = #tpu.pipeline_mode<synchronous>, transform_indices = @transform_8, window_bounds = array<i64: 1, 128>}, {pipeline_mode = #tpu.pipeline_mode<synchronous>, transform_indices = @transform_9, window_bounds = array<i64: 1, 128>}, {pipeline_mode = #tpu.pipeline_mode<synchronous>, transform_indices = @transform_10, window_bounds = array<i64: 512, 128>}, {pipeline_mode = #tpu.pipeline_mode<synchronous>, transform_indices = @transform_11, window_bounds = array<i64: 1, 512>}, {pipeline_mode = #tpu.pipeline_mode<synchronous>, transform_indices = @transform_12, window_bounds = array<i64: 128, 512>}, {pipeline_mode = #tpu.pipeline_mode<synchronous>, transform_indices = @transform_13, window_bounds = array<i64: 1, 128>}, {pipeline_mode = #tpu.pipeline_mode<synchronous>, transform_indices = @transform_14, window_bounds = array<i64: 1, 128>}, {pipeline_mode = #tpu.pipeline_mode<synchronous>, transform_indices = @transform_15, window_bounds = array<i64: 1, 128>}, {transform_indices = @transform_16, window_bounds = array<i64: 512, 128>}]} {
    %get3A = arith.constant 0 : index
    %get3A_0 = arith.constant 0 : index
    %get3A_1 = vector.load %arg5[%get3A, %get3A_0] : memref<512x1xi32, #tpu.memory_space<vmem>>, vector<512x1xi32>
    %get3A_2 = arith.constant 0 : index
    %get3A_3 = arith.constant 0 : index
    %get3A_4 = vector.load %arg6[%get3A_2, %get3A_3] : memref<1x10240xi32, #tpu.memory_space<vmem>>, vector<1x10240xi32>
    %reduce_min3A = vector.shape_cast %get3A_1 : vector<512x1xi32> to vector<1x512x1xi32>
    %reduce_min3A_5 = arith.constant dense<2147483647> : vector<1xi32>
    %reduce_min3A_6 = vector.multi_reduction <minsi>, %reduce_min3A, %reduce_min3A_5 [1, 2] : vector<1x512x1xi32> to vector<1xi32>
    %reduce_min3A_7 = vector.shape_cast %reduce_min3A_6 : vector<1xi32> to vector<1x1x1xi32>
    %reduce_min3A_8 = vector.extract %reduce_min3A_7[0, 0, 0] : i32 from vector<1x1x1xi32>
    %reduce_max3A = vector.shape_cast %get3A_1 : vector<512x1xi32> to vector<1x512x1xi32>
    %reduce_max3A_9 = arith.constant dense<-2147483648> : vector<1xi32>
    %reduce_max3A_10 = vector.multi_reduction <maxsi>, %reduce_max3A, %reduce_max3A_9 [1, 2] : vector<1x512x1xi32> to vector<1xi32>
    %reduce_max3A_11 = vector.shape_cast %reduce_max3A_10 : vector<1xi32> to vector<1x1x1xi32>
    %reduce_max3A_12 = vector.extract %reduce_max3A_11[0, 0, 0] : i32 from vector<1x1x1xi32>
    %lt3A = vector.broadcast %reduce_min3A_8 : i32 to vector<1x10240xi32>
    %lt3A_13 = arith.cmpi slt, %get3A_4, %lt3A : vector<1x10240xi32>
    %convert_element_type3A = arith.extui %lt3A_13 : vector<1x10240xi1> to vector<1x10240xi32>
    %reduce_sum3A = vector.shape_cast %convert_element_type3A : vector<1x10240xi32> to vector<1x1x10240xi32>
    %reduce_sum3A_14 = arith.constant dense<0> : vector<1xi32>
    %reduce_sum3A_15 = vector.multi_reduction <add>, %reduce_sum3A, %reduce_sum3A_14 [1, 2] : vector<1x1x10240xi32> to vector<1xi32>
    %reduce_sum3A_16 = vector.shape_cast %reduce_sum3A_15 : vector<1xi32> to vector<1x1x1xi32>
    %reduce_sum3A_17 = vector.extract %reduce_sum3A_16[0, 0, 0] : i32 from vector<1x1x1xi32>
    %le3A = vector.broadcast %reduce_max3A_12 : i32 to vector<1x10240xi32>
    %le3A_18 = arith.cmpi sle, %get3A_4, %le3A : vector<1x10240xi32>
    %convert_element_type3A_19 = arith.extui %le3A_18 : vector<1x10240xi1> to vector<1x10240xi32>
    %reduce_sum3A_20 = vector.shape_cast %convert_element_type3A_19 : vector<1x10240xi32> to vector<1x1x10240xi32>
    %reduce_sum3A_21 = arith.constant dense<0> : vector<1xi32>
    %reduce_sum3A_22 = vector.multi_reduction <add>, %reduce_sum3A_20, %reduce_sum3A_21 [1, 2] : vector<1x1x10240xi32> to vector<1xi32>
    %reduce_sum3A_23 = vector.shape_cast %reduce_sum3A_22 : vector<1xi32> to vector<1x1x1xi32>
    %reduce_sum3A_24 = vector.extract %reduce_sum3A_23[0, 0, 0] : i32 from vector<1x1x1xi32>
    %jit3A = arith.constant 512 : i32
    %div3A = arith.divsi %reduce_sum3A_17, %jit3A : i32
    %sign3A = arith.constant 0 : i32
    %sign3A_25 = arith.cmpi sgt, %reduce_sum3A_17, %sign3A : i32
    %sign3A_26 = arith.extui %sign3A_25 : i1 to i32
    %sign3A_27 = arith.constant 0 : i32
    %sign3A_28 = arith.cmpi slt, %reduce_sum3A_17, %sign3A_27 : i32
    %sign3A_29 = arith.extui %sign3A_28 : i1 to i32
    %sign3A_30 = arith.subi %sign3A_26, %sign3A_29 : i32
    %sign3A_31 = arith.constant 0 : i32
    %sign3A_32 = arith.cmpi sgt, %jit3A, %sign3A_31 : i32
    %sign3A_33 = arith.extui %sign3A_32 : i1 to i32
    %sign3A_34 = arith.constant 0 : i32
    %sign3A_35 = arith.cmpi slt, %jit3A, %sign3A_34 : i32
    %sign3A_36 = arith.extui %sign3A_35 : i1 to i32
    %sign3A_37 = arith.subi %sign3A_33, %sign3A_36 : i32
    %ne3A = arith.cmpi ne, %sign3A_30, %sign3A_37 : i32
    %rem3A = arith.remsi %reduce_sum3A_17, %jit3A : i32
    %ne3A_38 = arith.constant 0 : i32
    %ne3A_39 = arith.cmpi ne, %rem3A, %ne3A_38 : i32
    %and3A = arith.andi %ne3A, %ne3A_39 : i1
    %sub3A = arith.constant 1 : i32
    %sub3A_40 = arith.subi %div3A, %sub3A : i32
    %select_n3A = arith.select %and3A, %sub3A_40, %div3A : i32
    %add3A = arith.constant 512 : i32
    %add3A_41 = arith.addi %reduce_sum3A_24, %add3A : i32
    %sub3A_42 = arith.constant 1 : i32
    %sub3A_43 = arith.subi %add3A_41, %sub3A_42 : i32
    %jit3A_44 = arith.constant 512 : i32
    %div3A_45 = arith.divsi %sub3A_43, %jit3A_44 : i32
    %sign3A_46 = arith.constant 0 : i32
    %sign3A_47 = arith.cmpi sgt, %sub3A_43, %sign3A_46 : i32
    %sign3A_48 = arith.extui %sign3A_47 : i1 to i32
    %sign3A_49 = arith.constant 0 : i32
    %sign3A_50 = arith.cmpi slt, %sub3A_43, %sign3A_49 : i32
    %sign3A_51 = arith.extui %sign3A_50 : i1 to i32
    %sign3A_52 = arith.subi %sign3A_48, %sign3A_51 : i32
    %sign3A_53 = arith.constant 0 : i32
    %sign3A_54 = arith.cmpi sgt, %jit3A_44, %sign3A_53 : i32
    %sign3A_55 = arith.extui %sign3A_54 : i1 to i32
    %sign3A_56 = arith.constant 0 : i32
    %sign3A_57 = arith.cmpi slt, %jit3A_44, %sign3A_56 : i32
    %sign3A_58 = arith.extui %sign3A_57 : i1 to i32
    %sign3A_59 = arith.subi %sign3A_55, %sign3A_58 : i32
    %ne3A_60 = arith.cmpi ne, %sign3A_52, %sign3A_59 : i32
    %rem3A_61 = arith.remsi %sub3A_43, %jit3A_44 : i32
    %ne3A_62 = arith.constant 0 : i32
    %ne3A_63 = arith.cmpi ne, %rem3A_61, %ne3A_62 : i32
    %and3A_64 = arith.andi %ne3A_60, %ne3A_63 : i1
    %sub3A_65 = arith.constant 1 : i32
    %sub3A_66 = arith.subi %div3A_45, %sub3A_65 : i32
    %select_n3A_67 = arith.select %and3A_64, %sub3A_66, %div3A_45 : i32
    %get3A_68 = arith.constant 0 : index
    %get3A_69 = arith.constant 0 : index
    %get3A_70 = vector.load %arg2[%get3A_68, %get3A_69] : memref<512x128xf32, #tpu.memory_space<vmem>>, vector<512x128xf32>
    %mul3A = arith.constant 1.250000e-01 : f32
    %mul3A_71 = vector.broadcast %mul3A : f32 to vector<512x128xf32>
    %mul3A_72 = arith.mulf %get3A_70, %mul3A_71 : vector<512x128xf32>
    %slice3A = vector.extract_strided_slice %mul3A_72 {offsets = [0, 0], sizes = [512, 64], strides = [1, 1]} : vector<512x128xf32> to vector<512x64xf32>
    %broadcast_in_dim3A = arith.constant -1.000000e+30 : f32
    %broadcast_in_dim3A_73 = vector.broadcast %broadcast_in_dim3A : f32 to vector<512x1xf32>
    %broadcast_in_dim3A_74 = arith.constant 0.000000e+00 : f32
    %broadcast_in_dim3A_75 = vector.broadcast %broadcast_in_dim3A_74 : f32 to vector<512x1xf32>
    %broadcast_in_dim3A_76 = arith.constant 0.000000e+00 : f32
    %broadcast_in_dim3A_77 = vector.broadcast %broadcast_in_dim3A_76 : f32 to vector<512x64xf32>
    %while3A = arith.subi %select_n3A_67, %select_n3A : i32
    %while3A_78 = arith.addi %select_n3A, %while3A : i32
    %while3A_79 = arith.constant 1 : i32
    %while3A_80 = arith.divsi %while3A, %while3A_79 : i32
    %while3A_81 = arith.muli %while3A_80, %while3A_79 : i32
    %while3A_82 = arith.addi %select_n3A, %while3A_81 : i32
    %while3A_83 = arith.constant 1 : i32
    %while3A_84:3 = scf.for %while3A_207 = %select_n3A to %while3A_82 step %while3A_83 iter_args(%while3A_208 = %broadcast_in_dim3A_73, %while3A_209 = %broadcast_in_dim3A_75, %while3A_210 = %broadcast_in_dim3A_77) -> (vector<512x1xf32>, vector<512x1xf32>, vector<512x64xf32>)  : i32 {
      %mul3A_211 = arith.constant 512 : i32
      %mul3A_212 = arith.muli %while3A_207, %mul3A_211 : i32
      %multiple_of3A = tpu.assume_multiple %mul3A_212, 512 : i32
      %get3A_213 = arith.index_cast %multiple_of3A : i32 to index
      %get3A_214 = arith.constant 0 : index
      %get3A_215 = vector.load %arg3[%get3A_213, %get3A_214] : memref<10240x128xf32, #tpu.memory_space<vmem>>, vector<512x128xf32>
      %slice3A_216 = vector.extract_strided_slice %get3A_215 {offsets = [0, 0], sizes = [512, 64], strides = [1, 1]} : vector<512x128xf32> to vector<512x64xf32>
      %get3A_217 = arith.index_cast %multiple_of3A : i32 to index
      %get3A_218 = arith.constant 0 : index
      %get3A_219 = vector.load %arg4[%get3A_217, %get3A_218] : memref<10240x128xf32, #tpu.memory_space<vmem>>, vector<512x128xf32>
      %slice3A_220 = vector.extract_strided_slice %get3A_219 {offsets = [0, 0], sizes = [512, 64], strides = [1, 1]} : vector<512x128xf32> to vector<512x64xf32>
      %dot_general3A_221 = arith.constant dense<0.000000e+00> : vector<512x512xf32>
      %dot_general3A_222 = tpu.matmul %slice3A, %slice3A_216, %dot_general3A_221 {dimension_numbers = #tpu.dot_dimension_numbers<[1], [1], [0], [0], [0, 0, 1, 0], [], []>, transpose_lhs_hint = false} : vector<512x64xf32>, vector<512x64xf32>, vector<512x512xf32> -> vector<512x512xf32>
      %get3A_223 = arith.constant 0 : index
      %get3A_224 = arith.index_cast %multiple_of3A : i32 to index
      %get3A_225 = vector.load %arg6[%get3A_223, %get3A_224] : memref<1x10240xi32, #tpu.memory_space<vmem>>, vector<1x512xi32>
      %eq3A = vector.broadcast %get3A_1 : vector<512x1xi32> to vector<512x512xi32>
      %eq3A_226 = vector.broadcast %get3A_225 : vector<1x512xi32> to vector<512x512xi32>
      %eq3A_227 = arith.cmpi eq, %eq3A, %eq3A_226 : vector<512x512xi32>
      %jit3A_228 = arith.constant -1.000000e+30 : f32
      %broadcast_in_dim3A_229 = vector.broadcast %jit3A_228 : f32 to vector<512x512xf32>
      %select_n3A_230 = arith.select %eq3A_227, %dot_general3A_222, %broadcast_in_dim3A_229 : vector<512x512xi1>, vector<512x512xf32>
      %reduce_max3A_231 = arith.constant dense<0xFF800000> : vector<512xf32>
      %reduce_max3A_232 = vector.multi_reduction <maximumf>, %select_n3A_230, %reduce_max3A_231 [1] : vector<512x512xf32> to vector<512xf32>
      %broadcast_in_dim3A_233 = vector.shape_cast %reduce_max3A_232 : vector<512xf32> to vector<512x1xf32>
      %max3A_234 = arith.maximumf %while3A_208, %broadcast_in_dim3A_233 : vector<512x1xf32>
      %sub3A_235 = vector.broadcast %max3A_234 : vector<512x1xf32> to vector<512x512xf32>
      %sub3A_236 = arith.subf %select_n3A_230, %sub3A_235 : vector<512x512xf32>
      %exp3A = math.exp %sub3A_236 : vector<512x512xf32>
      %jit3A_237 = arith.constant 0.000000e+00 : f32
      %broadcast_in_dim3A_238 = vector.broadcast %jit3A_237 : f32 to vector<512x512xf32>
      %select_n3A_239 = arith.select %eq3A_227, %exp3A, %broadcast_in_dim3A_238 : vector<512x512xi1>, vector<512x512xf32>
      %sub3A_240 = arith.subf %while3A_208, %max3A_234 : vector<512x1xf32>
      %exp3A_241 = math.exp %sub3A_240 : vector<512x1xf32>
      %mul3A_242 = arith.mulf %while3A_209, %exp3A_241 : vector<512x1xf32>
      %reduce_sum3A_243 = arith.constant dense<0.000000e+00> : vector<512xf32>
      %reduce_sum3A_244 = vector.multi_reduction <add>, %select_n3A_239, %reduce_sum3A_243 [1] : vector<512x512xf32> to vector<512xf32>
      %broadcast_in_dim3A_245 = vector.shape_cast %reduce_sum3A_244 : vector<512xf32> to vector<512x1xf32>
      %add3A_246 = arith.addf %mul3A_242, %broadcast_in_dim3A_245 : vector<512x1xf32>
      %mul3A_247 = vector.broadcast %exp3A_241 : vector<512x1xf32> to vector<512x64xf32>
      %mul3A_248 = arith.mulf %while3A_210, %mul3A_247 : vector<512x64xf32>
      %dot_general3A_249 = arith.constant dense<0.000000e+00> : vector<512x64xf32>
      %dot_general3A_250 = tpu.matmul %select_n3A_239, %slice3A_220, %dot_general3A_249 {dimension_numbers = #tpu.dot_dimension_numbers<[1], [0], [0], [1], [0, 0, 1, 1], [], []>, transpose_lhs_hint = false} : vector<512x512xf32>, vector<512x64xf32>, vector<512x64xf32> -> vector<512x64xf32>
      %add3A_251 = arith.addf %mul3A_248, %dot_general3A_250 : vector<512x64xf32>
      scf.yield %max3A_234, %add3A_246, %add3A_251 : vector<512x1xf32>, vector<512x1xf32>, vector<512x64xf32>
    }
    %while3A_85 = arith.constant 1 : i32
    %while3A_86:3 = scf.for %while3A_207 = %while3A_82 to %while3A_78 step %while3A_85 iter_args(%while3A_208 = %while3A_84#0, %while3A_209 = %while3A_84#1, %while3A_210 = %while3A_84#2) -> (vector<512x1xf32>, vector<512x1xf32>, vector<512x64xf32>)  : i32 {
      %mul3A_211 = arith.constant 512 : i32
      %mul3A_212 = arith.muli %while3A_207, %mul3A_211 : i32
      %multiple_of3A = tpu.assume_multiple %mul3A_212, 512 : i32
      %get3A_213 = arith.index_cast %multiple_of3A : i32 to index
      %get3A_214 = arith.constant 0 : index
      %get3A_215 = vector.load %arg3[%get3A_213, %get3A_214] : memref<10240x128xf32, #tpu.memory_space<vmem>>, vector<512x128xf32>
      %slice3A_216 = vector.extract_strided_slice %get3A_215 {offsets = [0, 0], sizes = [512, 64], strides = [1, 1]} : vector<512x128xf32> to vector<512x64xf32>
      %get3A_217 = arith.index_cast %multiple_of3A : i32 to index
      %get3A_218 = arith.constant 0 : index
      %get3A_219 = vector.load %arg4[%get3A_217, %get3A_218] : memref<10240x128xf32, #tpu.memory_space<vmem>>, vector<512x128xf32>
      %slice3A_220 = vector.extract_strided_slice %get3A_219 {offsets = [0, 0], sizes = [512, 64], strides = [1, 1]} : vector<512x128xf32> to vector<512x64xf32>
      %dot_general3A_221 = arith.constant dense<0.000000e+00> : vector<512x512xf32>
      %dot_general3A_222 = tpu.matmul %slice3A, %slice3A_216, %dot_general3A_221 {dimension_numbers = #tpu.dot_dimension_numbers<[1], [1], [0], [0], [0, 0, 1, 0], [], []>, transpose_lhs_hint = false} : vector<512x64xf32>, vector<512x64xf32>, vector<512x512xf32> -> vector<512x512xf32>
      %get3A_223 = arith.constant 0 : index
      %get3A_224 = arith.index_cast %multiple_of3A : i32 to index
      %get3A_225 = vector.load %arg6[%get3A_223, %get3A_224] : memref<1x10240xi32, #tpu.memory_space<vmem>>, vector<1x512xi32>
      %eq3A = vector.broadcast %get3A_1 : vector<512x1xi32> to vector<512x512xi32>
      %eq3A_226 = vector.broadcast %get3A_225 : vector<1x512xi32> to vector<512x512xi32>
      %eq3A_227 = arith.cmpi eq, %eq3A, %eq3A_226 : vector<512x512xi32>
      %jit3A_228 = arith.constant -1.000000e+30 : f32
      %broadcast_in_dim3A_229 = vector.broadcast %jit3A_228 : f32 to vector<512x512xf32>
      %select_n3A_230 = arith.select %eq3A_227, %dot_general3A_222, %broadcast_in_dim3A_229 : vector<512x512xi1>, vector<512x512xf32>
      %reduce_max3A_231 = arith.constant dense<0xFF800000> : vector<512xf32>
      %reduce_max3A_232 = vector.multi_reduction <maximumf>, %select_n3A_230, %reduce_max3A_231 [1] : vector<512x512xf32> to vector<512xf32>
      %broadcast_in_dim3A_233 = vector.shape_cast %reduce_max3A_232 : vector<512xf32> to vector<512x1xf32>
      %max3A_234 = arith.maximumf %while3A_208, %broadcast_in_dim3A_233 : vector<512x1xf32>
      %sub3A_235 = vector.broadcast %max3A_234 : vector<512x1xf32> to vector<512x512xf32>
      %sub3A_236 = arith.subf %select_n3A_230, %sub3A_235 : vector<512x512xf32>
      %exp3A = math.exp %sub3A_236 : vector<512x512xf32>
      %jit3A_237 = arith.constant 0.000000e+00 : f32
      %broadcast_in_dim3A_238 = vector.broadcast %jit3A_237 : f32 to vector<512x512xf32>
      %select_n3A_239 = arith.select %eq3A_227, %exp3A, %broadcast_in_dim3A_238 : vector<512x512xi1>, vector<512x512xf32>
      %sub3A_240 = arith.subf %while3A_208, %max3A_234 : vector<512x1xf32>
      %exp3A_241 = math.exp %sub3A_240 : vector<512x1xf32>
      %mul3A_242 = arith.mulf %while3A_209, %exp3A_241 : vector<512x1xf32>
      %reduce_sum3A_243 = arith.constant dense<0.000000e+00> : vector<512xf32>
      %reduce_sum3A_244 = vector.multi_reduction <add>, %select_n3A_239, %reduce_sum3A_243 [1] : vector<512x512xf32> to vector<512xf32>
      %broadcast_in_dim3A_245 = vector.shape_cast %reduce_sum3A_244 : vector<512xf32> to vector<512x1xf32>
      %add3A_246 = arith.addf %mul3A_242, %broadcast_in_dim3A_245 : vector<512x1xf32>
      %mul3A_247 = vector.broadcast %exp3A_241 : vector<512x1xf32> to vector<512x64xf32>
      %mul3A_248 = arith.mulf %while3A_210, %mul3A_247 : vector<512x64xf32>
      %dot_general3A_249 = arith.constant dense<0.000000e+00> : vector<512x64xf32>
      %dot_general3A_250 = tpu.matmul %select_n3A_239, %slice3A_220, %dot_general3A_249 {dimension_numbers = #tpu.dot_dimension_numbers<[1], [0], [0], [1], [0, 0, 1, 1], [], []>, transpose_lhs_hint = false} : vector<512x512xf32>, vector<512x64xf32>, vector<512x64xf32> -> vector<512x64xf32>
      %add3A_251 = arith.addf %mul3A_248, %dot_general3A_250 : vector<512x64xf32>
      scf.yield %max3A_234, %add3A_246, %add3A_251 : vector<512x1xf32>, vector<512x1xf32>, vector<512x64xf32>
    }
    %div3A_87 = vector.broadcast %while3A_86#1 : vector<512x1xf32> to vector<512x64xf32>
    %div3A_88 = arith.divf %while3A_86#2, %div3A_87 : vector<512x64xf32>
    %slice3A_89 = vector.extract_strided_slice %mul3A_72 {offsets = [0, 64], sizes = [512, 64], strides = [1, 1]} : vector<512x128xf32> to vector<512x64xf32>
    %broadcast_in_dim3A_90 = arith.constant -1.000000e+30 : f32
    %broadcast_in_dim3A_91 = vector.broadcast %broadcast_in_dim3A_90 : f32 to vector<512x1xf32>
    %broadcast_in_dim3A_92 = arith.constant 0.000000e+00 : f32
    %broadcast_in_dim3A_93 = vector.broadcast %broadcast_in_dim3A_92 : f32 to vector<512x1xf32>
    %broadcast_in_dim3A_94 = arith.constant 0.000000e+00 : f32
    %broadcast_in_dim3A_95 = vector.broadcast %broadcast_in_dim3A_94 : f32 to vector<512x64xf32>
    %while3A_96 = arith.subi %select_n3A_67, %select_n3A : i32
    %while3A_97 = arith.addi %select_n3A, %while3A_96 : i32
    %while3A_98 = arith.constant 1 : i32
    %while3A_99 = arith.divsi %while3A_96, %while3A_98 : i32
    %while3A_100 = arith.muli %while3A_99, %while3A_98 : i32
    %while3A_101 = arith.addi %select_n3A, %while3A_100 : i32
    %while3A_102 = arith.constant 1 : i32
    %while3A_103:3 = scf.for %while3A_207 = %select_n3A to %while3A_101 step %while3A_102 iter_args(%while3A_208 = %broadcast_in_dim3A_91, %while3A_209 = %broadcast_in_dim3A_93, %while3A_210 = %broadcast_in_dim3A_95) -> (vector<512x1xf32>, vector<512x1xf32>, vector<512x64xf32>)  : i32 {
      %mul3A_211 = arith.constant 512 : i32
      %mul3A_212 = arith.muli %while3A_207, %mul3A_211 : i32
      %multiple_of3A = tpu.assume_multiple %mul3A_212, 512 : i32
      %get3A_213 = arith.index_cast %multiple_of3A : i32 to index
      %get3A_214 = arith.constant 0 : index
      %get3A_215 = vector.load %arg3[%get3A_213, %get3A_214] : memref<10240x128xf32, #tpu.memory_space<vmem>>, vector<512x128xf32>
      %slice3A_216 = vector.extract_strided_slice %get3A_215 {offsets = [0, 64], sizes = [512, 64], strides = [1, 1]} : vector<512x128xf32> to vector<512x64xf32>
      %get3A_217 = arith.index_cast %multiple_of3A : i32 to index
      %get3A_218 = arith.constant 0 : index
      %get3A_219 = vector.load %arg4[%get3A_217, %get3A_218] : memref<10240x128xf32, #tpu.memory_space<vmem>>, vector<512x128xf32>
      %slice3A_220 = vector.extract_strided_slice %get3A_219 {offsets = [0, 64], sizes = [512, 64], strides = [1, 1]} : vector<512x128xf32> to vector<512x64xf32>
      %dot_general3A_221 = arith.constant dense<0.000000e+00> : vector<512x512xf32>
      %dot_general3A_222 = tpu.matmul %slice3A_89, %slice3A_216, %dot_general3A_221 {dimension_numbers = #tpu.dot_dimension_numbers<[1], [1], [0], [0], [0, 0, 1, 0], [], []>, transpose_lhs_hint = false} : vector<512x64xf32>, vector<512x64xf32>, vector<512x512xf32> -> vector<512x512xf32>
      %get3A_223 = arith.constant 0 : index
      %get3A_224 = arith.index_cast %multiple_of3A : i32 to index
      %get3A_225 = vector.load %arg6[%get3A_223, %get3A_224] : memref<1x10240xi32, #tpu.memory_space<vmem>>, vector<1x512xi32>
      %eq3A = vector.broadcast %get3A_1 : vector<512x1xi32> to vector<512x512xi32>
      %eq3A_226 = vector.broadcast %get3A_225 : vector<1x512xi32> to vector<512x512xi32>
      %eq3A_227 = arith.cmpi eq, %eq3A, %eq3A_226 : vector<512x512xi32>
      %jit3A_228 = arith.constant -1.000000e+30 : f32
      %broadcast_in_dim3A_229 = vector.broadcast %jit3A_228 : f32 to vector<512x512xf32>
      %select_n3A_230 = arith.select %eq3A_227, %dot_general3A_222, %broadcast_in_dim3A_229 : vector<512x512xi1>, vector<512x512xf32>
      %reduce_max3A_231 = arith.constant dense<0xFF800000> : vector<512xf32>
      %reduce_max3A_232 = vector.multi_reduction <maximumf>, %select_n3A_230, %reduce_max3A_231 [1] : vector<512x512xf32> to vector<512xf32>
      %broadcast_in_dim3A_233 = vector.shape_cast %reduce_max3A_232 : vector<512xf32> to vector<512x1xf32>
      %max3A_234 = arith.maximumf %while3A_208, %broadcast_in_dim3A_233 : vector<512x1xf32>
      %sub3A_235 = vector.broadcast %max3A_234 : vector<512x1xf32> to vector<512x512xf32>
      %sub3A_236 = arith.subf %select_n3A_230, %sub3A_235 : vector<512x512xf32>
      %exp3A = math.exp %sub3A_236 : vector<512x512xf32>
      %jit3A_237 = arith.constant 0.000000e+00 : f32
      %broadcast_in_dim3A_238 = vector.broadcast %jit3A_237 : f32 to vector<512x512xf32>
      %select_n3A_239 = arith.select %eq3A_227, %exp3A, %broadcast_in_dim3A_238 : vector<512x512xi1>, vector<512x512xf32>
      %sub3A_240 = arith.subf %while3A_208, %max3A_234 : vector<512x1xf32>
      %exp3A_241 = math.exp %sub3A_240 : vector<512x1xf32>
      %mul3A_242 = arith.mulf %while3A_209, %exp3A_241 : vector<512x1xf32>
      %reduce_sum3A_243 = arith.constant dense<0.000000e+00> : vector<512xf32>
      %reduce_sum3A_244 = vector.multi_reduction <add>, %select_n3A_239, %reduce_sum3A_243 [1] : vector<512x512xf32> to vector<512xf32>
      %broadcast_in_dim3A_245 = vector.shape_cast %reduce_sum3A_244 : vector<512xf32> to vector<512x1xf32>
      %add3A_246 = arith.addf %mul3A_242, %broadcast_in_dim3A_245 : vector<512x1xf32>
      %mul3A_247 = vector.broadcast %exp3A_241 : vector<512x1xf32> to vector<512x64xf32>
      %mul3A_248 = arith.mulf %while3A_210, %mul3A_247 : vector<512x64xf32>
      %dot_general3A_249 = arith.constant dense<0.000000e+00> : vector<512x64xf32>
      %dot_general3A_250 = tpu.matmul %select_n3A_239, %slice3A_220, %dot_general3A_249 {dimension_numbers = #tpu.dot_dimension_numbers<[1], [0], [0], [1], [0, 0, 1, 1], [], []>, transpose_lhs_hint = false} : vector<512x512xf32>, vector<512x64xf32>, vector<512x64xf32> -> vector<512x64xf32>
      %add3A_251 = arith.addf %mul3A_248, %dot_general3A_250 : vector<512x64xf32>
      scf.yield %max3A_234, %add3A_246, %add3A_251 : vector<512x1xf32>, vector<512x1xf32>, vector<512x64xf32>
    }
    %while3A_104 = arith.constant 1 : i32
    %while3A_105:3 = scf.for %while3A_207 = %while3A_101 to %while3A_97 step %while3A_104 iter_args(%while3A_208 = %while3A_103#0, %while3A_209 = %while3A_103#1, %while3A_210 = %while3A_103#2) -> (vector<512x1xf32>, vector<512x1xf32>, vector<512x64xf32>)  : i32 {
      %mul3A_211 = arith.constant 512 : i32
      %mul3A_212 = arith.muli %while3A_207, %mul3A_211 : i32
      %multiple_of3A = tpu.assume_multiple %mul3A_212, 512 : i32
      %get3A_213 = arith.index_cast %multiple_of3A : i32 to index
      %get3A_214 = arith.constant 0 : index
      %get3A_215 = vector.load %arg3[%get3A_213, %get3A_214] : memref<10240x128xf32, #tpu.memory_space<vmem>>, vector<512x128xf32>
      %slice3A_216 = vector.extract_strided_slice %get3A_215 {offsets = [0, 64], sizes = [512, 64], strides = [1, 1]} : vector<512x128xf32> to vector<512x64xf32>
      %get3A_217 = arith.index_cast %multiple_of3A : i32 to index
      %get3A_218 = arith.constant 0 : index
      %get3A_219 = vector.load %arg4[%get3A_217, %get3A_218] : memref<10240x128xf32, #tpu.memory_space<vmem>>, vector<512x128xf32>
      %slice3A_220 = vector.extract_strided_slice %get3A_219 {offsets = [0, 64], sizes = [512, 64], strides = [1, 1]} : vector<512x128xf32> to vector<512x64xf32>
      %dot_general3A_221 = arith.constant dense<0.000000e+00> : vector<512x512xf32>
      %dot_general3A_222 = tpu.matmul %slice3A_89, %slice3A_216, %dot_general3A_221 {dimension_numbers = #tpu.dot_dimension_numbers<[1], [1], [0], [0], [0, 0, 1, 0], [], []>, transpose_lhs_hint = false} : vector<512x64xf32>, vector<512x64xf32>, vector<512x512xf32> -> vector<512x512xf32>
      %get3A_223 = arith.constant 0 : index
      %get3A_224 = arith.index_cast %multiple_of3A : i32 to index
      %get3A_225 = vector.load %arg6[%get3A_223, %get3A_224] : memref<1x10240xi32, #tpu.memory_space<vmem>>, vector<1x512xi32>
      %eq3A = vector.broadcast %get3A_1 : vector<512x1xi32> to vector<512x512xi32>
      %eq3A_226 = vector.broadcast %get3A_225 : vector<1x512xi32> to vector<512x512xi32>
      %eq3A_227 = arith.cmpi eq, %eq3A, %eq3A_226 : vector<512x512xi32>
      %jit3A_228 = arith.constant -1.000000e+30 : f32
      %broadcast_in_dim3A_229 = vector.broadcast %jit3A_228 : f32 to vector<512x512xf32>
      %select_n3A_230 = arith.select %eq3A_227, %dot_general3A_222, %broadcast_in_dim3A_229 : vector<512x512xi1>, vector<512x512xf32>
      %reduce_max3A_231 = arith.constant dense<0xFF800000> : vector<512xf32>
      %reduce_max3A_232 = vector.multi_reduction <maximumf>, %select_n3A_230, %reduce_max3A_231 [1] : vector<512x512xf32> to vector<512xf32>
      %broadcast_in_dim3A_233 = vector.shape_cast %reduce_max3A_232 : vector<512xf32> to vector<512x1xf32>
      %max3A_234 = arith.maximumf %while3A_208, %broadcast_in_dim3A_233 : vector<512x1xf32>
      %sub3A_235 = vector.broadcast %max3A_234 : vector<512x1xf32> to vector<512x512xf32>
      %sub3A_236 = arith.subf %select_n3A_230, %sub3A_235 : vector<512x512xf32>
      %exp3A = math.exp %sub3A_236 : vector<512x512xf32>
      %jit3A_237 = arith.constant 0.000000e+00 : f32
      %broadcast_in_dim3A_238 = vector.broadcast %jit3A_237 : f32 to vector<512x512xf32>
      %select_n3A_239 = arith.select %eq3A_227, %exp3A, %broadcast_in_dim3A_238 : vector<512x512xi1>, vector<512x512xf32>
      %sub3A_240 = arith.subf %while3A_208, %max3A_234 : vector<512x1xf32>
      %exp3A_241 = math.exp %sub3A_240 : vector<512x1xf32>
      %mul3A_242 = arith.mulf %while3A_209, %exp3A_241 : vector<512x1xf32>
      %reduce_sum3A_243 = arith.constant dense<0.000000e+00> : vector<512xf32>
      %reduce_sum3A_244 = vector.multi_reduction <add>, %select_n3A_239, %reduce_sum3A_243 [1] : vector<512x512xf32> to vector<512xf32>
      %broadcast_in_dim3A_245 = vector.shape_cast %reduce_sum3A_244 : vector<512xf32> to vector<512x1xf32>
      %add3A_246 = arith.addf %mul3A_242, %broadcast_in_dim3A_245 : vector<512x1xf32>
      %mul3A_247 = vector.broadcast %exp3A_241 : vector<512x1xf32> to vector<512x64xf32>
      %mul3A_248 = arith.mulf %while3A_210, %mul3A_247 : vector<512x64xf32>
      %dot_general3A_249 = arith.constant dense<0.000000e+00> : vector<512x64xf32>
      %dot_general3A_250 = tpu.matmul %select_n3A_239, %slice3A_220, %dot_general3A_249 {dimension_numbers = #tpu.dot_dimension_numbers<[1], [0], [0], [1], [0, 0, 1, 1], [], []>, transpose_lhs_hint = false} : vector<512x512xf32>, vector<512x64xf32>, vector<512x64xf32> -> vector<512x64xf32>
      %add3A_251 = arith.addf %mul3A_248, %dot_general3A_250 : vector<512x64xf32>
      scf.yield %max3A_234, %add3A_246, %add3A_251 : vector<512x1xf32>, vector<512x1xf32>, vector<512x64xf32>
    }
    %div3A_106 = vector.broadcast %while3A_105#1 : vector<512x1xf32> to vector<512x64xf32>
    %div3A_107 = arith.divf %while3A_105#2, %div3A_106 : vector<512x64xf32>
    %concatenate3A = tpu.concatenate %div3A_88, %div3A_107 in 1 : vector<512x64xf32>, vector<512x64xf32> -> vector<512x128xf32>
    %get3A_108 = arith.constant 0 : index
    %get3A_109 = arith.constant 0 : index
    %get3A_110 = vector.load %arg7[%get3A_108, %get3A_109] : memref<128x128xf32, #tpu.memory_space<vmem>>, vector<128x128xf32>
    %dot_general3A = arith.constant dense<0.000000e+00> : vector<512x128xf32>
    %dot_general3A_111 = tpu.matmul %concatenate3A, %get3A_110, %dot_general3A {dimension_numbers = #tpu.dot_dimension_numbers<[1], [1], [0], [0], [0, 0, 1, 0], [], []>, transpose_lhs_hint = false} : vector<512x128xf32>, vector<128x128xf32>, vector<512x128xf32> -> vector<512x128xf32>
    %get3A_112 = arith.constant 0 : index
    %get3A_113 = arith.constant 0 : index
    %get3A_114 = vector.load %arg8[%get3A_112, %get3A_113] : memref<1x128xf32, #tpu.memory_space<vmem>>, vector<1x128xf32>
    %add3A_115 = vector.broadcast %get3A_114 : vector<1x128xf32> to vector<512x128xf32>
    %add3A_116 = arith.addf %dot_general3A_111, %add3A_115 : vector<512x128xf32>
    %get3A_117 = arith.constant 0 : index
    %get3A_118 = arith.constant 0 : index
    %get3A_119 = vector.load %arg1[%get3A_117, %get3A_118] : memref<512x128xf32, #tpu.memory_space<vmem>>, vector<512x128xf32>
    %add3A_120 = arith.addf %get3A_119, %add3A_116 : vector<512x128xf32>
    %get3A_121 = arith.constant 0 : index
    %get3A_122 = arith.constant 0 : index
    %get3A_123 = vector.load %arg9[%get3A_121, %get3A_122] : memref<1x128xf32, #tpu.memory_space<vmem>>, vector<1x128xf32>
    %get3A_124 = arith.constant 0 : index
    %get3A_125 = arith.constant 0 : index
    %get3A_126 = vector.load %arg10[%get3A_124, %get3A_125] : memref<1x128xf32, #tpu.memory_space<vmem>>, vector<1x128xf32>
    %reduce_sum3A_127 = arith.constant dense<0.000000e+00> : vector<512xf32>
    %reduce_sum3A_128 = vector.multi_reduction <add>, %add3A_120, %reduce_sum3A_127 [1] : vector<512x128xf32> to vector<512xf32>
    %broadcast_in_dim3A_129 = vector.shape_cast %reduce_sum3A_128 : vector<512xf32> to vector<512x1xf32>
    %div3A_130 = arith.constant 1.280000e+02 : f32
    %div3A_131 = vector.broadcast %div3A_130 : f32 to vector<512x1xf32>
    %div3A_132 = arith.divf %broadcast_in_dim3A_129, %div3A_131 : vector<512x1xf32>
    %sub3A_133 = vector.broadcast %div3A_132 : vector<512x1xf32> to vector<512x128xf32>
    %sub3A_134 = arith.subf %add3A_120, %sub3A_133 : vector<512x128xf32>
    %mul3A_135 = arith.mulf %sub3A_134, %sub3A_134 : vector<512x128xf32>
    %reduce_sum3A_136 = arith.constant dense<0.000000e+00> : vector<512xf32>
    %reduce_sum3A_137 = vector.multi_reduction <add>, %mul3A_135, %reduce_sum3A_136 [1] : vector<512x128xf32> to vector<512xf32>
    %broadcast_in_dim3A_138 = vector.shape_cast %reduce_sum3A_137 : vector<512xf32> to vector<512x1xf32>
    %div3A_139 = arith.constant 1.280000e+02 : f32
    %div3A_140 = vector.broadcast %div3A_139 : f32 to vector<512x1xf32>
    %div3A_141 = arith.divf %broadcast_in_dim3A_138, %div3A_140 : vector<512x1xf32>
    %add3A_142 = arith.constant 9.99999974E-6 : f32
    %add3A_143 = vector.broadcast %add3A_142 : f32 to vector<512x1xf32>
    %add3A_144 = arith.addf %div3A_141, %add3A_143 : vector<512x1xf32>
    %sqrt3A = math.sqrt %add3A_144 : vector<512x1xf32>
    %div3A_145 = vector.broadcast %sqrt3A : vector<512x1xf32> to vector<512x128xf32>
    %div3A_146 = arith.divf %sub3A_134, %div3A_145 : vector<512x128xf32>
    %mul3A_147 = vector.broadcast %get3A_123 : vector<1x128xf32> to vector<512x128xf32>
    %mul3A_148 = arith.mulf %div3A_146, %mul3A_147 : vector<512x128xf32>
    %add3A_149 = vector.broadcast %get3A_126 : vector<1x128xf32> to vector<512x128xf32>
    %add3A_150 = arith.addf %mul3A_148, %add3A_149 : vector<512x128xf32>
    %get3A_151 = arith.constant 0 : index
    %get3A_152 = arith.constant 0 : index
    %get3A_153 = vector.load %arg11[%get3A_151, %get3A_152] : memref<512x128xf32, #tpu.memory_space<vmem>>, vector<512x128xf32>
    %dot_general3A_154 = arith.constant dense<0.000000e+00> : vector<512x512xf32>
    %dot_general3A_155 = tpu.matmul %add3A_150, %get3A_153, %dot_general3A_154 {dimension_numbers = #tpu.dot_dimension_numbers<[1], [1], [0], [0], [0, 0, 1, 0], [], []>, transpose_lhs_hint = false} : vector<512x128xf32>, vector<512x128xf32>, vector<512x512xf32> -> vector<512x512xf32>
    %get3A_156 = arith.constant 0 : index
    %get3A_157 = arith.constant 0 : index
    %get3A_158 = vector.load %arg12[%get3A_156, %get3A_157] : memref<1x512xf32, #tpu.memory_space<vmem>>, vector<1x512xf32>
    %add3A_159 = vector.broadcast %get3A_158 : vector<1x512xf32> to vector<512x512xf32>
    %add3A_160 = arith.addf %dot_general3A_155, %add3A_159 : vector<512x512xf32>
    %max3A = arith.constant 0.000000e+00 : f32
    %max3A_161 = vector.broadcast %max3A : f32 to vector<512x512xf32>
    %max3A_162 = arith.maximumf %add3A_160, %max3A_161 : vector<512x512xf32>
    %get3A_163 = arith.constant 0 : index
    %get3A_164 = arith.constant 0 : index
    %get3A_165 = vector.load %arg13[%get3A_163, %get3A_164] : memref<128x512xf32, #tpu.memory_space<vmem>>, vector<128x512xf32>
    %dot_general3A_166 = arith.constant dense<0.000000e+00> : vector<512x128xf32>
    %dot_general3A_167 = tpu.matmul %max3A_162, %get3A_165, %dot_general3A_166 {dimension_numbers = #tpu.dot_dimension_numbers<[1], [1], [0], [0], [0, 0, 1, 0], [], []>, transpose_lhs_hint = false} : vector<512x512xf32>, vector<128x512xf32>, vector<512x128xf32> -> vector<512x128xf32>
    %get3A_168 = arith.constant 0 : index
    %get3A_169 = arith.constant 0 : index
    %get3A_170 = vector.load %arg14[%get3A_168, %get3A_169] : memref<1x128xf32, #tpu.memory_space<vmem>>, vector<1x128xf32>
    %add3A_171 = vector.broadcast %get3A_170 : vector<1x128xf32> to vector<512x128xf32>
    %add3A_172 = arith.addf %dot_general3A_167, %add3A_171 : vector<512x128xf32>
    %add3A_173 = arith.addf %add3A_150, %add3A_172 : vector<512x128xf32>
    %get3A_174 = arith.constant 0 : index
    %get3A_175 = arith.constant 0 : index
    %get3A_176 = vector.load %arg15[%get3A_174, %get3A_175] : memref<1x128xf32, #tpu.memory_space<vmem>>, vector<1x128xf32>
    %get3A_177 = arith.constant 0 : index
    %get3A_178 = arith.constant 0 : index
    %get3A_179 = vector.load %arg16[%get3A_177, %get3A_178] : memref<1x128xf32, #tpu.memory_space<vmem>>, vector<1x128xf32>
    %reduce_sum3A_180 = arith.constant dense<0.000000e+00> : vector<512xf32>
    %reduce_sum3A_181 = vector.multi_reduction <add>, %add3A_173, %reduce_sum3A_180 [1] : vector<512x128xf32> to vector<512xf32>
    %broadcast_in_dim3A_182 = vector.shape_cast %reduce_sum3A_181 : vector<512xf32> to vector<512x1xf32>
    %div3A_183 = arith.constant 1.280000e+02 : f32
    %div3A_184 = vector.broadcast %div3A_183 : f32 to vector<512x1xf32>
    %div3A_185 = arith.divf %broadcast_in_dim3A_182, %div3A_184 : vector<512x1xf32>
    %sub3A_186 = vector.broadcast %div3A_185 : vector<512x1xf32> to vector<512x128xf32>
    %sub3A_187 = arith.subf %add3A_173, %sub3A_186 : vector<512x128xf32>
    %mul3A_188 = arith.mulf %sub3A_187, %sub3A_187 : vector<512x128xf32>
    %reduce_sum3A_189 = arith.constant dense<0.000000e+00> : vector<512xf32>
    %reduce_sum3A_190 = vector.multi_reduction <add>, %mul3A_188, %reduce_sum3A_189 [1] : vector<512x128xf32> to vector<512xf32>
    %broadcast_in_dim3A_191 = vector.shape_cast %reduce_sum3A_190 : vector<512xf32> to vector<512x1xf32>
    %div3A_192 = arith.constant 1.280000e+02 : f32
    %div3A_193 = vector.broadcast %div3A_192 : f32 to vector<512x1xf32>
    %div3A_194 = arith.divf %broadcast_in_dim3A_191, %div3A_193 : vector<512x1xf32>
    %add3A_195 = arith.constant 9.99999974E-6 : f32
    %add3A_196 = vector.broadcast %add3A_195 : f32 to vector<512x1xf32>
    %add3A_197 = arith.addf %div3A_194, %add3A_196 : vector<512x1xf32>
    %sqrt3A_198 = math.sqrt %add3A_197 : vector<512x1xf32>
    %div3A_199 = vector.broadcast %sqrt3A_198 : vector<512x1xf32> to vector<512x128xf32>
    %div3A_200 = arith.divf %sub3A_187, %div3A_199 : vector<512x128xf32>
    %mul3A_201 = vector.broadcast %get3A_176 : vector<1x128xf32> to vector<512x128xf32>
    %mul3A_202 = arith.mulf %div3A_200, %mul3A_201 : vector<512x128xf32>
    %add3A_203 = vector.broadcast %get3A_179 : vector<1x128xf32> to vector<512x128xf32>
    %add3A_204 = arith.addf %mul3A_202, %add3A_203 : vector<512x128xf32>
    %swap3A = arith.constant 0 : index
    %swap3A_205 = arith.constant 0 : index
    %swap3A_206 = vector.load %arg17[%swap3A, %swap3A_205] : memref<512x128xf32, #tpu.memory_space<vmem>>, vector<512x128xf32>
    tpu.vector_store %arg17[%swap3A, %swap3A_205], %add3A_204 {strides = array<i32>} : memref<512x128xf32, #tpu.memory_space<vmem>>, vector<512x128xf32>,
    return
  }
  func.func @transform_0(%arg0: i32) -> (i32, i32) {
    %c0_i32 = arith.constant 0 : i32
    %c0_i32_0 = arith.constant 0 : i32
    return %arg0, %c0_i32 : i32, i32
  }
  func.func @transform_1(%arg0: i32) -> (i32, i32) {
    %c0_i32 = arith.constant 0 : i32
    %c0_i32_0 = arith.constant 0 : i32
    return %arg0, %c0_i32 : i32, i32
  }
  func.func @transform_2(%arg0: i32) -> (i32, i32) {
    %c0_i32 = arith.constant 0 : i32
    %c0_i32_0 = arith.constant 0 : i32
    %c0_i32_1 = arith.constant 0 : i32
    return %c0_i32, %c0_i32_0 : i32, i32
  }
  func.func @transform_3(%arg0: i32) -> (i32, i32) {
    %c0_i32 = arith.constant 0 : i32
    %c0_i32_0 = arith.constant 0 : i32
    %c0_i32_1 = arith.constant 0 : i32
    return %c0_i32, %c0_i32_0 : i32, i32
  }
  func.func @transform_4(%arg0: i32) -> (i32, i32) {
    %c0_i32 = arith.constant 0 : i32
    %c0_i32_0 = arith.constant 0 : i32
    return %arg0, %c0_i32 : i32, i32
  }
  func.func @transform_5(%arg0: i32) -> (i32, i32) {
    %c0_i32 = arith.constant 0 : i32
    %c0_i32_0 = arith.constant 0 : i32
    %c0_i32_1 = arith.constant 0 : i32
    return %c0_i32, %c0_i32_0 : i32, i32
  }
  func.func @transform_6(%arg0: i32) -> (i32, i32) {
    %c0_i32 = arith.constant 0 : i32
    %c0_i32_0 = arith.constant 0 : i32
    %c0_i32_1 = arith.constant 0 : i32
    return %c0_i32, %c0_i32_0 : i32, i32
  }
  func.func @transform_7(%arg0: i32) -> (i32, i32) {
    %c0_i32 = arith.constant 0 : i32
    %c0_i32_0 = arith.constant 0 : i32
    %c0_i32_1 = arith.constant 0 : i32
    return %c0_i32, %c0_i32_0 : i32, i32
  }
  func.func @transform_8(%arg0: i32) -> (i32, i32) {
    %c0_i32 = arith.constant 0 : i32
    %c0_i32_0 = arith.constant 0 : i32
    %c0_i32_1 = arith.constant 0 : i32
    return %c0_i32, %c0_i32_0 : i32, i32
  }
  func.func @transform_9(%arg0: i32) -> (i32, i32) {
    %c0_i32 = arith.constant 0 : i32
    %c0_i32_0 = arith.constant 0 : i32
    %c0_i32_1 = arith.constant 0 : i32
    return %c0_i32, %c0_i32_0 : i32, i32
  }
  func.func @transform_10(%arg0: i32) -> (i32, i32) {
    %c0_i32 = arith.constant 0 : i32
    %c0_i32_0 = arith.constant 0 : i32
    %c0_i32_1 = arith.constant 0 : i32
    return %c0_i32, %c0_i32_0 : i32, i32
  }
  func.func @transform_11(%arg0: i32) -> (i32, i32) {
    %c0_i32 = arith.constant 0 : i32
    %c0_i32_0 = arith.constant 0 : i32
    %c0_i32_1 = arith.constant 0 : i32
    return %c0_i32, %c0_i32_0 : i32, i32
  }
  func.func @transform_12(%arg0: i32) -> (i32, i32) {
    %c0_i32 = arith.constant 0 : i32
    %c0_i32_0 = arith.constant 0 : i32
    %c0_i32_1 = arith.constant 0 : i32
    return %c0_i32, %c0_i32_0 : i32, i32
  }
  func.func @transform_13(%arg0: i32) -> (i32, i32) {
    %c0_i32 = arith.constant 0 : i32
    %c0_i32_0 = arith.constant 0 : i32
    %c0_i32_1 = arith.constant 0 : i32
    return %c0_i32, %c0_i32_0 : i32, i32
  }
  func.func @transform_14(%arg0: i32) -> (i32, i32) {
    %c0_i32 = arith.constant 0 : i32
    %c0_i32_0 = arith.constant 0 : i32
    %c0_i32_1 = arith.constant 0 : i32
    return %c0_i32, %c0_i32_0 : i32, i32
  }
  func.func @transform_15(%arg0: i32) -> (i32, i32) {
    %c0_i32 = arith.constant 0 : i32
    %c0_i32_0 = arith.constant 0 : i32
    %c0_i32_1 = arith.constant 0 : i32
    return %c0_i32, %c0_i32_0 : i32, i32
  }
  func.func @transform_16(%arg0: i32) -> (i32, i32) {
    %c0_i32 = arith.constant 0 : i32
    %c0_i32_0 = arith.constant 0 : i32
    return %arg0, %c0_i32 : i32, i32
  }
}

</mosaic_0001>

<sc_bundles>
// kernel: kernel.10.cloned.1.call-start
scs
__scs_entry_jumppad:
0x0: {  	(pc) =	sbr.rel $0x88, $3  }
0x1: {  	(tag) =	ssettag $0x0;
	lr =	simm.s32 $0x1  }
0x2: {  	[smem:$0x3F85] =	sst lr;
	_ =	strace $0xD0000000  }
0x3: {  	_ = 	snop  }
0x4: {  	_ = 	snop  }
0x5: {  	_ = 	snop  }
0x6: {  	_ = 	snop  }
0x7: {  	_ = 	snop  }
__scs_overlays_trampoline_lowered:
0x8: {  	[smem:$0x3F94] =	sst s0  }
0x9: {  	[smem:$0x3F95] =	sst s1  }
0xa: {  	[smem:$0x3F96] =	sst s2  }
0xb: {  	[smem:$0x3F97] =	sst s3  }
0xc: {  	[smem:$0x3F98] =	sst s4  }
0xd: {  	[smem:$0x3F99] =	sst s5  }
0xe: {  	[smem:$0x3F9A] =	sst s6  }
0xf: {  	[smem:$0x3F9B] =	sst s7  }
0x10: {  	[smem:$0x3F9C] =	sst s8  }
0x11: {  	[smem:$0x3F9D] =	sst s9;
	s0 =	simm.s32 @!p0 $0x0  }
0x12: {  	s1 =	sld [smem:$0x3F83];
	s0 =	simm.s32 @p0 $0x1  }
0x13: {  	[smem:$0x3F9E] =	sst s0;
	s0 =	simm.s32 @!p1 $0x0  }
0x14: {  	s2 =	sld [smem:$0x3F82];
	s0 =	simm.s32 @p1 $0x1  }
0x15: {  	[smem:$0x3F9F] =	sst s0;
	s0 =	simm.s32 @!p2 $0x0  }
0x16: {  	s3 =	sld [smem:$0x3FDB];
	s0 =	simm.s32 @p2 $0x1  }
0x17: {  	s4 =	simm.s32 $0x1BF5;
	[smem:$0x3FA1] =	sst s0  }
0x18: {  	s0 =	sld [smem:$0x3F84];
	_ =	swait.ge [sflag:s4], $0x0  }
0x19: {  	s7 =	sld [smem:$0x3F85]  }
0x1a: {  	s8 =	sadd.s32 $0xFFFFE003, lr  }
0x1b: {  	s9 =	sadd.s32 $0xFFFFFEF7, lr;
	s5 =	simm.s32 $0xFFFFFFFF;
	p2 =	slt.u32 s8, $0xFFFFF086  }
0x1c: {  	p1 =	slt.u32 s9, $0xF7A;
	s5 =	simm.s32 @!p2 $0x0  }
0x1d: {  	s5 =	simm.s32 @p1 $0x1;
	p0 =	seq.s32 s7, s2  }
0x1e: {  	s7 =	smul.u32 @!p0 $0xF7A, s2;
	p2 =	seq.s32 @!p0 s5, $0x0  }
0x1f: {  	s9 =	smul.u32 $0xF7A, s1;
	s8 =	simm.s32 @!p0 $0x1BF5;
	p2 =	por !p2, p0  }
0x20: {  	[sflag:s8] =	ssyncset.s32 @!p0 $0xFFFFF086;
	s6 =	sadd.s32 @!p0 s3, s7;
	s7 =	simm.s32 @!p0 $0x108  }
0x21: {  	s3 =	sadd.s32 s3, s9;
	s6 =	sadd.s32 @!p0 $0x88, s6;
	s7 =	simm.s32 @p2 $0x1082  }
0x22: {  	[simem:s7], [sflag:s8] =	dma.local @!p0 [hbm:s6], $0xF7A  }
0x23: {  	s9 =	sor.u32 $0xD0000000, s2;
	s6 =	simm.s32 $0x108;
	_ =	swait.ge @!p0 [sflag:s8], $0x0  }
0x24: {  	s3 =	sadd.s32 $0x88, s3;
	s6 =	simm.s32 @!p1 $0x1082;
	[sflag:s4] =	ssyncset.s32 $0xFFFFF086  }
0x25: {  	[simem:s6], [sflag:s4] =	dma.local [hbm:s3], $0xF7A  }
0x26: {  	[smem:$0x3F85] =	sst s1;
	(tag) =	ssettag s2;
	_ =	strace s9  }
0x27: {  	s1 =	sld [smem:$0x3F95]  }
0x28: {  	s2 =	sld [smem:$0x3F96]  }
0x29: {  	s4 =	sld [smem:$0x3F98]  }
0x2a: {  	p0 =	seq.s32 s5, $0x0;
	s5 =	sld [smem:$0x3F99]  }
0x2b: {  	s6 =	sld [smem:$0x3F9A]  }
0x2c: {  	s7 =	sld [smem:$0x3F9B]  }
0x2d: {  	s3 =	simm.s32 $0x108;
	s8 =	sld [smem:$0x3F9C]  }
0x2e: {  	s3 =	simm.s32 @!p0 $0x1082;
	s9 =	sld [smem:$0x3F9D]  }
0x2f: {  	lr =	sadd.s32 s0, s3;
	s0 =	sld [smem:$0x3F94]  }
0x30: {  	s3 =	sld [smem:$0x3F97]  }
0x31: {  	[smem:$0x3FA0] =	sst s10  }
0x32: {  	s10 =	sld [smem:$0x3F9E];
	_ =	sdelay $0x3  }
0x33: {  	p0 =	seq.s32 s10, $0x1;
	s10 =	sld [smem:$0x3FA0];
	_ =	sdelay $0x3  }
0x34: {  	[smem:$0x3FA0] =	sst s10  }
0x35: {  	s10 =	sld [smem:$0x3F9F];
	_ =	sdelay $0x3  }
0x36: {  	p1 =	seq.s32 s10, $0x1;
	s10 =	sld [smem:$0x3FA0];
	_ =	sdelay $0x3  }
0x37: {  	[smem:$0x3FA0] =	sst s10  }
0x38: {  	s10 =	sld [smem:$0x3FA1]  }
0x39: {  	_ = 	snop;
	(pc) =	sbr.ind lr, $3  }
0x3a: {  	_ = 	snop  }
0x3b: {  	_ = 	snop  }
0x3c: {  	p2 =	seq.s32 s10, $0x1;
	s10 =	sld [smem:$0x3FA0]  }
0x3d: {  	_ =	shalt  }
0x3e: {  	_ =	shalt  }
0x3f: {  	_ =	shalt  }
0x40: {  	_ =	shalt  }
0x41: {  	_ =	shalt  }
0x42: {  	_ =	shalt  }
0x43: {  	_ =	shalt  }
0x44: {  	_ =	shalt  }
0x45: {  	_ =	shalt  }
0x46: {  	_ =	shalt  }
0x47: {  	_ =	shalt  }
0x48: {  	_ =	shalt  }
0x49: {  	_ =	shalt  }
0x4a: {  	_ =	shalt  }
0x4b: {  	_ =	shalt  }
0x4c: {  	_ =	shalt  }
0x4d: {  	_ =	shalt  }
0x4e: {  	_ =	shalt  }
0x4f: {  	_ =	shalt  }
0x50: {  	_ =	shalt  }
0x51: {  	_ =	shalt  }
0x52: {  	_ =	shalt  }
0x53: {  	_ =	shalt  }
0x54: {  	_ =	shalt  }
0x55: {  	_ =	shalt  }
0x56: {  	_ =	shalt  }
0x57: {  	_ =	shalt  }
0x58: {  	_ =	shalt  }
0x59: {  	_ =	shalt  }
0x5a: {  	_ =	shalt  }
0x5b: {  	_ =	shalt  }
0x5c: {  	_ =	shalt  }
0x5d: {  	_ =	shalt  }
0x5e: {  	_ =	shalt  }
0x5f: {  	_ =	shalt  }
0x60: {  	_ =	shalt  }
0x61: {  	_ =	shalt  }
0x62: {  	_ =	shalt  }
0x63: {  	_ =	shalt  }
0x64: {  	_ =	shalt  }
0x65: {  	_ =	shalt  }
0x66: {  	_ =	shalt  }
0x67: {  	_ =	shalt  }
0x68: {  	_ =	shalt  }
0x69: {  	_ =	shalt  }
0x6a: {  	_ =	shalt  }
0x6b: {  	_ =	shalt  }
0x6c: {  	_ =	shalt  }
0x6d: {  	_ =	shalt  }
0x6e: {  	_ =	shalt  }
0x6f: {  	_ =	shalt  }
0x70: {  	_ =	shalt  }
0x71: {  	_ =	shalt  }
0x72: {  	_ =	shalt  }
0x73: {  	_ =	shalt  }
0x74: {  	_ =	shalt  }
0x75: {  	_ =	shalt  }
0x76: {  	_ =	shalt  }
0x77: {  	_ =	shalt  }
0x78: {  	_ =	shalt  }
0x79: {  	_ =	shalt  }
0x7a: {  	_ =	shalt  }
0x7b: {  	_ =	shalt  }
0x7c: {  	_ =	shalt  }
0x7d: {  	_ =	shalt  }
0x7e: {  	_ =	shalt  }
0x7f: {  	_ =	shalt  }
0x80: {  	_ =	shalt  }
0x81: {  	_ =	shalt  }
0x82: {  	_ =	shalt  }
0x83: {  	_ =	shalt  }
0x84: {  	_ =	shalt  }
0x85: {  	_ =	shalt  }
0x86: {  	_ =	shalt  }
0x87: {  	_ =	shalt  }
.Lfunc_end0:
.L_simem_size_0:
called_computation.1_lowered:
.L_overlay_start_0:
0x88: {  	s2 =	sld [smem:$0x3FD9]  }
0x89: {  	s3 =	sld [smem:$0x3FFE];
	_ =	sdelay $0x1  }
0x8a: {  	s1 =	srdreg.scid  }
0x8b: {  	s0 =	sand.u32 $0x1, s1  }
0x8c: {  	s17 =	sshll.u32 s0, $0xA;
	s2 =	sadd.s32 s3, s2  }
0x8d: {  	s2 =	sadd.s32 s2, s17  }
0x8e: {  	[smem:$0x3FAC] =	sst s2  }
0x8f: {  	_ = 	snop  }
0x90: {  	s2 =	sld [smem:$0x3FD0];
	(tm) =	ssettm $0x1  }
0x91: {  	s18 =	sld [smem:$0x3FFB];
	_ =	sdelay $0x3  }
0x92: {  	_ =	strace s18  }
0x93: {  	s3 =	sld [smem:$0x3FFC];
	_ =	sdelay $0x3  }
0x94: {  	_ =	strace s3  }
0x95: {  	s3 =	sld [smem:$0x3FFD];
	_ =	sdelay $0x3  }
0x96: {  	_ =	strace s3  }
0x97: {  	_ =	strace $0x8FFFFFFF  }
0x98: {  	s19 =	sld [smem:$0x3FDB];
	_ =	sdelay $0x1  }
0x99: {  	s4 =	simm.s32 $_scs_section_size  }
0x9a: {  	s5 =	simm.s32 $_size__tile_overlayer_lowered;
	s6 =	simm.s32 $_tile_overlayer_lowered  }
0x9b: {  	s22 =	simm.s32 $0x1BFF;
	s21 =	sshll.u32 s6, $0x1;
	s3 =	sadd.s32 s4, s19  }
0x9c: {  	s7 =	simm.s32 $0x0;
	s20 =	sshll.u32 s5, $0x1;
	s5 =	sadd.s32 s21, s3  }
0x9d: {  	[timem:s7], [sflag:s22] =	dma.local [hbm:s5], s20  }
0x9e: {  	_ =	swait.ge [sflag:s22], s20  }
0x9f: {  	s4 =	ssub.s32 $0x0, s20;
	[sflag:s22] =	ssyncset.done $0x0  }
0xa0: {  	[sflag:s22] =	ssyncadd.s32 s4;
	_ =	sdelay $0x1  }
0xa1: {  	s23 =	simm.s32 $0x1B8B  }
0xa2: {  	_ =	swait.ge [sflag:s23], $0x1  }
0xa3: {  	[sflag:s23] =	ssyncset.done $0x0  }
0xa4: {  	s25 =	simm.s32 $0x1B8E;
	s24 =	sld [smem:$0x3FFE];
	[sflag:s23] =	ssyncadd.s32 $0xFFFFFFFF  }
0xa5: {  	s26 =	simm.s32 $execute0_lowered;
	[smem:$0x3FD2] =	sst s25  }
0xa6: {  	s5 =	sshll.u32 s26, $0x1;
	_ =	strace $0x80000049;
	[dreg:$0x1] =	wrdreg $0xFFFFFFFF  }
0xa7: {  	s28 =	simm.s32 $_size_execute0_lowered;
	s3 =	sadd.s32 s3, s5;
	[dreg:$0x0] =	wrdreg $0x0  }
0xa8: {  	s5 =	sshll.u32 s28, $0x1;
	[dreg:$0x2] =	wrdreg s3  }
0xa9: {  	[dreg:$0x3] =	wrdreg s5  }
0xaa: {  	[dreg:$0x4] =	wrdreg $0xC0  }
0xab: {  	_ =	task [dreg:s7], $0x5FFFF  }
0xac: {  	[dreg:$0x1] =	wrdreg $0xFFFFFFFF  }
0xad: {  	[dreg:$0x0] =	wrdreg $0x60  }
0xae: {  	[dreg:$0x2] =	wrdreg s24  }
0xaf: {  	[dreg:$0x3] =	wrdreg s2  }
0xb0: {  	[dreg:$0x4] =	wrdreg $0x0  }
0xb1: {  	[dreg:$0x5] =	wrdreg $0x9  }
0xb2: {  	_ =	task.clear_ibuf [dreg:s7], $0x6FFFF;
	_ =	strace $0x90000049  }
0xb3: {  	s29 =	simm.s32 $0x9;
	_ =	strace $0x8000004B  }
0xb4: {  	_ =	swait.ge [sflag:s29], $0x1  }
0xb5: {  	[sflag:s29] =	ssyncadd.s32 $0xFFFFFFFF  }
0xb6: {  	_ =	strace $0x9000004B  }
0xb7: {  	_ =	sfence  }
0xb8: {  	s30 =	sld [smem:$0x0];
	_ =	sdelay $0x2  }
0xb9: {  	s31 =	sshll.u32 s1, $0xD;
	s1 =	sshrl.u32 s1, $0x2  }
0xba: {  	s3 =	sand.u32 $0x4000, s31;
	s1 =	sadd.s32 s1, s30  }
0xbb: {  	s0 =	sor.u32 s3, s0;
	s1 =	sshll.u32 s1, $0x11  }
0xbc: {  	s0 =	sor.u32 s1, s0  }
0xbd: {  	s0 =	sadd.s32 $0x8F2B, s0  }
0xbe: {  	[sflag:s0] =	ssyncadd.remote.s32 $0x1  }
0xbf: {  	_ =	sfence.sel $0xFFFF  }
0xc0: {  	[dreg:$0x0] =	wrdreg $0xFFFFFFFF;
	(pc) =	sbr.abs _section_cstart, $3  }
0xc1: {  	[dreg:$0x1] =	wrdreg $0xFFFFFFFF  }
0xc2: {  	_ =	task.clear_ibuf [dreg:s7], $0x2FFFF;
	_ =	strace $0x9FFFFFFF  }
0xc3: {  	(tm) =	ssettm $0x7FFFFFFF  }
tec
execute0_lowered:
.L_overlay_start_1:
0x0: {  	(tag) =	ssettag $0x1  }
0x1: {  	s0 =	rddreg [dreg:$0x0]  }
0x2: {  	s2 =	rddreg [dreg:$0x1]  }
0x3: {  	s1 =	rddreg [dreg:$0x2];
	s3 =	simm.s32 $0x0  }
0x4: {  	s4 =	srdreg.scid;
	s8 =	stileid.u32;
	s14 =	simm.s32 $0x14800  }
0x5: {  	s15 =	simm.s32 $0x5;
	s16 =	simm.s32 $0x14000;
	s17 =	simm.s32 $0x14400  }
0x6: {  	s18 =	simm.s32 $0x80;
	s28 =	simm.s32 $0x14180;
	s29 =	simm.s32 $0x14500  }
0x7: {  	s30 =	simm.s32 $0x14200;
	s5 =	sand.u32 $0x1, s4;
	s4 =	smul.u32 $0x98, s8  }
0x8: {  	s31 =	simm.s32 $0x14580;
	[smem:$0x7FF] =	sst s3;
	s7 =	smul.u32 $0x2800, s8  }
0x9: {  	s6 =	sshll.u32 s8, $0x3;
	s8 =	smul.u32 $0x50000, s8;
	p0 =	seq.s32 s5, $0x0  }
0xa: {  	s6 =	sor.u32 $0x980, s6;
	_ =	strace $0x8000004A;
	s9 =	smul.u32 $0x28000, s5  }
0xb: {  	s11 =	ssub.s32 $0x2, s5;
	s6 =	smov.u32 @p0 s4;
	s4 =	sadd.s32 $0xEA00, s0  }
0xc: {  	s8 =	sshrl.u32 s8, $0x2;
	s19 =	sshrl.u32 s11, $0x1;
	p0 =	sne.s32 s5, $0x0  }
0xd: {  	s6 =	sshll.u32 s6, $0x4;
	s7 =	sadd.s32 s7, s9;
	s13 =	sadd.s32 s8, s1  }
0xe: {  	s20 =	ssub.s32 s11, s19;
	s19 =	simm.s32 $0x14080;
	s9 =	simm.s32 $0x14700  }
0xf: {  	s11 =	simm.s32 $0x0;
	s8 =	sadd.s32 $0x4000, s13;
	[dreg:$0x4] =	wrdreg s13  }
0x10: {  	s10 =	sadd.s32 s6, s0;
	s21 =	sadd.s32 $0x8000, s13;
	[dreg:$0x5] =	wrdreg s8  }
0x11: {  	s0 =	sadd.s32 s7, s0;
	s22 =	sadd.s32 $0xC000, s13;
	[dreg:$0x6] =	wrdreg s21  }
0x12: {  	s23 =	sadd.s32 $0x10000, s13;
	s24 =	smax.u32 s20, $0x1;
	[dreg:$0x7] =	wrdreg s22  }
0x13: {  	s25 =	sadd.s32 s6, s2;
	s20 =	simm.s32 $0x18800;
	[dreg:$0x8] =	wrdreg s23  }
0x14: {  	s2 =	simm.s32 $0x14600;
	s6 =	simm.s32 $0x14300;
	[dreg:$0xa] =	wrdreg s24  }
0x15: {  	s7 =	simm.s32 $0x14680;
	s0 =	sadd.s32 $0x36A00, s0;
	[dreg:$0xb] =	wrdreg s25  }
0x16: {  	s26 =	sadd.s32 $0x4A00, s10;
	s21 =	simm.s32 $0x1;
	s22 =	simm.s32 $0x3  }
0x17: {  	s23 =	simm.s32 $0x14100;
	s24 =	simm.s32 $0x2;
	s25 =	simm.s32 $0x14480  }
0x18: {  	s8 =	simm.s32 $0x14380;
	s10 =	simm.s32 $0x14780;
	[dreg:$0x9] =	wrdreg s0  }
0x19: {  	v0 =	vimm.f32 $0.0e+00;
	[dreg:$0xc] =	wrdreg s26;
	s26 =	simm.s32 $0x4;
	s0 =	simm.s32 $0x14280  }
.LBB2_1:
0x1a: {  	s5 =	simm.s32 $0x0;
	s12 =	simm.s32 $0x200  }
.LBB2_2:
0x1b: {  	p1 =	sne.s32 s12, $0xFE00;
	[tilespmem:s5+$0x14870] =	vst v0  }
0x1c: {  	[tilespmem:s5+$0x14800] =	vst v0  }
0x1d: {  	[tilespmem:s5+$0x14810] =	vst v0  }
.Ltmp0:
0x1e: {  	[tilespmem:s5+$0x14820] =	vst v0;
	(pc) =	sbr.rel @p1 .LBB2_2-.Ltmp0, $4  }
0x1f: {  	[tilespmem:s5+$0x14830] =	vst v0  }
0x20: {  	[tilespmem:s5+$0x14840] =	vst v0  }
0x21: {  	[tilespmem:s5+$0x14850] =	vst v0  }
0x22: {  	[tilespmem:s5+$0x14860] =	vst v0;
	s5 =	sshra.s32 s12, $0x2;
	s12 =	sadd.s32 $0x200, s12  }
0x23: {  	[tilespmem:s5+$0x14870] =	vst v0  }
0x24: {  	[tilespmem:s5+$0x14800] =	vst v0  }
0x25: {  	[tilespmem:s5+$0x14810] =	vst v0  }
0x26: {  	[tilespmem:s5+$0x14820] =	vst v0  }
0x27: {  	[tilespmem:s5+$0x14830] =	vst v0  }
0x28: {  	[tilespmem:s5+$0x14840] =	vst v0  }
0x29: {  	[tilespmem:s5+$0x14850] =	vst v0  }
0x2a: {  	[dreg:$0xd] =	wrdreg s11;
	[tilespmem:s5+$0x14860] =	vst v0  }
0x2b: {  	[spmem:s13] =	stream.linear.scatter [tilespmem:s14], [sflag:$0x5], $0x4000, $0x38;
	[tilespmem:$0x1C800] =	vst v63  }
0x2c: {  	_ =	swait.ge [sflag:s15], $0x4000  }
0x2d: {  	[sflag:s15] =	ssyncset.done $0x0  }
0x2e: {  	s13 =	rddreg [dreg:$0x5];
	[sflag:s15] =	ssyncadd.s32 $0xFFFFC000  }
0x2f: {  	[spmem:s13] =	stream.linear.scatter [tilespmem:s14], [sflag:$0x5], $0x4000, $0x38;
	[tilespmem:$0x1C800] =	vst v63  }
0x30: {  	_ =	swait.ge [sflag:s15], $0x4000  }
0x31: {  	[sflag:s15] =	ssyncset.done $0x0  }
0x32: {  	s11 =	rddreg [dreg:$0x6];
	[sflag:s15] =	ssyncadd.s32 $0xFFFFC000  }
0x33: {  	[spmem:s11] =	stream.linear.scatter [tilespmem:s14], [sflag:$0x5], $0x4000, $0x38;
	[tilespmem:$0x1C800] =	vst v63  }
0x34: {  	_ =	swait.ge [sflag:s15], $0x4000  }
0x35: {  	[sflag:s15] =	ssyncset.done $0x0  }
0x36: {  	s12 =	rddreg [dreg:$0x7];
	[sflag:s15] =	ssyncadd.s32 $0xFFFFC000  }
0x37: {  	[spmem:s12] =	stream.linear.scatter [tilespmem:s14], [sflag:$0x5], $0x4000, $0x38;
	[tilespmem:$0x1C800] =	vst v63  }
0x38: {  	_ =	swait.ge [sflag:s15], $0x4000  }
0x39: {  	[sflag:s15] =	ssyncset.done $0x0  }
0x3a: {  	s13 =	rddreg [dreg:$0x8];
	[sflag:s15] =	ssyncadd.s32 $0xFFFFC000  }
0x3b: {  	[spmem:s13] =	stream.linear.scatter [tilespmem:s14], [sflag:$0x5], $0x4000, $0x38;
	[tilespmem:$0x1C800] =	vst v63  }
0x3c: {  	_ =	swait.ge [sflag:s15], $0x4000  }
0x3d: {  	[sflag:s15] =	ssyncset.done $0x0  }
0x3e: {  	[sflag:s15] =	ssyncadd.s32 $0xFFFFC000  }
0x3f: {  	[bflag:$0x0] =	sbarrier.arrive $0xFFFF  }
0x40: {  	s13 =	rddreg [dreg:$0xc]  }
0x41: {  	s5 =	simm.s32 $0x0;
	s12 =	rddreg [dreg:$0xb]  }
.LBB2_4:
0x42: {  	[tilespmem:s16], [sflag:$0x5] =	stream.linear.gather [hbm4b:s13+s3], $0x400, $0x38;
	[tilespmem:$0x1C800] =	vst v63  }
0x43: {  	_ =	swait.ge [sflag:s15], $0x400  }
0x44: {  	[sflag:s15] =	ssyncset.done $0x0  }
0x45: {  	[sflag:s15] =	ssyncadd.s32 $0xFFFFFC00  }
0x46: {  	[tilespmem:s17], [sflag:$0x5] =	stream.linear.gather [hbm4b:s12+s3], $0x400, $0x38;
	[tilespmem:$0x1C800] =	vst v63  }
0x47: {  	_ =	swait.ge [sflag:s15], $0x400  }
0x48: {  	[sflag:s15] =	ssyncset.done $0x0  }
0x49: {  	[sflag:s15] =	ssyncadd.s32 $0xFFFFFC00  }
0x4a: {  	[tilespmem:s14], [sflag:$0x1] =	stream.indirect.gather [hbm4b:s4+s18], $0x80, s16, s18, $0xb8;
	[tilespmem:$0x1C800] =	vst v63  }
0x4b: {  	_ = 	snop  }
0x4c: {  	[tilespmem:s20], [sflag:$0x2] =	stream.indirect.gather [hbm4b:s4+s18], $0x80, s19, s18, $0xb8;
	[tilespmem:$0x1C800] =	vst v63  }
0x4d: {  	_ =	swait.ge [sflag:s21], $0x4000  }
0x4e: {  	[sflag:s21] =	ssyncset.done $0x0  }
0x4f: {  	[sflag:s21] =	ssyncadd.s32 $0xFFFFC000  }
0x50: {  	[spmem:s1] =	stream.indirect.scatter.add.f32 [tilespmem:s14], [sflag:$0x3], $0x80, s17, s18, $0xb8;
	[tilespmem:$0x1C800] =	vst v63  }
0x51: {  	_ =	swait.ge [sflag:s22], $0x4000  }
0x52: {  	[sflag:s22] =	ssyncset.done $0x0  }
0x53: {  	[sflag:s22] =	ssyncadd.s32 $0xFFFFC000  }
0x54: {  	[tilespmem:s14], [sflag:$0x1] =	stream.indirect.gather [hbm4b:s4+s18], $0x80, s23, s18, $0xb8;
	[tilespmem:$0x1C800] =	vst v63  }
0x55: {  	_ =	swait.ge [sflag:s24], $0x4000  }
0x56: {  	[sflag:s24] =	ssyncset.done $0x0  }
0x57: {  	[sflag:s24] =	ssyncadd.s32 $0xFFFFC000  }
0x58: {  	[spmem:s1] =	stream.indirect.scatter.add.f32 [tilespmem:s20], [sflag:$0x4], $0x80, s25, s18, $0xb8;
	[tilespmem:$0x1C800] =	vst v63  }
0x59: {  	_ =	swait.ge [sflag:s26], $0x4000  }
0x5a: {  	[sflag:s26] =	ssyncset.done $0x0  }
0x5b: {  	[sflag:s26] =	ssyncadd.s32 $0xFFFFC000  }
0x5c: {  	[tilespmem:s20], [sflag:$0x2] =	stream.indirect.gather [hbm4b:s4+s18], $0x80, s28, s18, $0xb8;
	[tilespmem:$0x1C800] =	vst v63  }
0x5d: {  	_ =	swait.ge [sflag:s21], $0x4000  }
0x5e: {  	[sflag:s21] =	ssyncset.done $0x0  }
0x5f: {  	[sflag:s21] =	ssyncadd.s32 $0xFFFFC000  }
0x60: {  	[spmem:s1] =	stream.indirect.scatter.add.f32 [tilespmem:s14], [sflag:$0x3], $0x80, s29, s18, $0xb8;
	[tilespmem:$0x1C800] =	vst v63  }
0x61: {  	_ =	swait.ge [sflag:s22], $0x4000  }
0x62: {  	[sflag:s22] =	ssyncset.done $0x0  }
0x63: {  	[sflag:s22] =	ssyncadd.s32 $0xFFFFC000  }
0x64: {  	[tilespmem:s14], [sflag:$0x1] =	stream.indirect.gather [hbm4b:s4+s18], $0x80, s30, s18, $0xb8;
	[tilespmem:$0x1C800] =	vst v63  }
0x65: {  	_ =	swait.ge [sflag:s24], $0x4000  }
0x66: {  	[sflag:s24] =	ssyncset.done $0x0  }
0x67: {  	[sflag:s24] =	ssyncadd.s32 $0xFFFFC000  }
0x68: {  	[spmem:s1] =	stream.indirect.scatter.add.f32 [tilespmem:s20], [sflag:$0x4], $0x80, s31, s18, $0xb8;
	[tilespmem:$0x1C800] =	vst v63  }
0x69: {  	_ =	swait.ge [sflag:s26], $0x4000  }
0x6a: {  	[sflag:s26] =	ssyncset.done $0x0  }
0x6b: {  	[sflag:s26] =	ssyncadd.s32 $0xFFFFC000  }
0x6c: {  	[tilespmem:s20], [sflag:$0x2] =	stream.indirect.gather [hbm4b:s4+s18], $0x80, s0, s18, $0xb8;
	[tilespmem:$0x1C800] =	vst v63  }
0x6d: {  	_ =	swait.ge [sflag:s21], $0x4000  }
0x6e: {  	[sflag:s21] =	ssyncset.done $0x0  }
0x6f: {  	[sflag:s21] =	ssyncadd.s32 $0xFFFFC000  }
0x70: {  	[spmem:s1] =	stream.indirect.scatter.add.f32 [tilespmem:s14], [sflag:$0x3], $0x80, s2, s18, $0xb8;
	[tilespmem:$0x1C800] =	vst v63  }
0x71: {  	_ =	swait.ge [sflag:s22], $0x4000  }
0x72: {  	[sflag:s22] =	ssyncset.done $0x0  }
0x73: {  	[sflag:s22] =	ssyncadd.s32 $0xFFFFC000  }
0x74: {  	[tilespmem:s14], [sflag:$0x1] =	stream.indirect.gather [hbm4b:s4+s18], $0x80, s6, s18, $0xb8;
	[tilespmem:$0x1C800] =	vst v63  }
0x75: {  	_ =	swait.ge [sflag:s24], $0x4000  }
0x76: {  	[sflag:s24] =	ssyncset.done $0x0  }
0x77: {  	[sflag:s24] =	ssyncadd.s32 $0xFFFFC000  }
0x78: {  	[spmem:s1] =	stream.indirect.scatter.add.f32 [tilespmem:s20], [sflag:$0x4], $0x80, s7, s18, $0xb8;
	[tilespmem:$0x1C800] =	vst v63  }
0x79: {  	_ =	swait.ge [sflag:s26], $0x4000  }
0x7a: {  	[sflag:s26] =	ssyncset.done $0x0  }
0x7b: {  	[sflag:s26] =	ssyncadd.s32 $0xFFFFC000  }
0x7c: {  	[tilespmem:s20], [sflag:$0x2] =	stream.indirect.gather [hbm4b:s4+s18], $0x80, s8, s18, $0xb8;
	[tilespmem:$0x1C800] =	vst v63  }
0x7d: {  	_ =	swait.ge [sflag:s21], $0x4000  }
0x7e: {  	[sflag:s21] =	ssyncset.done $0x0  }
0x7f: {  	[sflag:s21] =	ssyncadd.s32 $0xFFFFC000  }
0x80: {  	[spmem:s1] =	stream.indirect.scatter.add.f32 [tilespmem:s14], [sflag:$0x3], $0x80, s9, s18, $0xb8;
	[tilespmem:$0x1C800] =	vst v63  }
0x81: {  	_ =	swait.ge [sflag:s24], $0x4000  }
0x82: {  	[sflag:s24] =	ssyncset.done $0x0  }
0x83: {  	p1 =	slt.u32 @!p0 s5, $0x12;
	[sflag:s24] =	ssyncadd.s32 $0xFFFFC000  }
0x84: {  	[spmem:s1] =	stream.indirect.scatter.add.f32 [tilespmem:s20], [sflag:$0x4], $0x80, s10, s18, $0xb8;
	[tilespmem:$0x1C800] =	vst v63  }
0x85: {  	p1 =	por p0, !p1;
	_ =	swait.ge [sflag:s22], $0x4000  }
.Ltmp1:
0x86: {  	[sflag:s22] =	ssyncset.done $0x0;
	(pc) =	sbr.rel @!p1 .LBB2_4-.Ltmp1, $4  }
0x87: {  	[sflag:s22] =	ssyncadd.s32 $0xFFFFC000  }
0x88: {  	_ =	swait.ge [sflag:s26], $0x4000  }
0x89: {  	s5 =	sadd.s32 $0x1, s5;
	[sflag:s26] =	ssyncset.done $0x0  }
0x8a: {  	s13 =	sadd.s32 $0x80, s13;
	s12 =	sadd.s32 $0x80, s12;
	[sflag:s26] =	ssyncadd.s32 $0xFFFFC000  }
0x8b: {  	s5 =	stileid.u32;
	[bflag:$0x0] =	sbarrier.arrive $0xFFFF  }
0x8c: {  	s5 =	sshll.u32 s5, $0x6;
	s13 =	rddreg [dreg:$0x4]  }
0x8d: {  	s11 =	rddreg [dreg:$0x9];
	s5 =	sor.u32 $0x1C05, s5;
	s12 =	sshrl.u32 s13, $0x3  }
0x8e: {  	[hbm:s11], [sflag:s5] =	dma.local [spmem:s12], $0x2800  }
0x8f: {  	_ =	swait.ge [sflag:s15], $0x2800  }
0x90: {  	s5 =	rddreg [dreg:$0xd]  }
0x91: {  	s12 =	rddreg [dreg:$0xa];
	s11 =	sadd.s32 $0x1, s5  }
0x92: {  	p1 =	sne.s32 s11, s12  }
.Ltmp2:
0x93: {  	_ = 	snop;
	(pc) =	sbr.rel @p1 .LBB2_1-.Ltmp2, $3  }
0x94: {  	_ =	sdelay $0x1  }
0x95: {  	[sflag:s15] =	ssyncset.done $0x0  }
0x96: {  	[sflag:s15] =	ssyncadd.s32 $0xFFFFD800  }
0x97: {  	_ =	sfence.sel $0x180000  }
0x98: {  	[bflag:$0x0] =	sbarrier.arrive $0xFFFF  }
0x99: {  	_ =	strace $0x9000004A  }
0x9a: {  	s0 =	stileid.u32;
	[bflag:$0x2] =	sbarrier.arrive $0xFFFF  }
0x9b: {  	p0 =	sne.s32 s0, $0x0;
	s0 =	rddreg [dreg:$0x3]  }
0x9c: {  	s0 =	sadd.s32 @!p0 $0x100000, s0  }
0x9d: {  	[sflag:s0] =	ssyncadd.tile.s32 @!p0 $0x1;
	_ =	shalt  }
.Lfunc_end2:
_tile_overlayer_lowered:
.L_overlay_start_2:
0x9e: {  	(tag) =	ssettag $0x2  }
0x9f: {  	s0 =	rddreg [dreg:$0x0];
	s2 =	stileid.u32  }
0xa0: {  	s1 =	rddreg [dreg:$0x1];
	p0 =	sne.s32 s2, $0x0  }
0xa1: {  	s3 =	rddreg [dreg:$0x2];
	[bflag:$0x3] =	sbarrier.arrive $0xFFFF;
	s2 =	simm.s32 @!p0 $0x1C05  }
0xa2: {  	[timem:s3], [sflag:s2] =	dma.local @!p0 [hbm:s0], s1  }
0xa3: {  	s0 =	simm.s32 @!p0 $0x5  }
0xa4: {  	_ =	swait.ge @!p0 [sflag:s0], s1  }
0xa5: {  	s1 =	ssub.s32 @!p0 $0x0, s1;
	[sflag:s0] =	ssyncset.done @!p0 $0x0  }
0xa6: {  	[sflag:s0] =	ssyncadd.s32 @!p0 s1  }
0xa7: {  	[bflag:$0x3] =	sbarrier.arrive $0xFFFF  }
0xa8: {  	_ =	shalt  }

// kernel: kernel.7.cloned.1.call-start
scs
__scs_entry_jumppad:
0x0: {  	(pc) =	sbr.rel $0x88, $3  }
0x1: {  	(tag) =	ssettag $0x0;
	lr =	simm.s32 $0x1  }
0x2: {  	[smem:$0x3F85] =	sst lr;
	_ =	strace $0xD0000000  }
0x3: {  	_ = 	snop  }
0x4: {  	_ = 	snop  }
0x5: {  	_ = 	snop  }
0x6: {  	_ = 	snop  }
0x7: {  	_ = 	snop  }
__scs_overlays_trampoline_lowered:
0x8: {  	[smem:$0x3F94] =	sst s0  }
0x9: {  	[smem:$0x3F95] =	sst s1  }
0xa: {  	[smem:$0x3F96] =	sst s2  }
0xb: {  	[smem:$0x3F97] =	sst s3  }
0xc: {  	[smem:$0x3F98] =	sst s4  }
0xd: {  	[smem:$0x3F99] =	sst s5  }
0xe: {  	[smem:$0x3F9A] =	sst s6  }
0xf: {  	[smem:$0x3F9B] =	sst s7  }
0x10: {  	[smem:$0x3F9C] =	sst s8  }
0x11: {  	[smem:$0x3F9D] =	sst s9;
	s0 =	simm.s32 @!p0 $0x0  }
0x12: {  	s1 =	sld [smem:$0x3F83];
	s0 =	simm.s32 @p0 $0x1  }
0x13: {  	[smem:$0x3F9E] =	sst s0;
	s0 =	simm.s32 @!p1 $0x0  }
0x14: {  	s2 =	sld [smem:$0x3F82];
	s0 =	simm.s32 @p1 $0x1  }
0x15: {  	[smem:$0x3F9F] =	sst s0;
	s0 =	simm.s32 @!p2 $0x0  }
0x16: {  	s3 =	sld [smem:$0x3FDB];
	s0 =	simm.s32 @p2 $0x1  }
0x17: {  	s4 =	simm.s32 $0x1BF5;
	[smem:$0x3FA1] =	sst s0  }
0x18: {  	s0 =	sld [smem:$0x3F84];
	_ =	swait.ge [sflag:s4], $0x0  }
0x19: {  	s7 =	sld [smem:$0x3F85]  }
0x1a: {  	s8 =	sadd.s32 $0xFFFFE003, lr  }
0x1b: {  	s9 =	sadd.s32 $0xFFFFFEF7, lr;
	s5 =	simm.s32 $0xFFFFFFFF;
	p2 =	slt.u32 s8, $0xFFFFF086  }
0x1c: {  	p1 =	slt.u32 s9, $0xF7A;
	s5 =	simm.s32 @!p2 $0x0  }
0x1d: {  	s5 =	simm.s32 @p1 $0x1;
	p0 =	seq.s32 s7, s2  }
0x1e: {  	s7 =	smul.u32 @!p0 $0xF7A, s2;
	p2 =	seq.s32 @!p0 s5, $0x0  }
0x1f: {  	s9 =	smul.u32 $0xF7A, s1;
	s8 =	simm.s32 @!p0 $0x1BF5;
	p2 =	por !p2, p0  }
0x20: {  	[sflag:s8] =	ssyncset.s32 @!p0 $0xFFFFF086;
	s6 =	sadd.s32 @!p0 s3, s7;
	s7 =	simm.s32 @!p0 $0x108  }
0x21: {  	s3 =	sadd.s32 s3, s9;
	s6 =	sadd.s32 @!p0 $0x88, s6;
	s7 =	simm.s32 @p2 $0x1082  }
0x22: {  	[simem:s7], [sflag:s8] =	dma.local @!p0 [hbm:s6], $0xF7A  }
0x23: {  	s9 =	sor.u32 $0xD0000000, s2;
	s6 =	simm.s32 $0x108;
	_ =	swait.ge @!p0 [sflag:s8], $0x0  }
0x24: {  	s3 =	sadd.s32 $0x88, s3;
	s6 =	simm.s32 @!p1 $0x1082;
	[sflag:s4] =	ssyncset.s32 $0xFFFFF086  }
0x25: {  	[simem:s6], [sflag:s4] =	dma.local [hbm:s3], $0xF7A  }
0x26: {  	[smem:$0x3F85] =	sst s1;
	(tag) =	ssettag s2;
	_ =	strace s9  }
0x27: {  	s1 =	sld [smem:$0x3F95]  }
0x28: {  	s2 =	sld [smem:$0x3F96]  }
0x29: {  	s4 =	sld [smem:$0x3F98]  }
0x2a: {  	p0 =	seq.s32 s5, $0x0;
	s5 =	sld [smem:$0x3F99]  }
0x2b: {  	s6 =	sld [smem:$0x3F9A]  }
0x2c: {  	s7 =	sld [smem:$0x3F9B]  }
0x2d: {  	s3 =	simm.s32 $0x108;
	s8 =	sld [smem:$0x3F9C]  }
0x2e: {  	s3 =	simm.s32 @!p0 $0x1082;
	s9 =	sld [smem:$0x3F9D]  }
0x2f: {  	lr =	sadd.s32 s0, s3;
	s0 =	sld [smem:$0x3F94]  }
0x30: {  	s3 =	sld [smem:$0x3F97]  }
0x31: {  	[smem:$0x3FA0] =	sst s10  }
0x32: {  	s10 =	sld [smem:$0x3F9E];
	_ =	sdelay $0x3  }
0x33: {  	p0 =	seq.s32 s10, $0x1;
	s10 =	sld [smem:$0x3FA0];
	_ =	sdelay $0x3  }
0x34: {  	[smem:$0x3FA0] =	sst s10  }
0x35: {  	s10 =	sld [smem:$0x3F9F];
	_ =	sdelay $0x3  }
0x36: {  	p1 =	seq.s32 s10, $0x1;
	s10 =	sld [smem:$0x3FA0];
	_ =	sdelay $0x3  }
0x37: {  	[smem:$0x3FA0] =	sst s10  }
0x38: {  	s10 =	sld [smem:$0x3FA1]  }
0x39: {  	_ = 	snop;
	(pc) =	sbr.ind lr, $3  }
0x3a: {  	_ = 	snop  }
0x3b: {  	_ = 	snop  }
0x3c: {  	p2 =	seq.s32 s10, $0x1;
	s10 =	sld [smem:$0x3FA0]  }
0x3d: {  	_ =	shalt  }
0x3e: {  	_ =	shalt  }
0x3f: {  	_ =	shalt  }
0x40: {  	_ =	shalt  }
0x41: {  	_ =	shalt  }
0x42: {  	_ =	shalt  }
0x43: {  	_ =	shalt  }
0x44: {  	_ =	shalt  }
0x45: {  	_ =	shalt  }
0x46: {  	_ =	shalt  }
0x47: {  	_ =	shalt  }
0x48: {  	_ =	shalt  }
0x49: {  	_ =	shalt  }
0x4a: {  	_ =	shalt  }
0x4b: {  	_ =	shalt  }
0x4c: {  	_ =	shalt  }
0x4d: {  	_ =	shalt  }
0x4e: {  	_ =	shalt  }
0x4f: {  	_ =	shalt  }
0x50: {  	_ =	shalt  }
0x51: {  	_ =	shalt  }
0x52: {  	_ =	shalt  }
0x53: {  	_ =	shalt  }
0x54: {  	_ =	shalt  }
0x55: {  	_ =	shalt  }
0x56: {  	_ =	shalt  }
0x57: {  	_ =	shalt  }
0x58: {  	_ =	shalt  }
0x59: {  	_ =	shalt  }
0x5a: {  	_ =	shalt  }
0x5b: {  	_ =	shalt  }
0x5c: {  	_ =	shalt  }
0x5d: {  	_ =	shalt  }
0x5e: {  	_ =	shalt  }
0x5f: {  	_ =	shalt  }
0x60: {  	_ =	shalt  }
0x61: {  	_ =	shalt  }
0x62: {  	_ =	shalt  }
0x63: {  	_ =	shalt  }
0x64: {  	_ =	shalt  }
0x65: {  	_ =	shalt  }
0x66: {  	_ =	shalt  }
0x67: {  	_ =	shalt  }
0x68: {  	_ =	shalt  }
0x69: {  	_ =	shalt  }
0x6a: {  	_ =	shalt  }
0x6b: {  	_ =	shalt  }
0x6c: {  	_ =	shalt  }
0x6d: {  	_ =	shalt  }
0x6e: {  	_ =	shalt  }
0x6f: {  	_ =	shalt  }
0x70: {  	_ =	shalt  }
0x71: {  	_ =	shalt  }
0x72: {  	_ =	shalt  }
0x73: {  	_ =	shalt  }
0x74: {  	_ =	shalt  }
0x75: {  	_ =	shalt  }
0x76: {  	_ =	shalt  }
0x77: {  	_ =	shalt  }
0x78: {  	_ =	shalt  }
0x79: {  	_ =	shalt  }
0x7a: {  	_ =	shalt  }
0x7b: {  	_ =	shalt  }
0x7c: {  	_ =	shalt  }
0x7d: {  	_ =	shalt  }
0x7e: {  	_ =	shalt  }
0x7f: {  	_ =	shalt  }
0x80: {  	_ =	shalt  }
0x81: {  	_ =	shalt  }
0x82: {  	_ =	shalt  }
0x83: {  	_ =	shalt  }
0x84: {  	_ =	shalt  }
0x85: {  	_ =	shalt  }
0x86: {  	_ =	shalt  }
0x87: {  	_ =	shalt  }
.Lfunc_end0:
.L_simem_size_0:
called_computation_lowered:
.L_overlay_start_0:
0x88: {  	s2 =	sld [smem:$0x3FD9]  }
0x89: {  	s3 =	sld [smem:$0x3FFE];
	_ =	sdelay $0x1  }
0x8a: {  	s1 =	srdreg.scid  }
0x8b: {  	s0 =	sand.u32 $0x1, s1  }
0x8c: {  	s17 =	sshll.u32 s0, $0xA;
	s2 =	sadd.s32 s3, s2  }
0x8d: {  	s2 =	sadd.s32 s2, s17  }
0x8e: {  	[smem:$0x3FAC] =	sst s2  }
0x8f: {  	_ = 	snop  }
0x90: {  	s2 =	sld [smem:$0x3FD0];
	(tm) =	ssettm $0x1  }
0x91: {  	s18 =	sld [smem:$0x3FFB];
	_ =	sdelay $0x3  }
0x92: {  	_ =	strace s18  }
0x93: {  	s3 =	sld [smem:$0x3FFC];
	_ =	sdelay $0x3  }
0x94: {  	_ =	strace s3  }
0x95: {  	s3 =	sld [smem:$0x3FFD];
	_ =	sdelay $0x3  }
0x96: {  	_ =	strace s3  }
0x97: {  	_ =	strace $0x8FFFFFFF  }
0x98: {  	s19 =	sld [smem:$0x3FDB];
	_ =	sdelay $0x1  }
0x99: {  	s4 =	simm.s32 $_scs_section_size  }
0x9a: {  	s5 =	simm.s32 $_size__tile_overlayer_lowered;
	s6 =	simm.s32 $_tile_overlayer_lowered  }
0x9b: {  	s22 =	simm.s32 $0x1BFF;
	s21 =	sshll.u32 s6, $0x1;
	s3 =	sadd.s32 s4, s19  }
0x9c: {  	s7 =	simm.s32 $0x0;
	s20 =	sshll.u32 s5, $0x1;
	s5 =	sadd.s32 s21, s3  }
0x9d: {  	[timem:s7], [sflag:s22] =	dma.local [hbm:s5], s20  }
0x9e: {  	_ =	swait.ge [sflag:s22], s20  }
0x9f: {  	s4 =	ssub.s32 $0x0, s20;
	[sflag:s22] =	ssyncset.done $0x0  }
0xa0: {  	[sflag:s22] =	ssyncadd.s32 s4;
	_ =	sdelay $0x1  }
0xa1: {  	s23 =	simm.s32 $0x1B8B  }
0xa2: {  	_ =	swait.ge [sflag:s23], $0x1  }
0xa3: {  	[sflag:s23] =	ssyncset.done $0x0  }
0xa4: {  	s25 =	simm.s32 $0x1B8E;
	s24 =	sld [smem:$0x3FFE];
	[sflag:s23] =	ssyncadd.s32 $0xFFFFFFFF  }
0xa5: {  	s26 =	simm.s32 $execute0_lowered;
	[smem:$0x3FD2] =	sst s25  }
0xa6: {  	s5 =	sshll.u32 s26, $0x1;
	_ =	strace $0x80000046;
	[dreg:$0x1] =	wrdreg $0xFFFFFFFF  }
0xa7: {  	s28 =	simm.s32 $_size_execute0_lowered;
	s3 =	sadd.s32 s3, s5;
	[dreg:$0x0] =	wrdreg $0x0  }
0xa8: {  	s5 =	sshll.u32 s28, $0x1;
	[dreg:$0x2] =	wrdreg s3  }
0xa9: {  	[dreg:$0x3] =	wrdreg s5  }
0xaa: {  	[dreg:$0x4] =	wrdreg $0xC0  }
0xab: {  	_ =	task [dreg:s7], $0x5FFFF  }
0xac: {  	[dreg:$0x1] =	wrdreg $0xFFFFFFFF  }
0xad: {  	[dreg:$0x0] =	wrdreg $0x60  }
0xae: {  	[dreg:$0x2] =	wrdreg s24  }
0xaf: {  	[dreg:$0x3] =	wrdreg s2  }
0xb0: {  	[dreg:$0x4] =	wrdreg $0x0  }
0xb1: {  	[dreg:$0x5] =	wrdreg $0x9  }
0xb2: {  	_ =	task.clear_ibuf [dreg:s7], $0x6FFFF;
	_ =	strace $0x90000046  }
0xb3: {  	s29 =	simm.s32 $0x9;
	_ =	strace $0x80000048  }
0xb4: {  	_ =	swait.ge [sflag:s29], $0x1  }
0xb5: {  	[sflag:s29] =	ssyncadd.s32 $0xFFFFFFFF  }
0xb6: {  	_ =	strace $0x90000048  }
0xb7: {  	_ =	sfence  }
0xb8: {  	s30 =	sld [smem:$0x0];
	_ =	sdelay $0x2  }
0xb9: {  	s31 =	sshll.u32 s1, $0xD;
	s1 =	sshrl.u32 s1, $0x2  }
0xba: {  	s3 =	sand.u32 $0x4000, s31;
	s1 =	sadd.s32 s1, s30  }
0xbb: {  	s0 =	sor.u32 s3, s0;
	s1 =	sshll.u32 s1, $0x11  }
0xbc: {  	s0 =	sor.u32 s1, s0  }
0xbd: {  	s0 =	sadd.s32 $0x8F2B, s0  }
0xbe: {  	[sflag:s0] =	ssyncadd.remote.s32 $0x1  }
0xbf: {  	_ =	sfence.sel $0xFFFF  }
0xc0: {  	[dreg:$0x0] =	wrdreg $0xFFFFFFFF;
	(pc) =	sbr.abs _section_cstart, $3  }
0xc1: {  	[dreg:$0x1] =	wrdreg $0xFFFFFFFF  }
0xc2: {  	_ =	task.clear_ibuf [dreg:s7], $0x2FFFF;
	_ =	strace $0x9FFFFFFF  }
0xc3: {  	(tm) =	ssettm $0x7FFFFFFF  }
tec
execute0_lowered:
.L_overlay_start_1:
0x0: {  	(tag) =	ssettag $0x1  }
0x1: {  	s0 =	rddreg [dreg:$0x0]  }
0x2: {  	s2 =	rddreg [dreg:$0x1]  }
0x3: {  	s1 =	rddreg [dreg:$0x2];
	s3 =	simm.s32 $0x0  }
0x4: {  	s4 =	srdreg.scid;
	s8 =	stileid.u32;
	s14 =	simm.s32 $0x14800  }
0x5: {  	s15 =	simm.s32 $0x5;
	s16 =	simm.s32 $0x14000;
	s17 =	simm.s32 $0x14400  }
0x6: {  	s18 =	simm.s32 $0x80;
	s28 =	simm.s32 $0x14180;
	s29 =	simm.s32 $0x14500  }
0x7: {  	s30 =	simm.s32 $0x14200;
	s5 =	sand.u32 $0x1, s4;
	s4 =	smul.u32 $0x98, s8  }
0x8: {  	s31 =	simm.s32 $0x14580;
	[smem:$0x7FF] =	sst s3;
	s7 =	smul.u32 $0x2800, s8  }
0x9: {  	s6 =	sshll.u32 s8, $0x3;
	s8 =	smul.u32 $0x50000, s8;
	p0 =	seq.s32 s5, $0x0  }
0xa: {  	s6 =	sor.u32 $0x980, s6;
	_ =	strace $0x80000047;
	s9 =	smul.u32 $0x28000, s5  }
0xb: {  	s11 =	ssub.s32 $0x2, s5;
	s6 =	smov.u32 @p0 s4;
	s4 =	sadd.s32 $0xEA00, s0  }
0xc: {  	s8 =	sshrl.u32 s8, $0x2;
	s19 =	sshrl.u32 s11, $0x1;
	p0 =	sne.s32 s5, $0x0  }
0xd: {  	s6 =	sshll.u32 s6, $0x4;
	s7 =	sadd.s32 s7, s9;
	s13 =	sadd.s32 s8, s1  }
0xe: {  	s20 =	ssub.s32 s11, s19;
	s19 =	simm.s32 $0x14080;
	s9 =	simm.s32 $0x14700  }
0xf: {  	s11 =	simm.s32 $0x0;
	s8 =	sadd.s32 $0x4000, s13;
	[dreg:$0x4] =	wrdreg s13  }
0x10: {  	s10 =	sadd.s32 s6, s0;
	s21 =	sadd.s32 $0x8000, s13;
	[dreg:$0x5] =	wrdreg s8  }
0x11: {  	s0 =	sadd.s32 s7, s0;
	s22 =	sadd.s32 $0xC000, s13;
	[dreg:$0x6] =	wrdreg s21  }
0x12: {  	s23 =	sadd.s32 $0x10000, s13;
	s24 =	smax.u32 s20, $0x1;
	[dreg:$0x7] =	wrdreg s22  }
0x13: {  	s25 =	sadd.s32 s6, s2;
	s20 =	simm.s32 $0x18800;
	[dreg:$0x8] =	wrdreg s23  }
0x14: {  	s2 =	simm.s32 $0x14600;
	s6 =	simm.s32 $0x14300;
	[dreg:$0xa] =	wrdreg s24  }
0x15: {  	s7 =	simm.s32 $0x14680;
	s0 =	sadd.s32 $0x36A00, s0;
	[dreg:$0xb] =	wrdreg s25  }
0x16: {  	s26 =	sadd.s32 $0x4A00, s10;
	s21 =	simm.s32 $0x1;
	s22 =	simm.s32 $0x3  }
0x17: {  	s23 =	simm.s32 $0x14100;
	s24 =	simm.s32 $0x2;
	s25 =	simm.s32 $0x14480  }
0x18: {  	s8 =	simm.s32 $0x14380;
	s10 =	simm.s32 $0x14780;
	[dreg:$0x9] =	wrdreg s0  }
0x19: {  	v0 =	vimm.f32 $0.0e+00;
	[dreg:$0xc] =	wrdreg s26;
	s26 =	simm.s32 $0x4;
	s0 =	simm.s32 $0x14280  }
.LBB2_1:
0x1a: {  	s5 =	simm.s32 $0x0;
	s12 =	simm.s32 $0x200  }
.LBB2_2:
0x1b: {  	p1 =	sne.s32 s12, $0xFE00;
	[tilespmem:s5+$0x14870] =	vst v0  }
0x1c: {  	[tilespmem:s5+$0x14800] =	vst v0  }
0x1d: {  	[tilespmem:s5+$0x14810] =	vst v0  }
.Ltmp0:
0x1e: {  	[tilespmem:s5+$0x14820] =	vst v0;
	(pc) =	sbr.rel @p1 .LBB2_2-.Ltmp0, $4  }
0x1f: {  	[tilespmem:s5+$0x14830] =	vst v0  }
0x20: {  	[tilespmem:s5+$0x14840] =	vst v0  }
0x21: {  	[tilespmem:s5+$0x14850] =	vst v0  }
0x22: {  	[tilespmem:s5+$0x14860] =	vst v0;
	s5 =	sshra.s32 s12, $0x2;
	s12 =	sadd.s32 $0x200, s12  }
0x23: {  	[tilespmem:s5+$0x14870] =	vst v0  }
0x24: {  	[tilespmem:s5+$0x14800] =	vst v0  }
0x25: {  	[tilespmem:s5+$0x14810] =	vst v0  }
0x26: {  	[tilespmem:s5+$0x14820] =	vst v0  }
0x27: {  	[tilespmem:s5+$0x14830] =	vst v0  }
0x28: {  	[tilespmem:s5+$0x14840] =	vst v0  }
0x29: {  	[tilespmem:s5+$0x14850] =	vst v0  }
0x2a: {  	[dreg:$0xd] =	wrdreg s11;
	[tilespmem:s5+$0x14860] =	vst v0  }
0x2b: {  	[spmem:s13] =	stream.linear.scatter [tilespmem:s14], [sflag:$0x5], $0x4000, $0x38;
	[tilespmem:$0x1C800] =	vst v63  }
0x2c: {  	_ =	swait.ge [sflag:s15], $0x4000  }
0x2d: {  	[sflag:s15] =	ssyncset.done $0x0  }
0x2e: {  	s13 =	rddreg [dreg:$0x5];
	[sflag:s15] =	ssyncadd.s32 $0xFFFFC000  }
0x2f: {  	[spmem:s13] =	stream.linear.scatter [tilespmem:s14], [sflag:$0x5], $0x4000, $0x38;
	[tilespmem:$0x1C800] =	vst v63  }
0x30: {  	_ =	swait.ge [sflag:s15], $0x4000  }
0x31: {  	[sflag:s15] =	ssyncset.done $0x0  }
0x32: {  	s11 =	rddreg [dreg:$0x6];
	[sflag:s15] =	ssyncadd.s32 $0xFFFFC000  }
0x33: {  	[spmem:s11] =	stream.linear.scatter [tilespmem:s14], [sflag:$0x5], $0x4000, $0x38;
	[tilespmem:$0x1C800] =	vst v63  }
0x34: {  	_ =	swait.ge [sflag:s15], $0x4000  }
0x35: {  	[sflag:s15] =	ssyncset.done $0x0  }
0x36: {  	s12 =	rddreg [dreg:$0x7];
	[sflag:s15] =	ssyncadd.s32 $0xFFFFC000  }
0x37: {  	[spmem:s12] =	stream.linear.scatter [tilespmem:s14], [sflag:$0x5], $0x4000, $0x38;
	[tilespmem:$0x1C800] =	vst v63  }
0x38: {  	_ =	swait.ge [sflag:s15], $0x4000  }
0x39: {  	[sflag:s15] =	ssyncset.done $0x0  }
0x3a: {  	s13 =	rddreg [dreg:$0x8];
	[sflag:s15] =	ssyncadd.s32 $0xFFFFC000  }
0x3b: {  	[spmem:s13] =	stream.linear.scatter [tilespmem:s14], [sflag:$0x5], $0x4000, $0x38;
	[tilespmem:$0x1C800] =	vst v63  }
0x3c: {  	_ =	swait.ge [sflag:s15], $0x4000  }
0x3d: {  	[sflag:s15] =	ssyncset.done $0x0  }
0x3e: {  	[sflag:s15] =	ssyncadd.s32 $0xFFFFC000  }
0x3f: {  	[bflag:$0x0] =	sbarrier.arrive $0xFFFF  }
0x40: {  	s13 =	rddreg [dreg:$0xc]  }
0x41: {  	s5 =	simm.s32 $0x0;
	s12 =	rddreg [dreg:$0xb]  }
.LBB2_4:
0x42: {  	[tilespmem:s16], [sflag:$0x5] =	stream.linear.gather [hbm4b:s13+s3], $0x400, $0x38;
	[tilespmem:$0x1C800] =	vst v63  }
0x43: {  	_ =	swait.ge [sflag:s15], $0x400  }
0x44: {  	[sflag:s15] =	ssyncset.done $0x0  }
0x45: {  	[sflag:s15] =	ssyncadd.s32 $0xFFFFFC00  }
0x46: {  	[tilespmem:s17], [sflag:$0x5] =	stream.linear.gather [hbm4b:s12+s3], $0x400, $0x38;
	[tilespmem:$0x1C800] =	vst v63  }
0x47: {  	_ =	swait.ge [sflag:s15], $0x400  }
0x48: {  	[sflag:s15] =	ssyncset.done $0x0  }
0x49: {  	[sflag:s15] =	ssyncadd.s32 $0xFFFFFC00  }
0x4a: {  	[tilespmem:s14], [sflag:$0x1] =	stream.indirect.gather [hbm4b:s4+s18], $0x80, s16, s18, $0xb8;
	[tilespmem:$0x1C800] =	vst v63  }
0x4b: {  	_ = 	snop  }
0x4c: {  	[tilespmem:s20], [sflag:$0x2] =	stream.indirect.gather [hbm4b:s4+s18], $0x80, s19, s18, $0xb8;
	[tilespmem:$0x1C800] =	vst v63  }
0x4d: {  	_ =	swait.ge [sflag:s21], $0x4000  }
0x4e: {  	[sflag:s21] =	ssyncset.done $0x0  }
0x4f: {  	[sflag:s21] =	ssyncadd.s32 $0xFFFFC000  }
0x50: {  	[spmem:s1] =	stream.indirect.scatter.add.f32 [tilespmem:s14], [sflag:$0x3], $0x80, s17, s18, $0xb8;
	[tilespmem:$0x1C800] =	vst v63  }
0x51: {  	_ =	swait.ge [sflag:s22], $0x4000  }
0x52: {  	[sflag:s22] =	ssyncset.done $0x0  }
0x53: {  	[sflag:s22] =	ssyncadd.s32 $0xFFFFC000  }
0x54: {  	[tilespmem:s14], [sflag:$0x1] =	stream.indirect.gather [hbm4b:s4+s18], $0x80, s23, s18, $0xb8;
	[tilespmem:$0x1C800] =	vst v63  }
0x55: {  	_ =	swait.ge [sflag:s24], $0x4000  }
0x56: {  	[sflag:s24] =	ssyncset.done $0x0  }
0x57: {  	[sflag:s24] =	ssyncadd.s32 $0xFFFFC000  }
0x58: {  	[spmem:s1] =	stream.indirect.scatter.add.f32 [tilespmem:s20], [sflag:$0x4], $0x80, s25, s18, $0xb8;
	[tilespmem:$0x1C800] =	vst v63  }
0x59: {  	_ =	swait.ge [sflag:s26], $0x4000  }
0x5a: {  	[sflag:s26] =	ssyncset.done $0x0  }
0x5b: {  	[sflag:s26] =	ssyncadd.s32 $0xFFFFC000  }
0x5c: {  	[tilespmem:s20], [sflag:$0x2] =	stream.indirect.gather [hbm4b:s4+s18], $0x80, s28, s18, $0xb8;
	[tilespmem:$0x1C800] =	vst v63  }
0x5d: {  	_ =	swait.ge [sflag:s21], $0x4000  }
0x5e: {  	[sflag:s21] =	ssyncset.done $0x0  }
0x5f: {  	[sflag:s21] =	ssyncadd.s32 $0xFFFFC000  }
0x60: {  	[spmem:s1] =	stream.indirect.scatter.add.f32 [tilespmem:s14], [sflag:$0x3], $0x80, s29, s18, $0xb8;
	[tilespmem:$0x1C800] =	vst v63  }
0x61: {  	_ =	swait.ge [sflag:s22], $0x4000  }
0x62: {  	[sflag:s22] =	ssyncset.done $0x0  }
0x63: {  	[sflag:s22] =	ssyncadd.s32 $0xFFFFC000  }
0x64: {  	[tilespmem:s14], [sflag:$0x1] =	stream.indirect.gather [hbm4b:s4+s18], $0x80, s30, s18, $0xb8;
	[tilespmem:$0x1C800] =	vst v63  }
0x65: {  	_ =	swait.ge [sflag:s24], $0x4000  }
0x66: {  	[sflag:s24] =	ssyncset.done $0x0  }
0x67: {  	[sflag:s24] =	ssyncadd.s32 $0xFFFFC000  }
0x68: {  	[spmem:s1] =	stream.indirect.scatter.add.f32 [tilespmem:s20], [sflag:$0x4], $0x80, s31, s18, $0xb8;
	[tilespmem:$0x1C800] =	vst v63  }
0x69: {  	_ =	swait.ge [sflag:s26], $0x4000  }
0x6a: {  	[sflag:s26] =	ssyncset.done $0x0  }
0x6b: {  	[sflag:s26] =	ssyncadd.s32 $0xFFFFC000  }
0x6c: {  	[tilespmem:s20], [sflag:$0x2] =	stream.indirect.gather [hbm4b:s4+s18], $0x80, s0, s18, $0xb8;
	[tilespmem:$0x1C800] =	vst v63  }
0x6d: {  	_ =	swait.ge [sflag:s21], $0x4000  }
0x6e: {  	[sflag:s21] =	ssyncset.done $0x0  }
0x6f: {  	[sflag:s21] =	ssyncadd.s32 $0xFFFFC000  }
0x70: {  	[spmem:s1] =	stream.indirect.scatter.add.f32 [tilespmem:s14], [sflag:$0x3], $0x80, s2, s18, $0xb8;
	[tilespmem:$0x1C800] =	vst v63  }
0x71: {  	_ =	swait.ge [sflag:s22], $0x4000  }
0x72: {  	[sflag:s22] =	ssyncset.done $0x0  }
0x73: {  	[sflag:s22] =	ssyncadd.s32 $0xFFFFC000  }
0x74: {  	[tilespmem:s14], [sflag:$0x1] =	stream.indirect.gather [hbm4b:s4+s18], $0x80, s6, s18, $0xb8;
	[tilespmem:$0x1C800] =	vst v63  }
0x75: {  	_ =	swait.ge [sflag:s24], $0x4000  }
0x76: {  	[sflag:s24] =	ssyncset.done $0x0  }
0x77: {  	[sflag:s24] =	ssyncadd.s32 $0xFFFFC000  }
0x78: {  	[spmem:s1] =	stream.indirect.scatter.add.f32 [tilespmem:s20], [sflag:$0x4], $0x80, s7, s18, $0xb8;
	[tilespmem:$0x1C800] =	vst v63  }
0x79: {  	_ =	swait.ge [sflag:s26], $0x4000  }
0x7a: {  	[sflag:s26] =	ssyncset.done $0x0  }
0x7b: {  	[sflag:s26] =	ssyncadd.s32 $0xFFFFC000  }
0x7c: {  	[tilespmem:s20], [sflag:$0x2] =	stream.indirect.gather [hbm4b:s4+s18], $0x80, s8, s18, $0xb8;
	[tilespmem:$0x1C800] =	vst v63  }
0x7d: {  	_ =	swait.ge [sflag:s21], $0x4000  }
0x7e: {  	[sflag:s21] =	ssyncset.done $0x0  }
0x7f: {  	[sflag:s21] =	ssyncadd.s32 $0xFFFFC000  }
0x80: {  	[spmem:s1] =	stream.indirect.scatter.add.f32 [tilespmem:s14], [sflag:$0x3], $0x80, s9, s18, $0xb8;
	[tilespmem:$0x1C800] =	vst v63  }
0x81: {  	_ =	swait.ge [sflag:s24], $0x4000  }
0x82: {  	[sflag:s24] =	ssyncset.done $0x0  }
0x83: {  	p1 =	slt.u32 @!p0 s5, $0x12;
	[sflag:s24] =	ssyncadd.s32 $0xFFFFC000  }
0x84: {  	[spmem:s1] =	stream.indirect.scatter.add.f32 [tilespmem:s20], [sflag:$0x4], $0x80, s10, s18, $0xb8;
	[tilespmem:$0x1C800] =	vst v63  }
0x85: {  	p1 =	por p0, !p1;
	_ =	swait.ge [sflag:s22], $0x4000  }
.Ltmp1:
0x86: {  	[sflag:s22] =	ssyncset.done $0x0;
	(pc) =	sbr.rel @!p1 .LBB2_4-.Ltmp1, $4  }
0x87: {  	[sflag:s22] =	ssyncadd.s32 $0xFFFFC000  }
0x88: {  	_ =	swait.ge [sflag:s26], $0x4000  }
0x89: {  	s5 =	sadd.s32 $0x1, s5;
	[sflag:s26] =	ssyncset.done $0x0  }
0x8a: {  	s13 =	sadd.s32 $0x80, s13;
	s12 =	sadd.s32 $0x80, s12;
	[sflag:s26] =	ssyncadd.s32 $0xFFFFC000  }
0x8b: {  	s5 =	stileid.u32;
	[bflag:$0x0] =	sbarrier.arrive $0xFFFF  }
0x8c: {  	s5 =	sshll.u32 s5, $0x6;
	s13 =	rddreg [dreg:$0x4]  }
0x8d: {  	s11 =	rddreg [dreg:$0x9];
	s5 =	sor.u32 $0x1C05, s5;
	s12 =	sshrl.u32 s13, $0x3  }
0x8e: {  	[hbm:s11], [sflag:s5] =	dma.local [spmem:s12], $0x2800  }
0x8f: {  	_ =	swait.ge [sflag:s15], $0x2800  }
0x90: {  	s5 =	rddreg [dreg:$0xd]  }
0x91: {  	s12 =	rddreg [dreg:$0xa];
	s11 =	sadd.s32 $0x1, s5  }
0x92: {  	p1 =	sne.s32 s11, s12  }
.Ltmp2:
0x93: {  	_ = 	snop;
	(pc) =	sbr.rel @p1 .LBB2_1-.Ltmp2, $3  }
0x94: {  	_ =	sdelay $0x1  }
0x95: {  	[sflag:s15] =	ssyncset.done $0x0  }
0x96: {  	[sflag:s15] =	ssyncadd.s32 $0xFFFFD800  }
0x97: {  	_ =	sfence.sel $0x180000  }
0x98: {  	[bflag:$0x0] =	sbarrier.arrive $0xFFFF  }
0x99: {  	_ =	strace $0x90000047  }
0x9a: {  	s0 =	stileid.u32;
	[bflag:$0x2] =	sbarrier.arrive $0xFFFF  }
0x9b: {  	p0 =	sne.s32 s0, $0x0;
	s0 =	rddreg [dreg:$0x3]  }
0x9c: {  	s0 =	sadd.s32 @!p0 $0x100000, s0  }
0x9d: {  	[sflag:s0] =	ssyncadd.tile.s32 @!p0 $0x1;
	_ =	shalt  }
.Lfunc_end2:
_tile_overlayer_lowered:
.L_overlay_start_2:
0x9e: {  	(tag) =	ssettag $0x2  }
0x9f: {  	s0 =	rddreg [dreg:$0x0];
	s2 =	stileid.u32  }
0xa0: {  	s1 =	rddreg [dreg:$0x1];
	p0 =	sne.s32 s2, $0x0  }
0xa1: {  	s3 =	rddreg [dreg:$0x2];
	[bflag:$0x3] =	sbarrier.arrive $0xFFFF;
	s2 =	simm.s32 @!p0 $0x1C05  }
0xa2: {  	[timem:s3], [sflag:s2] =	dma.local @!p0 [hbm:s0], s1  }
0xa3: {  	s0 =	simm.s32 @!p0 $0x5  }
0xa4: {  	_ =	swait.ge @!p0 [sflag:s0], s1  }
0xa5: {  	s1 =	ssub.s32 @!p0 $0x0, s1;
	[sflag:s0] =	ssyncset.done @!p0 $0x0  }
0xa6: {  	[sflag:s0] =	ssyncadd.s32 @!p0 s1  }
0xa7: {  	[bflag:$0x3] =	sbarrier.arrive $0xFFFF  }
0xa8: {  	_ =	shalt  }

</sc_bundles>
